<compile_context>
chip_gen: v7x
topology: tpu7x:2x2x1
jax: 0.10.2.dev20260603
libtpu: 0.0.44.dev20260713+nightly
codegen_flags: <defaults>
</compile_context>

<pallas_src>
import functools

import jax
import jax.numpy as jnp
import numpy as np
from jax import lax
from jax.experimental import pallas as pl
from jax.experimental.pallas import tpu as pltpu
from jax.experimental.pallas import tpu_sc as plsc

B = 256
BOARD = 14
PG = BOARD * BOARD
N = B * PG
E = 802816
F0, F1, F2 = 18, 36, 72
A_DIM = 196
H1, H2 = 512, 512
EPS = 1e-5

NC = 2
NS = 16
NW = NC * NS
CH = 128
EPW = E // NW
NCHUNK = EPW // CH
NPT = N // NS

@functools.cache
def _sc_mesh():
  return plsc.VectorSubcoreMesh(
      core_axis_name="c", subcore_axis_name="s", num_cores=NC, num_subcores=NS)


@functools.cache
def _make_deg():
  @functools.partial(
      pl.kernel,
      out_type=jax.ShapeDtypeStruct((NC, N, 1), jnp.float32),
      mesh=_sc_mesh(),
      compiler_params=pltpu.CompilerParams(use_tc_tiling_on_sc=False),
      scratch_types=[
          pltpu.VMEM((NCHUNK, CH), jnp.int32),
          pltpu.VMEM((CH, 1), jnp.float32),
          pltpu.VMEM_SHARED((N, 1), jnp.float32),
      ],
  )
  def deg_kernel(dstw, ones_h, zeros_h, out, dst_v, ones_v, acc):
    c = lax.axis_index("c")
    s = lax.axis_index("s")
    wid = s * NC + c
    pltpu.sync_copy(zeros_h.at[pl.ds(s * NPT, NPT)], acc.at[pl.ds(s * NPT, NPT)])
    pltpu.sync_copy(ones_h, ones_v)
    pltpu.sync_copy(dstw.at[wid], dst_v)
    plsc.subcore_barrier()

    def body(j, carry):
      pltpu.sync_copy(ones_v, acc.at[dst_v.at[j]], add=True)
      return carry

    lax.fori_loop(0, NCHUNK, body, 0)
    plsc.subcore_barrier()
    pltpu.sync_copy(acc.at[pl.ds(s * NPT, NPT)], out.at[c, pl.ds(s * NPT, NPT)])

  return deg_kernel


@functools.cache
def _make_prop(F):
  @functools.partial(
      pl.kernel,
      out_type=jax.ShapeDtypeStruct((NC, N, F), jnp.float32),
      mesh=_sc_mesh(),
      compiler_params=pltpu.CompilerParams(use_tc_tiling_on_sc=False),
      scratch_types=[
          pltpu.VMEM((NCHUNK, CH), jnp.int32),
          pltpu.VMEM((NCHUNK, CH), jnp.int32),
          pltpu.VMEM((CH, F), jnp.float32),
          pltpu.VMEM_SHARED((N, F), jnp.float32),
          pltpu.SemaphoreType.DMA,
      ],
  )
  def prop_kernel(table, srcw, dstw, zeros_h, out, src_v, dst_v, rows,
                  acc, gsem):
    c = lax.axis_index("c")
    s = lax.axis_index("s")
    wid = s * NC + c
    pltpu.sync_copy(zeros_h.at[pl.ds(s * NPT, NPT)], acc.at[pl.ds(s * NPT, NPT)])
    pltpu.sync_copy(srcw.at[wid], src_v)
    pltpu.sync_copy(dstw.at[wid], dst_v)
    plsc.subcore_barrier()

    def body(j, carry):
      pltpu.async_copy(table.at[src_v.at[j]], rows, gsem).wait()
      pltpu.sync_copy(rows, acc.at[dst_v.at[j]], add=True)
      return carry

    lax.fori_loop(0, NCHUNK, body, 0)
    plsc.subcore_barrier()
    pltpu.sync_copy(acc.at[pl.ds(s * NPT, NPT)], out.at[c, pl.ds(s * NPT, NPT)])

  return prop_kernel


def _deg_call(dst3, ones_h, zerosN):
  return _make_deg()(dst3, ones_h, zerosN)


def _prop18(table, src3, dst3, zeros):
  return _make_prop(F0)(table, src3, dst3, zeros)





G = 16
R = G * PG
NBLK = B // G

_Pnp = np.zeros((G, R), np.float32)
for _g in range(G):
  _Pnp[_g, _g * PG:(_g + 1) * PG] = 1.0 / PG
_Penp = np.zeros((R, G), np.float32)
for _g in range(G):
  _Penp[_g * PG:(_g + 1) * PG, _g] = 1.0


def _hmm(a, b):
  return jnp.matmul(a, b, precision=lax.Precision.HIGHEST)


def _tc0_body(xr, er, dg, h0_o, xt0_o, dinv_o):
  xv = xr[...]
  e = er[...]
  h0 = (jnp.where(xv == -1.0, 1.0, 0.0) * e[0:1, :]
        + jnp.where(xv == 0.0, 1.0, 0.0) * e[1:2, :]
        + jnp.where(xv == 1.0, 1.0, 0.0) * e[2:3, :])
  dinv = lax.rsqrt(dg[0] + dg[1] + 1.0)
  h0_o[...] = h0
  xt0_o[...] = h0 * dinv
  dinv_o[...] = dinv


def _tc0_call(xcol, emb_p, degp):
  return pl.pallas_call(
      _tc0_body,
      grid=(NBLK,),
      in_specs=[
          pl.BlockSpec((R, 1), lambda i: (i, 0)),
          pl.BlockSpec((8, F0), lambda i: (0, 0)),
          pl.BlockSpec((NC, R, 1), lambda i: (0, i, 0)),
      ],
      out_specs=[
          pl.BlockSpec((R, F0), lambda i: (i, 0)),
          pl.BlockSpec((R, F0), lambda i: (i, 0)),
          pl.BlockSpec((R, 1), lambda i: (i, 0)),
      ],
      out_shape=[
          jax.ShapeDtypeStruct((N, F0), jnp.float32),
          jax.ShapeDtypeStruct((N, F0), jnp.float32),
          jax.ShapeDtypeStruct((N, 1), jnp.float32),
      ],
  )(xcol, emb_p, degp)


def _post_body(s3, xt, dv, rin, p, pe, W, b, nw, nb, na, rW, rb, *outs):
  xt_outs, resn_o = outs[:-1], outs[-1]
  dinv = dv[...]
  agg = (s3[0] + s3[1] + xt[...]) * dinv
  h = agg @ W[...] + b[...]
  mean = _hmm(p[...], h)
  ctr = h - na[...] * (pe[...] @ mean)
  var = _hmm(p[...], ctr * ctr)
  rstd = lax.rsqrt(var + EPS)
  hn = nw[...] * (ctr * (pe[...] @ rstd)) + nb[...]
  hh = hn + rin[...]
  xtn = hh * dinv
  for i, o in enumerate(xt_outs):
    o[...] = xtn[:, i * F0:(i + 1) * F0]
  resn_o[...] = hh @ rW[...] + rb[...]


def _rows(f):
  return pl.BlockSpec((R, f), lambda i: (i, 0))


def _full(shape):
  return pl.BlockSpec(shape, lambda i: tuple(0 for _ in shape))


def _post_call(Fi, Fo, Fr, s3, xt, dv, rin, p, pe, W, b, nw, nb, na, rW, rb):
  nsplit = Fo // F0
  return pl.pallas_call(
      _post_body,
      grid=(NBLK,),
      in_specs=[
          pl.BlockSpec((NC, R, Fi), lambda i: (0, i, 0)),
          _rows(Fi), _rows(1), _rows(Fo),
          _full((G, R)), _full((R, G)),
          _full((Fi, Fo)), _full((1, Fo)), _full((1, Fo)), _full((1, Fo)),
          _full((1, Fo)), _full((Fo, Fr)), _full((1, Fr)),
      ],
      out_specs=[_rows(F0)] * nsplit + [_rows(Fr)],
      out_shape=[jax.ShapeDtypeStruct((N, F0), jnp.float32)] * nsplit
      + [jax.ShapeDtypeStruct((N, Fr), jnp.float32)],
  )(s3, xt, dv, rin, p, pe, W, b, nw, nb, na, rW, rb)


def _pool_body(s3a, s3b, xta, xtb, dv, rin, p, pe, W, b, nw, nb, na,
               pooled_o):
  dinv = dv[...]
  agga = (s3a[0] + s3a[1] + xta[...]) * dinv
  aggb = (s3b[0] + s3b[1] + xtb[...]) * dinv
  W_ = W[...]
  h = agga @ W_[:F0] + aggb @ W_[F0:] + b[...]
  mean = _hmm(p[...], h)
  ctr = h - na[...] * (pe[...] @ mean)
  var = _hmm(p[...], ctr * ctr)
  rstd = lax.rsqrt(var + EPS)
  hn = nw[...] * (ctr * (pe[...] @ rstd)) + nb[...]
  hh = hn + rin[...]
  pooled_o[...] = _hmm(p[...], hh)


def _pool_call(Fi, Fo, s3a, s3b, xta, xtb, dv, rin, p, pe, W, b, nw, nb, na):
  return pl.pallas_call(
      _pool_body,
      grid=(NBLK,),
      in_specs=[
          pl.BlockSpec((NC, R, F0), lambda i: (0, i, 0)),
          pl.BlockSpec((NC, R, F0), lambda i: (0, i, 0)),
          _rows(F0), _rows(F0),
          _rows(1), _rows(Fo),
          _full((G, R)), _full((R, G)),
          _full((Fi, Fo)), _full((1, Fo)), _full((1, Fo)), _full((1, Fo)),
          _full((1, Fo)),
      ],
      out_specs=[pl.BlockSpec((G, Fo), lambda i: (i, 0))],
      out_shape=[jax.ShapeDtypeStruct((B, Fo), jnp.float32)],
  )(s3a, s3b, xta, xtb, dv, rin, p, pe, W, b, nw, nb, na)[0]


def _mlp_body(pr, ar, w1p, w1a, b1, w2, b2, w3, b3, out_o):
  z = jnp.maximum(pr[...] @ w1p[...] + ar[...] @ w1a[...] + b1[...], 0.0)
  z = jnp.maximum(z @ w2[...] + b2[...], 0.0)
  out_o[...] = z @ w3[...] + b3[...]


def _mlp_call(pooled, a, w1p, w1a, b1, w2, b2, w3, b3):
  return pl.pallas_call(
      _mlp_body,
      out_shape=jax.ShapeDtypeStruct((B, 1), jnp.float32),
  )(pooled, a, w1p, w1a, b1, w2, b2, w3, b3)


def kernel(x, a, edge_index, emb, c1_W, c1_b, c2_W, c2_b, c3_W, c3_b,
           r1_W, r1_b, r2_W, r2_b,
           n1_w, n1_b, n1_a, n2_w, n2_b, n2_a, n3_w, n3_b, n3_a,
           fc1_W, fc1_b, fc2_W, fc2_b, fc3_W, fc3_b):
  ei = edge_index.astype(jnp.int32)
  src3 = ei[0].reshape(NW, NCHUNK, CH)
  dst3 = ei[1].reshape(NW, NCHUNK, CH)
  ones_h = jnp.ones((CH, 1), jnp.float32)
  zerosN = jnp.zeros((N, 1), jnp.float32)
  zeros18 = jnp.zeros((N, F0), jnp.float32)
  p = jnp.asarray(_Pnp)
  pe = jnp.asarray(_Penp)

  degp = _deg_call(dst3, ones_h, zerosN)

  xcol = x.reshape(N, 1)
  emb_p = jnp.zeros((8, F0), jnp.float32).at[:3].set(emb)
  h0, xt0, dinv = _tc0_call(xcol, emb_p, degp)

  r2 = lambda v: v.reshape(1, -1)
  S1 = _prop18(xt0, src3, dst3, zeros18)
  xt1, res1 = _post_call(F0, F0, F1, S1, xt0, dinv, h0, p, pe,
                         c1_W, r2(c1_b), r2(n1_w), r2(n1_b), r2(n1_a),
                         r1_W, r2(r1_b))
  S2 = _prop18(xt1, src3, dst3, zeros18)
  xt2a, xt2b, res2 = _post_call(F0, F1, F2, S2, xt1, dinv, res1,
                                p, pe, c2_W, r2(c2_b), r2(n2_w), r2(n2_b),
                                r2(n2_a), r2_W, r2(r2_b))
  S3a = _prop18(xt2a, src3, dst3, zeros18)
  S3b = _prop18(xt2b, src3, dst3, zeros18)
  pooled = _pool_call(F1, F2, S3a, S3b, xt2a, xt2b, dinv, res2, p, pe,
                      c3_W, r2(c3_b), r2(n3_w), r2(n3_b), r2(n3_a))

  out = _mlp_call(pooled, a, fc1_W[:F2], fc1_W[F2:], r2(fc1_b),
                  fc2_W, r2(fc2_b), fc3_W, r2(fc3_b))
  return out

# --- scband reference (transcript-rebuilt; emitter-appended) ---
"""Pipeline reference for scband-soft-qnetwork-50740743635042 (READ-ONLY COPY).

The authoritative reference and input builder live on the scoring server;
editing this copy changes nothing except your own understanding.
"""

import jax, jax.numpy as jnp
import numpy as np

B = 256
BOARD = 14
N = B * BOARD * BOARD  # 50176
E = 802816
F0, F1, F2 = 18, 36, 72
A_DIM = 196
H1, H2 = 512, 512
EPS = 1e-5


def _sgconv(x, src, dst, W, b):
    # PyG SGConv(K=1): gcn_norm with added self-loops, one propagation, then linear
    n = x.shape[0]
    loop = jnp.arange(n, dtype=src.dtype)
    s = jnp.concatenate([src, loop])
    d = jnp.concatenate([dst, loop])
    deg = jax.ops.segment_sum(jnp.ones(d.shape, x.dtype), d, num_segments=n)
    dinv = jnp.where(deg > 0, jax.lax.rsqrt(jnp.maximum(deg, 1e-12)), 0.0)
    norm = dinv[s] * dinv[d]
    agg = jax.ops.segment_sum(x[s] * norm[:, None], d, num_segments=n)
    return agg @ W + b


def _graphnorm(x, batch, bsz, w, bb, alpha):
    # PyG GraphNorm: out = w * (x - alpha*mean) / sqrt(var + eps) + b, per-graph stats
    cnt = jax.ops.segment_sum(jnp.ones((x.shape[0],), x.dtype), batch, num_segments=bsz)
    mean = jax.ops.segment_sum(x, batch, num_segments=bsz) / cnt[:, None]
    out = x - alpha[None, :] * mean[batch]
    var = jax.ops.segment_sum(out * out, batch, num_segments=bsz) / cnt[:, None]
    std = jnp.sqrt(var + EPS)
    return w[None, :] * out / std[batch] + bb[None, :]


def _lin(k, fin, fout):
    kw, _ = jax.random.split(k)
    W = jax.random.normal(kw, (fin, fout), dtype=jnp.float32) * (1.0 / np.sqrt(fin))
    b = jnp.zeros((fout,), jnp.float32)
    return W, b


def setup_inputs(seed: int = 0):
    key = jax.random.key(seed)
    ks = jax.random.split(key, 16)
    inp = {}
    # board observations in {-1, 0, 1} (float, cast to int inside forward)
    inp["x"] = (jax.random.randint(ks[0], (B, BOARD, BOARD), 0, 3) - 1).astype(jnp.float32)
    inp["a"] = jax.random.normal(ks[1], (B, A_DIM), dtype=jnp.float32)
    inp["edge_index"] = jax.random.randint(ks[2], (2, E), 0, N)
    inp["emb"] = jax.random.normal(ks[3], (3, F0), dtype=jnp.float32)
    inp["c1_W"], inp["c1_b"] = _lin(ks[4], F0, F0)
    inp["c2_W"], inp["c2_b"] = _lin(ks[5], F0, F1)
    inp["c3_W"], inp["c3_b"] = _lin(ks[6], F1, F2)
    inp["r1_W"], inp["r1_b"] = _lin(ks[7], F0, F1)
    inp["r2_W"], inp["r2_b"] = _lin(ks[8], F1, F2)
    for i, f in ((1, F0), (2, F1), (3, F2)):
        inp["n%d_w" % i] = jnp.ones((f,), jnp.float32)
        inp["n%d_b" % i] = jnp.zeros((f,), jnp.float32)
        inp["n%d_a" % i] = jnp.ones((f,), jnp.float32)
    inp["fc1_W"], inp["fc1_b"] = _lin(ks[9], F2 + A_DIM, H1)
    inp["fc2_W"], inp["fc2_b"] = _lin(ks[10], H1, H2)
    inp["fc3_W"], inp["fc3_b"] = _lin(ks[11], H2, 1)
    return inp


def reference(x, a, edge_index, emb, c1_W, c1_b, c2_W, c2_b, c3_W, c3_b,
              r1_W, r1_b, r2_W, r2_b,
              n1_w, n1_b, n1_a, n2_w, n2_b, n2_a, n3_w, n3_b, n3_a,
              fc1_W, fc1_b, fc2_W, fc2_b, fc3_W, fc3_b):
    src, dst = edge_index[0], edge_index[1]
    batch = jnp.repeat(jnp.arange(B), BOARD * BOARD)
    # feature_expansion: Embedding(3, 18) on (x + 1).int()
    idx = (x.reshape(-1) + 1.0).astype(jnp.int32)
    h = emb[idx]
    res0 = h
    h = _sgconv(h, src, dst, c1_W, c1_b)
    h = _graphnorm(h, batch, B, n1_w, n1_b, n1_a)
    h = h + res0
    res1 = h @ r1_W + r1_b
    h = _sgconv(h, src, dst, c2_W, c2_b)
    h = _graphnorm(h, batch, B, n2_w, n2_b, n2_a)
    h = h + res1
    res2 = h @ r2_W + r2_b
    h = _sgconv(h, src, dst, c3_W, c3_b)
    h = _graphnorm(h, batch, B, n3_w, n3_b, n3_a)
    h = h + res2
    # scatter_reduce mean over batch ids (include_self=False -> plain segment mean)
    cnt = jax.ops.segment_sum(jnp.ones((h.shape[0],), h.dtype), batch, num_segments=B)
    pooled = jax.ops.segment_sum(h, batch, num_segments=B) / cnt[:, None]
    z = jnp.concatenate([pooled, a], axis=1)
    z = jax.nn.relu(z @ fc1_W + fc1_b)
    z = jax.nn.relu(z @ fc2_W + fc2_b)
    return z @ fc3_W + fc3_b

if __name__ == "__main__":
    import jax
    _d = setup_inputs()
    print(jax.jit(kernel)(*tuple(_d.values())))

</pallas_src>

<mosaic_0001>
#map = affine_map<(d0, d1) -> (0, 0, 0)>
#map1 = affine_map<(d0, d1) -> (0, 0)>
module attributes {stable_mosaic.version = 14 : i64} {
  func.func @deg_kernel(%arg0: i32, %arg1: i32, %arg2: memref<32x196x128xi32, #tpu.memory_space<hbm>>, %arg3: memref<128x1xf32, #tpu.memory_space<hbm>>, %arg4: memref<50176x1xf32, #tpu.memory_space<hbm>>, %arg5: memref<2x50176x1xf32, #tpu.memory_space<hbm>>, %arg6: memref<196x128xi32, #tpu.memory_space<vmem>>, %arg7: memref<128x1xf32, #tpu.memory_space<vmem>>, %arg8: memref<50176x1xf32, #tpu.memory_space<vmem_shared>>) attributes {dimension_semantics = [#tpu.dimension_semantics<core_parallel>, #tpu.dimension_semantics<subcore_parallel>], iteration_bounds = array<i64: 2, 16>, scalar_prefetch = 0 : i64, scratch_operands = 3 : i64, tpu.core_type = #tpu.core_type<sc_vector_subcore>, window_params = [{transform_indices = #map}, {transform_indices = #map1}, {transform_indices = #map1}, {transform_indices = #map}]} {
    %mul3A = arith.constant 2 : i32
    %mul3A_0 = arith.muli %arg1, %mul3A : i32
    %add3A = arith.addi %mul3A_0, %arg0 : i32
    %mul3A_1 = arith.constant 3136 : i32
    %mul3A_2 = arith.muli %arg1, %mul3A_1 : i32
    %mul3A_3 = arith.constant 3136 : i32
    %mul3A_4 = arith.muli %arg1, %mul3A_3 : i32
    "tpu.region"() ({
      %run_scoped3A = tpu.sem_alloc : memref<!tpu.dma_semaphore, #tpu.memory_space<semaphore_mem>>
      %dma_start3A = arith.constant 0 : i32
      %dma_start3A_15 = tpu.memref_slice %arg8[%mul3A_4, %dma_start3A] : memref<50176x1xf32, #tpu.memory_space<vmem_shared>> -> memref<3136x1xf32, #tpu.memory_space<vmem_shared>>
      %dma_start3A_16 = arith.constant 0 : i32
      %dma_start3A_17 = tpu.memref_slice %arg4[%mul3A_2, %dma_start3A_16] : memref<50176x1xf32, #tpu.memory_space<hbm>> -> memref<3136x1xf32, #tpu.memory_space<hbm>>
      tpu.enqueue_dma source(%dma_start3A_17 : memref<3136x1xf32, #tpu.memory_space<hbm>>) target(%dma_start3A_15 : memref<3136x1xf32, #tpu.memory_space<vmem_shared>>) target_semaphore(%run_scoped3A : memref<!tpu.dma_semaphore, #tpu.memory_space<semaphore_mem>>)
      %dma_wait3A = arith.constant 0 : i32
      %dma_wait3A_18 = tpu.memref_slice %arg8[%mul3A_4, %dma_wait3A] : memref<50176x1xf32, #tpu.memory_space<vmem_shared>> -> memref<3136x1xf32, #tpu.memory_space<vmem_shared>>
      %dma_wait3A_19 = arith.constant 0 : i32
      %dma_wait3A_20 = tpu.memref_slice %arg4[%mul3A_2, %dma_wait3A_19] : memref<50176x1xf32, #tpu.memory_space<hbm>> -> memref<3136x1xf32, #tpu.memory_space<hbm>>
      tpu.wait_dma2 semaphore(%run_scoped3A : memref<!tpu.dma_semaphore, #tpu.memory_space<semaphore_mem>>) src(%dma_wait3A_20 : memref<3136x1xf32, #tpu.memory_space<hbm>>) dst(%dma_wait3A_18 : memref<3136x1xf32, #tpu.memory_space<vmem_shared>>)
      tpu.yield
    }) : () -> ()
    "tpu.region"() ({
      %run_scoped3A = tpu.sem_alloc : memref<!tpu.dma_semaphore, #tpu.memory_space<semaphore_mem>>
      tpu.enqueue_dma source(%arg3 : memref<128x1xf32, #tpu.memory_space<hbm>>) target(%arg7 : memref<128x1xf32, #tpu.memory_space<vmem>>) target_semaphore(%run_scoped3A : memref<!tpu.dma_semaphore, #tpu.memory_space<semaphore_mem>>)
      tpu.wait_dma2 semaphore(%run_scoped3A : memref<!tpu.dma_semaphore, #tpu.memory_space<semaphore_mem>>) src(%arg3 : memref<128x1xf32, #tpu.memory_space<hbm>>) dst(%arg7 : memref<128x1xf32, #tpu.memory_space<vmem>>)
      tpu.yield
    }) : () -> ()
    "tpu.region"() ({
      %run_scoped3A = tpu.sem_alloc : memref<!tpu.dma_semaphore, #tpu.memory_space<semaphore_mem>>
      %dma_start3A = arith.constant 0 : i32
      %dma_start3A_15 = arith.constant 0 : i32
      %dma_start3A_16 = tpu.memref_slice %arg2[%add3A, %dma_start3A, %dma_start3A_15] : memref<32x196x128xi32, #tpu.memory_space<hbm>> -> memref<1x196x128xi32, #tpu.memory_space<hbm>>
      %dma_start3A_17 = tpu.memref_squeeze %dma_start3A_16 : memref<1x196x128xi32, #tpu.memory_space<hbm>> -> memref<196x128xi32, #tpu.memory_space<hbm>>
      %dma_start3A_18 = arith.constant 0 : i32
      %dma_start3A_19 = arith.constant 0 : i32
      %dma_start3A_20 = tpu.memref_slice %arg2[%add3A, %dma_start3A_18, %dma_start3A_19] : memref<32x196x128xi32, #tpu.memory_space<hbm>> -> memref<1x196x128xi32, #tpu.memory_space<hbm>>
      %dma_start3A_21 = tpu.memref_squeeze %dma_start3A_20 : memref<1x196x128xi32, #tpu.memory_space<hbm>> -> memref<196x128xi32, #tpu.memory_space<hbm>>
      tpu.enqueue_dma source(%dma_start3A_21 : memref<196x128xi32, #tpu.memory_space<hbm>>) target(%arg6 : memref<196x128xi32, #tpu.memory_space<vmem>>) target_semaphore(%run_scoped3A : memref<!tpu.dma_semaphore, #tpu.memory_space<semaphore_mem>>)
      %dma_wait3A = arith.constant 0 : i32
      %dma_wait3A_22 = arith.constant 0 : i32
      %dma_wait3A_23 = tpu.memref_slice %arg2[%add3A, %dma_wait3A, %dma_wait3A_22] : memref<32x196x128xi32, #tpu.memory_space<hbm>> -> memref<1x196x128xi32, #tpu.memory_space<hbm>>
      %dma_wait3A_24 = tpu.memref_squeeze %dma_wait3A_23 : memref<1x196x128xi32, #tpu.memory_space<hbm>> -> memref<196x128xi32, #tpu.memory_space<hbm>>
      %dma_wait3A_25 = arith.constant 0 : i32
      %dma_wait3A_26 = arith.constant 0 : i32
      %dma_wait3A_27 = tpu.memref_slice %arg2[%add3A, %dma_wait3A_25, %dma_wait3A_26] : memref<32x196x128xi32, #tpu.memory_space<hbm>> -> memref<1x196x128xi32, #tpu.memory_space<hbm>>
      %dma_wait3A_28 = tpu.memref_squeeze %dma_wait3A_27 : memref<1x196x128xi32, #tpu.memory_space<hbm>> -> memref<196x128xi32, #tpu.memory_space<hbm>>
      tpu.wait_dma2 semaphore(%run_scoped3A : memref<!tpu.dma_semaphore, #tpu.memory_space<semaphore_mem>>) src(%dma_wait3A_28 : memref<196x128xi32, #tpu.memory_space<hbm>>) dst(%arg6 : memref<196x128xi32, #tpu.memory_space<vmem>>)
      tpu.yield
    }) : () -> ()
    %barrier3A = arith.constant 0 : index
    tpu.barrier barrier_id(%barrier3A)
    %scan3A = arith.constant 0 : i32
    %scan3A_5 = arith.constant 0 : i32
    %scan3A_6 = arith.constant 196 : i32
    %scan3A_7 = arith.addi %scan3A_5, %scan3A_6 : i32
    %scan3A_8 = arith.constant 1 : i32
    scf.for %scan3A_15 = %scan3A_5 to %scan3A_7 step %scan3A_8  : i32 {
      "tpu.region"() ({
        %run_scoped3A = tpu.sem_alloc : memref<!tpu.dma_semaphore, #tpu.memory_space<semaphore_mem>>
        %dma_start3A = arith.constant 0 : i32
        %dma_start3A_16 = tpu.memref_slice %arg6[%scan3A_15, %dma_start3A] : memref<196x128xi32, #tpu.memory_space<vmem>> -> memref<1x128xi32, #tpu.memory_space<vmem>>
        %dma_start3A_17 = tpu.memref_squeeze %dma_start3A_16 : memref<1x128xi32, #tpu.memory_space<vmem>> -> memref<128xi32, #tpu.memory_space<vmem>>
        %dma_start3A_18 = arith.constant 0 : i32
        %dma_start3A_19 = arith.constant 0 : i32
        %dma_start3A_20 = tpu.memref_slice %arg8[%dma_start3A_18, %dma_start3A_19] : memref<50176x1xf32, #tpu.memory_space<vmem_shared>> -> memref<50176x1xf32, #tpu.memory_space<vmem_shared>>
        tpu.enqueue_indirect_dma source(%arg7 : memref<128x1xf32, #tpu.memory_space<vmem>>) target(%dma_start3A_20 : memref<50176x1xf32, #tpu.memory_space<vmem_shared>>) offsets(%dma_start3A_17 : memref<128xi32, #tpu.memory_space<vmem>>) semaphore(%run_scoped3A : memref<!tpu.dma_semaphore, #tpu.memory_space<semaphore_mem>>) {add = true}
        %dma_wait3A = arith.constant 0 : i32
        %dma_wait3A_21 = tpu.memref_slice %arg6[%scan3A_15, %dma_wait3A] : memref<196x128xi32, #tpu.memory_space<vmem>> -> memref<1x128xi32, #tpu.memory_space<vmem>>
        %dma_wait3A_22 = tpu.memref_squeeze %dma_wait3A_21 : memref<1x128xi32, #tpu.memory_space<vmem>> -> memref<128xi32, #tpu.memory_space<vmem>>
        %dma_wait3A_23 = arith.constant 0 : i32
        %dma_wait3A_24 = arith.constant 0 : i32
        %dma_wait3A_25 = tpu.memref_slice %arg8[%dma_wait3A_23, %dma_wait3A_24] : memref<50176x1xf32, #tpu.memory_space<vmem_shared>> -> memref<50176x1xf32, #tpu.memory_space<vmem_shared>>
        tpu.wait_indirect_dma semaphore(%run_scoped3A : memref<!tpu.dma_semaphore, #tpu.memory_space<semaphore_mem>>) src(%arg7 : memref<128x1xf32, #tpu.memory_space<vmem>>) dst(%dma_wait3A_25 : memref<50176x1xf32, #tpu.memory_space<vmem_shared>>)
        tpu.yield
      }) : () -> ()
    }
    %scan3A_9 = arith.constant 196 : i32
    %barrier3A_10 = arith.constant 0 : index
    tpu.barrier barrier_id(%barrier3A_10)
    %mul3A_11 = arith.constant 3136 : i32
    %mul3A_12 = arith.muli %arg1, %mul3A_11 : i32
    %mul3A_13 = arith.constant 3136 : i32
    %mul3A_14 = arith.muli %arg1, %mul3A_13 : i32
    "tpu.region"() ({
      %run_scoped3A = tpu.sem_alloc : memref<!tpu.dma_semaphore, #tpu.memory_space<semaphore_mem>>
      %dma_start3A = arith.constant 0 : i32
      %dma_start3A_15 = tpu.memref_slice %arg5[%arg0, %mul3A_14, %dma_start3A] : memref<2x50176x1xf32, #tpu.memory_space<hbm>> -> memref<1x3136x1xf32, #tpu.memory_space<hbm>>
      %dma_start3A_16 = tpu.memref_squeeze %dma_start3A_15 : memref<1x3136x1xf32, #tpu.memory_space<hbm>> -> memref<3136x1xf32, #tpu.memory_space<hbm>>
      %dma_start3A_17 = arith.constant 0 : i32
      %dma_start3A_18 = tpu.memref_slice %arg8[%mul3A_12, %dma_start3A_17] : memref<50176x1xf32, #tpu.memory_space<vmem_shared>> -> memref<3136x1xf32, #tpu.memory_space<vmem_shared>>
      tpu.enqueue_dma source(%dma_start3A_18 : memref<3136x1xf32, #tpu.memory_space<vmem_shared>>) target(%dma_start3A_16 : memref<3136x1xf32, #tpu.memory_space<hbm>>) target_semaphore(%run_scoped3A : memref<!tpu.dma_semaphore, #tpu.memory_space<semaphore_mem>>)
      %dma_wait3A = arith.constant 0 : i32
      %dma_wait3A_19 = tpu.memref_slice %arg5[%arg0, %mul3A_14, %dma_wait3A] : memref<2x50176x1xf32, #tpu.memory_space<hbm>> -> memref<1x3136x1xf32, #tpu.memory_space<hbm>>
      %dma_wait3A_20 = tpu.memref_squeeze %dma_wait3A_19 : memref<1x3136x1xf32, #tpu.memory_space<hbm>> -> memref<3136x1xf32, #tpu.memory_space<hbm>>
      %dma_wait3A_21 = arith.constant 0 : i32
      %dma_wait3A_22 = tpu.memref_slice %arg8[%mul3A_12, %dma_wait3A_21] : memref<50176x1xf32, #tpu.memory_space<vmem_shared>> -> memref<3136x1xf32, #tpu.memory_space<vmem_shared>>
      tpu.wait_dma2 semaphore(%run_scoped3A : memref<!tpu.dma_semaphore, #tpu.memory_space<semaphore_mem>>) src(%dma_wait3A_22 : memref<3136x1xf32, #tpu.memory_space<vmem_shared>>) dst(%dma_wait3A_20 : memref<3136x1xf32, #tpu.memory_space<hbm>>)
      tpu.yield
    }) : () -> ()
    return
  }
}

#map = affine_map<(d0, d1) -> (0, 0)>
#map1 = affine_map<(d0, d1) -> (0, 0, 0)>
module attributes {stable_mosaic.version = 14 : i64} {
  func.func @prop_kernel(%arg0: i32, %arg1: i32, %arg2: memref<50176x18xf32, #tpu.memory_space<hbm>>, %arg3: memref<32x196x128xi32, #tpu.memory_space<hbm>>, %arg4: memref<32x196x128xi32, #tpu.memory_space<hbm>>, %arg5: memref<50176x18xf32, #tpu.memory_space<hbm>>, %arg6: memref<2x50176x18xf32, #tpu.memory_space<hbm>>, %arg7: memref<196x128xi32, #tpu.memory_space<vmem>>, %arg8: memref<196x128xi32, #tpu.memory_space<vmem>>, %arg9: memref<128x18xf32, #tpu.memory_space<vmem>>, %arg10: memref<50176x18xf32, #tpu.memory_space<vmem_shared>>, %arg11: memref<!tpu.dma_semaphore, #tpu.memory_space<semaphore_mem>>) attributes {dimension_semantics = [#tpu.dimension_semantics<core_parallel>, #tpu.dimension_semantics<subcore_parallel>], iteration_bounds = array<i64: 2, 16>, scalar_prefetch = 0 : i64, scratch_operands = 5 : i64, tpu.core_type = #tpu.core_type<sc_vector_subcore>, window_params = [{transform_indices = #map}, {transform_indices = #map1}, {transform_indices = #map1}, {transform_indices = #map}, {transform_indices = #map1}]} {
    %mul3A = arith.constant 2 : i32
    %mul3A_0 = arith.muli %arg1, %mul3A : i32
    %add3A = arith.addi %mul3A_0, %arg0 : i32
    %mul3A_1 = arith.constant 3136 : i32
    %mul3A_2 = arith.muli %arg1, %mul3A_1 : i32
    %mul3A_3 = arith.constant 3136 : i32
    %mul3A_4 = arith.muli %arg1, %mul3A_3 : i32
    "tpu.region"() ({
      %run_scoped3A = tpu.sem_alloc : memref<!tpu.dma_semaphore, #tpu.memory_space<semaphore_mem>>
      %dma_start3A = arith.constant 0 : i32
      %dma_start3A_15 = tpu.memref_slice %arg10[%mul3A_4, %dma_start3A] : memref<50176x18xf32, #tpu.memory_space<vmem_shared>> -> memref<3136x18xf32, #tpu.memory_space<vmem_shared>>
      %dma_start3A_16 = arith.constant 0 : i32
      %dma_start3A_17 = tpu.memref_slice %arg5[%mul3A_2, %dma_start3A_16] : memref<50176x18xf32, #tpu.memory_space<hbm>> -> memref<3136x18xf32, #tpu.memory_space<hbm>>
      tpu.enqueue_dma source(%dma_start3A_17 : memref<3136x18xf32, #tpu.memory_space<hbm>>) target(%dma_start3A_15 : memref<3136x18xf32, #tpu.memory_space<vmem_shared>>) target_semaphore(%run_scoped3A : memref<!tpu.dma_semaphore, #tpu.memory_space<semaphore_mem>>)
      %dma_wait3A = arith.constant 0 : i32
      %dma_wait3A_18 = tpu.memref_slice %arg10[%mul3A_4, %dma_wait3A] : memref<50176x18xf32, #tpu.memory_space<vmem_shared>> -> memref<3136x18xf32, #tpu.memory_space<vmem_shared>>
      %dma_wait3A_19 = arith.constant 0 : i32
      %dma_wait3A_20 = tpu.memref_slice %arg5[%mul3A_2, %dma_wait3A_19] : memref<50176x18xf32, #tpu.memory_space<hbm>> -> memref<3136x18xf32, #tpu.memory_space<hbm>>
      tpu.wait_dma2 semaphore(%run_scoped3A : memref<!tpu.dma_semaphore, #tpu.memory_space<semaphore_mem>>) src(%dma_wait3A_20 : memref<3136x18xf32, #tpu.memory_space<hbm>>) dst(%dma_wait3A_18 : memref<3136x18xf32, #tpu.memory_space<vmem_shared>>)
      tpu.yield
    }) : () -> ()
    "tpu.region"() ({
      %run_scoped3A = tpu.sem_alloc : memref<!tpu.dma_semaphore, #tpu.memory_space<semaphore_mem>>
      %dma_start3A = arith.constant 0 : i32
      %dma_start3A_15 = arith.constant 0 : i32
      %dma_start3A_16 = tpu.memref_slice %arg3[%add3A, %dma_start3A, %dma_start3A_15] : memref<32x196x128xi32, #tpu.memory_space<hbm>> -> memref<1x196x128xi32, #tpu.memory_space<hbm>>
      %dma_start3A_17 = tpu.memref_squeeze %dma_start3A_16 : memref<1x196x128xi32, #tpu.memory_space<hbm>> -> memref<196x128xi32, #tpu.memory_space<hbm>>
      %dma_start3A_18 = arith.constant 0 : i32
      %dma_start3A_19 = arith.constant 0 : i32
      %dma_start3A_20 = tpu.memref_slice %arg3[%add3A, %dma_start3A_18, %dma_start3A_19] : memref<32x196x128xi32, #tpu.memory_space<hbm>> -> memref<1x196x128xi32, #tpu.memory_space<hbm>>
      %dma_start3A_21 = tpu.memref_squeeze %dma_start3A_20 : memref<1x196x128xi32, #tpu.memory_space<hbm>> -> memref<196x128xi32, #tpu.memory_space<hbm>>
      tpu.enqueue_dma source(%dma_start3A_21 : memref<196x128xi32, #tpu.memory_space<hbm>>) target(%arg7 : memref<196x128xi32, #tpu.memory_space<vmem>>) target_semaphore(%run_scoped3A : memref<!tpu.dma_semaphore, #tpu.memory_space<semaphore_mem>>)
      %dma_wait3A = arith.constant 0 : i32
      %dma_wait3A_22 = arith.constant 0 : i32
      %dma_wait3A_23 = tpu.memref_slice %arg3[%add3A, %dma_wait3A, %dma_wait3A_22] : memref<32x196x128xi32, #tpu.memory_space<hbm>> -> memref<1x196x128xi32, #tpu.memory_space<hbm>>
      %dma_wait3A_24 = tpu.memref_squeeze %dma_wait3A_23 : memref<1x196x128xi32, #tpu.memory_space<hbm>> -> memref<196x128xi32, #tpu.memory_space<hbm>>
      %dma_wait3A_25 = arith.constant 0 : i32
      %dma_wait3A_26 = arith.constant 0 : i32
      %dma_wait3A_27 = tpu.memref_slice %arg3[%add3A, %dma_wait3A_25, %dma_wait3A_26] : memref<32x196x128xi32, #tpu.memory_space<hbm>> -> memref<1x196x128xi32, #tpu.memory_space<hbm>>
      %dma_wait3A_28 = tpu.memref_squeeze %dma_wait3A_27 : memref<1x196x128xi32, #tpu.memory_space<hbm>> -> memref<196x128xi32, #tpu.memory_space<hbm>>
      tpu.wait_dma2 semaphore(%run_scoped3A : memref<!tpu.dma_semaphore, #tpu.memory_space<semaphore_mem>>) src(%dma_wait3A_28 : memref<196x128xi32, #tpu.memory_space<hbm>>) dst(%arg7 : memref<196x128xi32, #tpu.memory_space<vmem>>)
      tpu.yield
    }) : () -> ()
    "tpu.region"() ({
      %run_scoped3A = tpu.sem_alloc : memref<!tpu.dma_semaphore, #tpu.memory_space<semaphore_mem>>
      %dma_start3A = arith.constant 0 : i32
      %dma_start3A_15 = arith.constant 0 : i32
      %dma_start3A_16 = tpu.memref_slice %arg4[%add3A, %dma_start3A, %dma_start3A_15] : memref<32x196x128xi32, #tpu.memory_space<hbm>> -> memref<1x196x128xi32, #tpu.memory_space<hbm>>
      %dma_start3A_17 = tpu.memref_squeeze %dma_start3A_16 : memref<1x196x128xi32, #tpu.memory_space<hbm>> -> memref<196x128xi32, #tpu.memory_space<hbm>>
      %dma_start3A_18 = arith.constant 0 : i32
      %dma_start3A_19 = arith.constant 0 : i32
      %dma_start3A_20 = tpu.memref_slice %arg4[%add3A, %dma_start3A_18, %dma_start3A_19] : memref<32x196x128xi32, #tpu.memory_space<hbm>> -> memref<1x196x128xi32, #tpu.memory_space<hbm>>
      %dma_start3A_21 = tpu.memref_squeeze %dma_start3A_20 : memref<1x196x128xi32, #tpu.memory_space<hbm>> -> memref<196x128xi32, #tpu.memory_space<hbm>>
      tpu.enqueue_dma source(%dma_start3A_21 : memref<196x128xi32, #tpu.memory_space<hbm>>) target(%arg8 : memref<196x128xi32, #tpu.memory_space<vmem>>) target_semaphore(%run_scoped3A : memref<!tpu.dma_semaphore, #tpu.memory_space<semaphore_mem>>)
      %dma_wait3A = arith.constant 0 : i32
      %dma_wait3A_22 = arith.constant 0 : i32
      %dma_wait3A_23 = tpu.memref_slice %arg4[%add3A, %dma_wait3A, %dma_wait3A_22] : memref<32x196x128xi32, #tpu.memory_space<hbm>> -> memref<1x196x128xi32, #tpu.memory_space<hbm>>
      %dma_wait3A_24 = tpu.memref_squeeze %dma_wait3A_23 : memref<1x196x128xi32, #tpu.memory_space<hbm>> -> memref<196x128xi32, #tpu.memory_space<hbm>>
      %dma_wait3A_25 = arith.constant 0 : i32
      %dma_wait3A_26 = arith.constant 0 : i32
      %dma_wait3A_27 = tpu.memref_slice %arg4[%add3A, %dma_wait3A_25, %dma_wait3A_26] : memref<32x196x128xi32, #tpu.memory_space<hbm>> -> memref<1x196x128xi32, #tpu.memory_space<hbm>>
      %dma_wait3A_28 = tpu.memref_squeeze %dma_wait3A_27 : memref<1x196x128xi32, #tpu.memory_space<hbm>> -> memref<196x128xi32, #tpu.memory_space<hbm>>
      tpu.wait_dma2 semaphore(%run_scoped3A : memref<!tpu.dma_semaphore, #tpu.memory_space<semaphore_mem>>) src(%dma_wait3A_28 : memref<196x128xi32, #tpu.memory_space<hbm>>) dst(%arg8 : memref<196x128xi32, #tpu.memory_space<vmem>>)
      tpu.yield
    }) : () -> ()
    %barrier3A = arith.constant 0 : index
    tpu.barrier barrier_id(%barrier3A)
    %scan3A = arith.constant 0 : i32
    %scan3A_5 = arith.constant 0 : i32
    %scan3A_6 = arith.constant 196 : i32
    %scan3A_7 = arith.addi %scan3A_5, %scan3A_6 : i32
    %scan3A_8 = arith.constant 1 : i32
    scf.for %scan3A_15 = %scan3A_5 to %scan3A_7 step %scan3A_8  : i32 {
      %dma_start3A = arith.constant 0 : i32
      %dma_start3A_16 = tpu.memref_slice %arg7[%scan3A_15, %dma_start3A] : memref<196x128xi32, #tpu.memory_space<vmem>> -> memref<1x128xi32, #tpu.memory_space<vmem>>
      %dma_start3A_17 = tpu.memref_squeeze %dma_start3A_16 : memref<1x128xi32, #tpu.memory_space<vmem>> -> memref<128xi32, #tpu.memory_space<vmem>>
      %dma_start3A_18 = arith.constant 0 : i32
      %dma_start3A_19 = arith.constant 0 : i32
      %dma_start3A_20 = tpu.memref_slice %arg2[%dma_start3A_18, %dma_start3A_19] : memref<50176x18xf32, #tpu.memory_space<hbm>> -> memref<50176x18xf32, #tpu.memory_space<hbm>>
      tpu.enqueue_indirect_dma source(%dma_start3A_20 : memref<50176x18xf32, #tpu.memory_space<hbm>>) target(%arg9 : memref<128x18xf32, #tpu.memory_space<vmem>>) offsets(%dma_start3A_17 : memref<128xi32, #tpu.memory_space<vmem>>) semaphore(%arg11 : memref<!tpu.dma_semaphore, #tpu.memory_space<semaphore_mem>>)
      %dma_wait3A = arith.constant 0 : i32
      %dma_wait3A_21 = tpu.memref_slice %arg7[%scan3A_15, %dma_wait3A] : memref<196x128xi32, #tpu.memory_space<vmem>> -> memref<1x128xi32, #tpu.memory_space<vmem>>
      %dma_wait3A_22 = tpu.memref_squeeze %dma_wait3A_21 : memref<1x128xi32, #tpu.memory_space<vmem>> -> memref<128xi32, #tpu.memory_space<vmem>>
      %dma_wait3A_23 = arith.constant 0 : i32
      %dma_wait3A_24 = arith.constant 0 : i32
      %dma_wait3A_25 = tpu.memref_slice %arg2[%dma_wait3A_23, %dma_wait3A_24] : memref<50176x18xf32, #tpu.memory_space<hbm>> -> memref<50176x18xf32, #tpu.memory_space<hbm>>
      tpu.wait_indirect_dma semaphore(%arg11 : memref<!tpu.dma_semaphore, #tpu.memory_space<semaphore_mem>>) src(%dma_wait3A_25 : memref<50176x18xf32, #tpu.memory_space<hbm>>) dst(%arg9 : memref<128x18xf32, #tpu.memory_space<vmem>>)
      "tpu.region"() ({
        %run_scoped3A = tpu.sem_alloc : memref<!tpu.dma_semaphore, #tpu.memory_space<semaphore_mem>>
        %dma_start3A_26 = arith.constant 0 : i32
        %dma_start3A_27 = tpu.memref_slice %arg8[%scan3A_15, %dma_start3A_26] : memref<196x128xi32, #tpu.memory_space<vmem>> -> memref<1x128xi32, #tpu.memory_space<vmem>>
        %dma_start3A_28 = tpu.memref_squeeze %dma_start3A_27 : memref<1x128xi32, #tpu.memory_space<vmem>> -> memref<128xi32, #tpu.memory_space<vmem>>
        %dma_start3A_29 = arith.constant 0 : i32
        %dma_start3A_30 = arith.constant 0 : i32
        %dma_start3A_31 = tpu.memref_slice %arg10[%dma_start3A_29, %dma_start3A_30] : memref<50176x18xf32, #tpu.memory_space<vmem_shared>> -> memref<50176x18xf32, #tpu.memory_space<vmem_shared>>
        tpu.enqueue_indirect_dma source(%arg9 : memref<128x18xf32, #tpu.memory_space<vmem>>) target(%dma_start3A_31 : memref<50176x18xf32, #tpu.memory_space<vmem_shared>>) offsets(%dma_start3A_28 : memref<128xi32, #tpu.memory_space<vmem>>) semaphore(%run_scoped3A : memref<!tpu.dma_semaphore, #tpu.memory_space<semaphore_mem>>) {add = true}
        %dma_wait3A_32 = arith.constant 0 : i32
        %dma_wait3A_33 = tpu.memref_slice %arg8[%scan3A_15, %dma_wait3A_32] : memref<196x128xi32, #tpu.memory_space<vmem>> -> memref<1x128xi32, #tpu.memory_space<vmem>>
        %dma_wait3A_34 = tpu.memref_squeeze %dma_wait3A_33 : memref<1x128xi32, #tpu.memory_space<vmem>> -> memref<128xi32, #tpu.memory_space<vmem>>
        %dma_wait3A_35 = arith.constant 0 : i32
        %dma_wait3A_36 = arith.constant 0 : i32
        %dma_wait3A_37 = tpu.memref_slice %arg10[%dma_wait3A_35, %dma_wait3A_36] : memref<50176x18xf32, #tpu.memory_space<vmem_shared>> -> memref<50176x18xf32, #tpu.memory_space<vmem_shared>>
        tpu.wait_indirect_dma semaphore(%run_scoped3A : memref<!tpu.dma_semaphore, #tpu.memory_space<semaphore_mem>>) src(%arg9 : memref<128x18xf32, #tpu.memory_space<vmem>>) dst(%dma_wait3A_37 : memref<50176x18xf32, #tpu.memory_space<vmem_shared>>)
        tpu.yield
      }) : () -> ()
    }
    %scan3A_9 = arith.constant 196 : i32
    %barrier3A_10 = arith.constant 0 : index
    tpu.barrier barrier_id(%barrier3A_10)
    %mul3A_11 = arith.constant 3136 : i32
    %mul3A_12 = arith.muli %arg1, %mul3A_11 : i32
    %mul3A_13 = arith.constant 3136 : i32
    %mul3A_14 = arith.muli %arg1, %mul3A_13 : i32
    "tpu.region"() ({
      %run_scoped3A = tpu.sem_alloc : memref<!tpu.dma_semaphore, #tpu.memory_space<semaphore_mem>>
      %dma_start3A = arith.constant 0 : i32
      %dma_start3A_15 = tpu.memref_slice %arg6[%arg0, %mul3A_14, %dma_start3A] : memref<2x50176x18xf32, #tpu.memory_space<hbm>> -> memref<1x3136x18xf32, #tpu.memory_space<hbm>>
      %dma_start3A_16 = tpu.memref_squeeze %dma_start3A_15 : memref<1x3136x18xf32, #tpu.memory_space<hbm>> -> memref<3136x18xf32, #tpu.memory_space<hbm>>
      %dma_start3A_17 = arith.constant 0 : i32
      %dma_start3A_18 = tpu.memref_slice %arg10[%mul3A_12, %dma_start3A_17] : memref<50176x18xf32, #tpu.memory_space<vmem_shared>> -> memref<3136x18xf32, #tpu.memory_space<vmem_shared>>
      tpu.enqueue_dma source(%dma_start3A_18 : memref<3136x18xf32, #tpu.memory_space<vmem_shared>>) target(%dma_start3A_16 : memref<3136x18xf32, #tpu.memory_space<hbm>>) target_semaphore(%run_scoped3A : memref<!tpu.dma_semaphore, #tpu.memory_space<semaphore_mem>>)
      %dma_wait3A = arith.constant 0 : i32
      %dma_wait3A_19 = tpu.memref_slice %arg6[%arg0, %mul3A_14, %dma_wait3A] : memref<2x50176x18xf32, #tpu.memory_space<hbm>> -> memref<1x3136x18xf32, #tpu.memory_space<hbm>>
      %dma_wait3A_20 = tpu.memref_squeeze %dma_wait3A_19 : memref<1x3136x18xf32, #tpu.memory_space<hbm>> -> memref<3136x18xf32, #tpu.memory_space<hbm>>
      %dma_wait3A_21 = arith.constant 0 : i32
      %dma_wait3A_22 = tpu.memref_slice %arg10[%mul3A_12, %dma_wait3A_21] : memref<50176x18xf32, #tpu.memory_space<vmem_shared>> -> memref<3136x18xf32, #tpu.memory_space<vmem_shared>>
      tpu.wait_dma2 semaphore(%run_scoped3A : memref<!tpu.dma_semaphore, #tpu.memory_space<semaphore_mem>>) src(%dma_wait3A_22 : memref<3136x18xf32, #tpu.memory_space<vmem_shared>>) dst(%dma_wait3A_20 : memref<3136x18xf32, #tpu.memory_space<hbm>>)
      tpu.yield
    }) : () -> ()
    return
  }
}

#map = affine_map<(d0, d1) -> (0, 0)>
#map1 = affine_map<(d0, d1) -> (0, 0, 0)>
module attributes {stable_mosaic.version = 14 : i64} {
  func.func @prop_kernel(%arg0: i32, %arg1: i32, %arg2: memref<50176x18xf32, #tpu.memory_space<hbm>>, %arg3: memref<32x196x128xi32, #tpu.memory_space<hbm>>, %arg4: memref<32x196x128xi32, #tpu.memory_space<hbm>>, %arg5: memref<50176x18xf32, #tpu.memory_space<hbm>>, %arg6: memref<2x50176x18xf32, #tpu.memory_space<hbm>>, %arg7: memref<196x128xi32, #tpu.memory_space<vmem>>, %arg8: memref<196x128xi32, #tpu.memory_space<vmem>>, %arg9: memref<128x18xf32, #tpu.memory_space<vmem>>, %arg10: memref<50176x18xf32, #tpu.memory_space<vmem_shared>>, %arg11: memref<!tpu.dma_semaphore, #tpu.memory_space<semaphore_mem>>) attributes {dimension_semantics = [#tpu.dimension_semantics<core_parallel>, #tpu.dimension_semantics<subcore_parallel>], iteration_bounds = array<i64: 2, 16>, scalar_prefetch = 0 : i64, scratch_operands = 5 : i64, tpu.core_type = #tpu.core_type<sc_vector_subcore>, window_params = [{transform_indices = #map}, {transform_indices = #map1}, {transform_indices = #map1}, {transform_indices = #map}, {transform_indices = #map1}]} {
    %mul3A = arith.constant 2 : i32
    %mul3A_0 = arith.muli %arg1, %mul3A : i32
    %add3A = arith.addi %mul3A_0, %arg0 : i32
    %mul3A_1 = arith.constant 3136 : i32
    %mul3A_2 = arith.muli %arg1, %mul3A_1 : i32
    %mul3A_3 = arith.constant 3136 : i32
    %mul3A_4 = arith.muli %arg1, %mul3A_3 : i32
    "tpu.region"() ({
      %run_scoped3A = tpu.sem_alloc : memref<!tpu.dma_semaphore, #tpu.memory_space<semaphore_mem>>
      %dma_start3A = arith.constant 0 : i32
      %dma_start3A_15 = tpu.memref_slice %arg10[%mul3A_4, %dma_start3A] : memref<50176x18xf32, #tpu.memory_space<vmem_shared>> -> memref<3136x18xf32, #tpu.memory_space<vmem_shared>>
      %dma_start3A_16 = arith.constant 0 : i32
      %dma_start3A_17 = tpu.memref_slice %arg5[%mul3A_2, %dma_start3A_16] : memref<50176x18xf32, #tpu.memory_space<hbm>> -> memref<3136x18xf32, #tpu.memory_space<hbm>>
      tpu.enqueue_dma source(%dma_start3A_17 : memref<3136x18xf32, #tpu.memory_space<hbm>>) target(%dma_start3A_15 : memref<3136x18xf32, #tpu.memory_space<vmem_shared>>) target_semaphore(%run_scoped3A : memref<!tpu.dma_semaphore, #tpu.memory_space<semaphore_mem>>)
      %dma_wait3A = arith.constant 0 : i32
      %dma_wait3A_18 = tpu.memref_slice %arg10[%mul3A_4, %dma_wait3A] : memref<50176x18xf32, #tpu.memory_space<vmem_shared>> -> memref<3136x18xf32, #tpu.memory_space<vmem_shared>>
      %dma_wait3A_19 = arith.constant 0 : i32
      %dma_wait3A_20 = tpu.memref_slice %arg5[%mul3A_2, %dma_wait3A_19] : memref<50176x18xf32, #tpu.memory_space<hbm>> -> memref<3136x18xf32, #tpu.memory_space<hbm>>
      tpu.wait_dma2 semaphore(%run_scoped3A : memref<!tpu.dma_semaphore, #tpu.memory_space<semaphore_mem>>) src(%dma_wait3A_20 : memref<3136x18xf32, #tpu.memory_space<hbm>>) dst(%dma_wait3A_18 : memref<3136x18xf32, #tpu.memory_space<vmem_shared>>)
      tpu.yield
    }) : () -> ()
    "tpu.region"() ({
      %run_scoped3A = tpu.sem_alloc : memref<!tpu.dma_semaphore, #tpu.memory_space<semaphore_mem>>
      %dma_start3A = arith.constant 0 : i32
      %dma_start3A_15 = arith.constant 0 : i32
      %dma_start3A_16 = tpu.memref_slice %arg3[%add3A, %dma_start3A, %dma_start3A_15] : memref<32x196x128xi32, #tpu.memory_space<hbm>> -> memref<1x196x128xi32, #tpu.memory_space<hbm>>
      %dma_start3A_17 = tpu.memref_squeeze %dma_start3A_16 : memref<1x196x128xi32, #tpu.memory_space<hbm>> -> memref<196x128xi32, #tpu.memory_space<hbm>>
      %dma_start3A_18 = arith.constant 0 : i32
      %dma_start3A_19 = arith.constant 0 : i32
      %dma_start3A_20 = tpu.memref_slice %arg3[%add3A, %dma_start3A_18, %dma_start3A_19] : memref<32x196x128xi32, #tpu.memory_space<hbm>> -> memref<1x196x128xi32, #tpu.memory_space<hbm>>
      %dma_start3A_21 = tpu.memref_squeeze %dma_start3A_20 : memref<1x196x128xi32, #tpu.memory_space<hbm>> -> memref<196x128xi32, #tpu.memory_space<hbm>>
      tpu.enqueue_dma source(%dma_start3A_21 : memref<196x128xi32, #tpu.memory_space<hbm>>) target(%arg7 : memref<196x128xi32, #tpu.memory_space<vmem>>) target_semaphore(%run_scoped3A : memref<!tpu.dma_semaphore, #tpu.memory_space<semaphore_mem>>)
      %dma_wait3A = arith.constant 0 : i32
      %dma_wait3A_22 = arith.constant 0 : i32
      %dma_wait3A_23 = tpu.memref_slice %arg3[%add3A, %dma_wait3A, %dma_wait3A_22] : memref<32x196x128xi32, #tpu.memory_space<hbm>> -> memref<1x196x128xi32, #tpu.memory_space<hbm>>
      %dma_wait3A_24 = tpu.memref_squeeze %dma_wait3A_23 : memref<1x196x128xi32, #tpu.memory_space<hbm>> -> memref<196x128xi32, #tpu.memory_space<hbm>>
      %dma_wait3A_25 = arith.constant 0 : i32
      %dma_wait3A_26 = arith.constant 0 : i32
      %dma_wait3A_27 = tpu.memref_slice %arg3[%add3A, %dma_wait3A_25, %dma_wait3A_26] : memref<32x196x128xi32, #tpu.memory_space<hbm>> -> memref<1x196x128xi32, #tpu.memory_space<hbm>>
      %dma_wait3A_28 = tpu.memref_squeeze %dma_wait3A_27 : memref<1x196x128xi32, #tpu.memory_space<hbm>> -> memref<196x128xi32, #tpu.memory_space<hbm>>
      tpu.wait_dma2 semaphore(%run_scoped3A : memref<!tpu.dma_semaphore, #tpu.memory_space<semaphore_mem>>) src(%dma_wait3A_28 : memref<196x128xi32, #tpu.memory_space<hbm>>) dst(%arg7 : memref<196x128xi32, #tpu.memory_space<vmem>>)
      tpu.yield
    }) : () -> ()
    "tpu.region"() ({
      %run_scoped3A = tpu.sem_alloc : memref<!tpu.dma_semaphore, #tpu.memory_space<semaphore_mem>>
      %dma_start3A = arith.constant 0 : i32
      %dma_start3A_15 = arith.constant 0 : i32
      %dma_start3A_16 = tpu.memref_slice %arg4[%add3A, %dma_start3A, %dma_start3A_15] : memref<32x196x128xi32, #tpu.memory_space<hbm>> -> memref<1x196x128xi32, #tpu.memory_space<hbm>>
      %dma_start3A_17 = tpu.memref_squeeze %dma_start3A_16 : memref<1x196x128xi32, #tpu.memory_space<hbm>> -> memref<196x128xi32, #tpu.memory_space<hbm>>
      %dma_start3A_18 = arith.constant 0 : i32
      %dma_start3A_19 = arith.constant 0 : i32
      %dma_start3A_20 = tpu.memref_slice %arg4[%add3A, %dma_start3A_18, %dma_start3A_19] : memref<32x196x128xi32, #tpu.memory_space<hbm>> -> memref<1x196x128xi32, #tpu.memory_space<hbm>>
      %dma_start3A_21 = tpu.memref_squeeze %dma_start3A_20 : memref<1x196x128xi32, #tpu.memory_space<hbm>> -> memref<196x128xi32, #tpu.memory_space<hbm>>
      tpu.enqueue_dma source(%dma_start3A_21 : memref<196x128xi32, #tpu.memory_space<hbm>>) target(%arg8 : memref<196x128xi32, #tpu.memory_space<vmem>>) target_semaphore(%run_scoped3A : memref<!tpu.dma_semaphore, #tpu.memory_space<semaphore_mem>>)
      %dma_wait3A = arith.constant 0 : i32
      %dma_wait3A_22 = arith.constant 0 : i32
      %dma_wait3A_23 = tpu.memref_slice %arg4[%add3A, %dma_wait3A, %dma_wait3A_22] : memref<32x196x128xi32, #tpu.memory_space<hbm>> -> memref<1x196x128xi32, #tpu.memory_space<hbm>>
      %dma_wait3A_24 = tpu.memref_squeeze %dma_wait3A_23 : memref<1x196x128xi32, #tpu.memory_space<hbm>> -> memref<196x128xi32, #tpu.memory_space<hbm>>
      %dma_wait3A_25 = arith.constant 0 : i32
      %dma_wait3A_26 = arith.constant 0 : i32
      %dma_wait3A_27 = tpu.memref_slice %arg4[%add3A, %dma_wait3A_25, %dma_wait3A_26] : memref<32x196x128xi32, #tpu.memory_space<hbm>> -> memref<1x196x128xi32, #tpu.memory_space<hbm>>
      %dma_wait3A_28 = tpu.memref_squeeze %dma_wait3A_27 : memref<1x196x128xi32, #tpu.memory_space<hbm>> -> memref<196x128xi32, #tpu.memory_space<hbm>>
      tpu.wait_dma2 semaphore(%run_scoped3A : memref<!tpu.dma_semaphore, #tpu.memory_space<semaphore_mem>>) src(%dma_wait3A_28 : memref<196x128xi32, #tpu.memory_space<hbm>>) dst(%arg8 : memref<196x128xi32, #tpu.memory_space<vmem>>)
      tpu.yield
    }) : () -> ()
    %barrier3A = arith.constant 0 : index
    tpu.barrier barrier_id(%barrier3A)
    %scan3A = arith.constant 0 : i32
    %scan3A_5 = arith.constant 0 : i32
    %scan3A_6 = arith.constant 196 : i32
    %scan3A_7 = arith.addi %scan3A_5, %scan3A_6 : i32
    %scan3A_8 = arith.constant 1 : i32
    scf.for %scan3A_15 = %scan3A_5 to %scan3A_7 step %scan3A_8  : i32 {
      %dma_start3A = arith.constant 0 : i32
      %dma_start3A_16 = tpu.memref_slice %arg7[%scan3A_15, %dma_start3A] : memref<196x128xi32, #tpu.memory_space<vmem>> -> memref<1x128xi32, #tpu.memory_space<vmem>>
      %dma_start3A_17 = tpu.memref_squeeze %dma_start3A_16 : memref<1x128xi32, #tpu.memory_space<vmem>> -> memref<128xi32, #tpu.memory_space<vmem>>
      %dma_start3A_18 = arith.constant 0 : i32
      %dma_start3A_19 = arith.constant 0 : i32
      %dma_start3A_20 = tpu.memref_slice %arg2[%dma_start3A_18, %dma_start3A_19] : memref<50176x18xf32, #tpu.memory_space<hbm>> -> memref<50176x18xf32, #tpu.memory_space<hbm>>
      tpu.enqueue_indirect_dma source(%dma_start3A_20 : memref<50176x18xf32, #tpu.memory_space<hbm>>) target(%arg9 : memref<128x18xf32, #tpu.memory_space<vmem>>) offsets(%dma_start3A_17 : memref<128xi32, #tpu.memory_space<vmem>>) semaphore(%arg11 : memref<!tpu.dma_semaphore, #tpu.memory_space<semaphore_mem>>)
      %dma_wait3A = arith.constant 0 : i32
      %dma_wait3A_21 = tpu.memref_slice %arg7[%scan3A_15, %dma_wait3A] : memref<196x128xi32, #tpu.memory_space<vmem>> -> memref<1x128xi32, #tpu.memory_space<vmem>>
      %dma_wait3A_22 = tpu.memref_squeeze %dma_wait3A_21 : memref<1x128xi32, #tpu.memory_space<vmem>> -> memref<128xi32, #tpu.memory_space<vmem>>
      %dma_wait3A_23 = arith.constant 0 : i32
      %dma_wait3A_24 = arith.constant 0 : i32
      %dma_wait3A_25 = tpu.memref_slice %arg2[%dma_wait3A_23, %dma_wait3A_24] : memref<50176x18xf32, #tpu.memory_space<hbm>> -> memref<50176x18xf32, #tpu.memory_space<hbm>>
      tpu.wait_indirect_dma semaphore(%arg11 : memref<!tpu.dma_semaphore, #tpu.memory_space<semaphore_mem>>) src(%dma_wait3A_25 : memref<50176x18xf32, #tpu.memory_space<hbm>>) dst(%arg9 : memref<128x18xf32, #tpu.memory_space<vmem>>)
      "tpu.region"() ({
        %run_scoped3A = tpu.sem_alloc : memref<!tpu.dma_semaphore, #tpu.memory_space<semaphore_mem>>
        %dma_start3A_26 = arith.constant 0 : i32
        %dma_start3A_27 = tpu.memref_slice %arg8[%scan3A_15, %dma_start3A_26] : memref<196x128xi32, #tpu.memory_space<vmem>> -> memref<1x128xi32, #tpu.memory_space<vmem>>
        %dma_start3A_28 = tpu.memref_squeeze %dma_start3A_27 : memref<1x128xi32, #tpu.memory_space<vmem>> -> memref<128xi32, #tpu.memory_space<vmem>>
        %dma_start3A_29 = arith.constant 0 : i32
        %dma_start3A_30 = arith.constant 0 : i32
        %dma_start3A_31 = tpu.memref_slice %arg10[%dma_start3A_29, %dma_start3A_30] : memref<50176x18xf32, #tpu.memory_space<vmem_shared>> -> memref<50176x18xf32, #tpu.memory_space<vmem_shared>>
        tpu.enqueue_indirect_dma source(%arg9 : memref<128x18xf32, #tpu.memory_space<vmem>>) target(%dma_start3A_31 : memref<50176x18xf32, #tpu.memory_space<vmem_shared>>) offsets(%dma_start3A_28 : memref<128xi32, #tpu.memory_space<vmem>>) semaphore(%run_scoped3A : memref<!tpu.dma_semaphore, #tpu.memory_space<semaphore_mem>>) {add = true}
        %dma_wait3A_32 = arith.constant 0 : i32
        %dma_wait3A_33 = tpu.memref_slice %arg8[%scan3A_15, %dma_wait3A_32] : memref<196x128xi32, #tpu.memory_space<vmem>> -> memref<1x128xi32, #tpu.memory_space<vmem>>
        %dma_wait3A_34 = tpu.memref_squeeze %dma_wait3A_33 : memref<1x128xi32, #tpu.memory_space<vmem>> -> memref<128xi32, #tpu.memory_space<vmem>>
        %dma_wait3A_35 = arith.constant 0 : i32
        %dma_wait3A_36 = arith.constant 0 : i32
        %dma_wait3A_37 = tpu.memref_slice %arg10[%dma_wait3A_35, %dma_wait3A_36] : memref<50176x18xf32, #tpu.memory_space<vmem_shared>> -> memref<50176x18xf32, #tpu.memory_space<vmem_shared>>
        tpu.wait_indirect_dma semaphore(%run_scoped3A : memref<!tpu.dma_semaphore, #tpu.memory_space<semaphore_mem>>) src(%arg9 : memref<128x18xf32, #tpu.memory_space<vmem>>) dst(%dma_wait3A_37 : memref<50176x18xf32, #tpu.memory_space<vmem_shared>>)
        tpu.yield
      }) : () -> ()
    }
    %scan3A_9 = arith.constant 196 : i32
    %barrier3A_10 = arith.constant 0 : index
    tpu.barrier barrier_id(%barrier3A_10)
    %mul3A_11 = arith.constant 3136 : i32
    %mul3A_12 = arith.muli %arg1, %mul3A_11 : i32
    %mul3A_13 = arith.constant 3136 : i32
    %mul3A_14 = arith.muli %arg1, %mul3A_13 : i32
    "tpu.region"() ({
      %run_scoped3A = tpu.sem_alloc : memref<!tpu.dma_semaphore, #tpu.memory_space<semaphore_mem>>
      %dma_start3A = arith.constant 0 : i32
      %dma_start3A_15 = tpu.memref_slice %arg6[%arg0, %mul3A_14, %dma_start3A] : memref<2x50176x18xf32, #tpu.memory_space<hbm>> -> memref<1x3136x18xf32, #tpu.memory_space<hbm>>
      %dma_start3A_16 = tpu.memref_squeeze %dma_start3A_15 : memref<1x3136x18xf32, #tpu.memory_space<hbm>> -> memref<3136x18xf32, #tpu.memory_space<hbm>>
      %dma_start3A_17 = arith.constant 0 : i32
      %dma_start3A_18 = tpu.memref_slice %arg10[%mul3A_12, %dma_start3A_17] : memref<50176x18xf32, #tpu.memory_space<vmem_shared>> -> memref<3136x18xf32, #tpu.memory_space<vmem_shared>>
      tpu.enqueue_dma source(%dma_start3A_18 : memref<3136x18xf32, #tpu.memory_space<vmem_shared>>) target(%dma_start3A_16 : memref<3136x18xf32, #tpu.memory_space<hbm>>) target_semaphore(%run_scoped3A : memref<!tpu.dma_semaphore, #tpu.memory_space<semaphore_mem>>)
      %dma_wait3A = arith.constant 0 : i32
      %dma_wait3A_19 = tpu.memref_slice %arg6[%arg0, %mul3A_14, %dma_wait3A] : memref<2x50176x18xf32, #tpu.memory_space<hbm>> -> memref<1x3136x18xf32, #tpu.memory_space<hbm>>
      %dma_wait3A_20 = tpu.memref_squeeze %dma_wait3A_19 : memref<1x3136x18xf32, #tpu.memory_space<hbm>> -> memref<3136x18xf32, #tpu.memory_space<hbm>>
      %dma_wait3A_21 = arith.constant 0 : i32
      %dma_wait3A_22 = tpu.memref_slice %arg10[%mul3A_12, %dma_wait3A_21] : memref<50176x18xf32, #tpu.memory_space<vmem_shared>> -> memref<3136x18xf32, #tpu.memory_space<vmem_shared>>
      tpu.wait_dma2 semaphore(%run_scoped3A : memref<!tpu.dma_semaphore, #tpu.memory_space<semaphore_mem>>) src(%dma_wait3A_22 : memref<3136x18xf32, #tpu.memory_space<vmem_shared>>) dst(%dma_wait3A_20 : memref<3136x18xf32, #tpu.memory_space<hbm>>)
      tpu.yield
    }) : () -> ()
    return
  }
}

#map = affine_map<(d0, d1) -> (0, 0)>
#map1 = affine_map<(d0, d1) -> (0, 0, 0)>
module attributes {stable_mosaic.version = 14 : i64} {
  func.func @prop_kernel(%arg0: i32, %arg1: i32, %arg2: memref<50176x18xf32, #tpu.memory_space<hbm>>, %arg3: memref<32x196x128xi32, #tpu.memory_space<hbm>>, %arg4: memref<32x196x128xi32, #tpu.memory_space<hbm>>, %arg5: memref<50176x18xf32, #tpu.memory_space<hbm>>, %arg6: memref<2x50176x18xf32, #tpu.memory_space<hbm>>, %arg7: memref<196x128xi32, #tpu.memory_space<vmem>>, %arg8: memref<196x128xi32, #tpu.memory_space<vmem>>, %arg9: memref<128x18xf32, #tpu.memory_space<vmem>>, %arg10: memref<50176x18xf32, #tpu.memory_space<vmem_shared>>, %arg11: memref<!tpu.dma_semaphore, #tpu.memory_space<semaphore_mem>>) attributes {dimension_semantics = [#tpu.dimension_semantics<core_parallel>, #tpu.dimension_semantics<subcore_parallel>], iteration_bounds = array<i64: 2, 16>, scalar_prefetch = 0 : i64, scratch_operands = 5 : i64, tpu.core_type = #tpu.core_type<sc_vector_subcore>, window_params = [{transform_indices = #map}, {transform_indices = #map1}, {transform_indices = #map1}, {transform_indices = #map}, {transform_indices = #map1}]} {
    %mul3A = arith.constant 2 : i32
    %mul3A_0 = arith.muli %arg1, %mul3A : i32
    %add3A = arith.addi %mul3A_0, %arg0 : i32
    %mul3A_1 = arith.constant 3136 : i32
    %mul3A_2 = arith.muli %arg1, %mul3A_1 : i32
    %mul3A_3 = arith.constant 3136 : i32
    %mul3A_4 = arith.muli %arg1, %mul3A_3 : i32
    "tpu.region"() ({
      %run_scoped3A = tpu.sem_alloc : memref<!tpu.dma_semaphore, #tpu.memory_space<semaphore_mem>>
      %dma_start3A = arith.constant 0 : i32
      %dma_start3A_15 = tpu.memref_slice %arg10[%mul3A_4, %dma_start3A] : memref<50176x18xf32, #tpu.memory_space<vmem_shared>> -> memref<3136x18xf32, #tpu.memory_space<vmem_shared>>
      %dma_start3A_16 = arith.constant 0 : i32
      %dma_start3A_17 = tpu.memref_slice %arg5[%mul3A_2, %dma_start3A_16] : memref<50176x18xf32, #tpu.memory_space<hbm>> -> memref<3136x18xf32, #tpu.memory_space<hbm>>
      tpu.enqueue_dma source(%dma_start3A_17 : memref<3136x18xf32, #tpu.memory_space<hbm>>) target(%dma_start3A_15 : memref<3136x18xf32, #tpu.memory_space<vmem_shared>>) target_semaphore(%run_scoped3A : memref<!tpu.dma_semaphore, #tpu.memory_space<semaphore_mem>>)
      %dma_wait3A = arith.constant 0 : i32
      %dma_wait3A_18 = tpu.memref_slice %arg10[%mul3A_4, %dma_wait3A] : memref<50176x18xf32, #tpu.memory_space<vmem_shared>> -> memref<3136x18xf32, #tpu.memory_space<vmem_shared>>
      %dma_wait3A_19 = arith.constant 0 : i32
      %dma_wait3A_20 = tpu.memref_slice %arg5[%mul3A_2, %dma_wait3A_19] : memref<50176x18xf32, #tpu.memory_space<hbm>> -> memref<3136x18xf32, #tpu.memory_space<hbm>>
      tpu.wait_dma2 semaphore(%run_scoped3A : memref<!tpu.dma_semaphore, #tpu.memory_space<semaphore_mem>>) src(%dma_wait3A_20 : memref<3136x18xf32, #tpu.memory_space<hbm>>) dst(%dma_wait3A_18 : memref<3136x18xf32, #tpu.memory_space<vmem_shared>>)
      tpu.yield
    }) : () -> ()
    "tpu.region"() ({
      %run_scoped3A = tpu.sem_alloc : memref<!tpu.dma_semaphore, #tpu.memory_space<semaphore_mem>>
      %dma_start3A = arith.constant 0 : i32
      %dma_start3A_15 = arith.constant 0 : i32
      %dma_start3A_16 = tpu.memref_slice %arg3[%add3A, %dma_start3A, %dma_start3A_15] : memref<32x196x128xi32, #tpu.memory_space<hbm>> -> memref<1x196x128xi32, #tpu.memory_space<hbm>>
      %dma_start3A_17 = tpu.memref_squeeze %dma_start3A_16 : memref<1x196x128xi32, #tpu.memory_space<hbm>> -> memref<196x128xi32, #tpu.memory_space<hbm>>
      %dma_start3A_18 = arith.constant 0 : i32
      %dma_start3A_19 = arith.constant 0 : i32
      %dma_start3A_20 = tpu.memref_slice %arg3[%add3A, %dma_start3A_18, %dma_start3A_19] : memref<32x196x128xi32, #tpu.memory_space<hbm>> -> memref<1x196x128xi32, #tpu.memory_space<hbm>>
      %dma_start3A_21 = tpu.memref_squeeze %dma_start3A_20 : memref<1x196x128xi32, #tpu.memory_space<hbm>> -> memref<196x128xi32, #tpu.memory_space<hbm>>
      tpu.enqueue_dma source(%dma_start3A_21 : memref<196x128xi32, #tpu.memory_space<hbm>>) target(%arg7 : memref<196x128xi32, #tpu.memory_space<vmem>>) target_semaphore(%run_scoped3A : memref<!tpu.dma_semaphore, #tpu.memory_space<semaphore_mem>>)
      %dma_wait3A = arith.constant 0 : i32
      %dma_wait3A_22 = arith.constant 0 : i32
      %dma_wait3A_23 = tpu.memref_slice %arg3[%add3A, %dma_wait3A, %dma_wait3A_22] : memref<32x196x128xi32, #tpu.memory_space<hbm>> -> memref<1x196x128xi32, #tpu.memory_space<hbm>>
      %dma_wait3A_24 = tpu.memref_squeeze %dma_wait3A_23 : memref<1x196x128xi32, #tpu.memory_space<hbm>> -> memref<196x128xi32, #tpu.memory_space<hbm>>
      %dma_wait3A_25 = arith.constant 0 : i32
      %dma_wait3A_26 = arith.constant 0 : i32
      %dma_wait3A_27 = tpu.memref_slice %arg3[%add3A, %dma_wait3A_25, %dma_wait3A_26] : memref<32x196x128xi32, #tpu.memory_space<hbm>> -> memref<1x196x128xi32, #tpu.memory_space<hbm>>
      %dma_wait3A_28 = tpu.memref_squeeze %dma_wait3A_27 : memref<1x196x128xi32, #tpu.memory_space<hbm>> -> memref<196x128xi32, #tpu.memory_space<hbm>>
      tpu.wait_dma2 semaphore(%run_scoped3A : memref<!tpu.dma_semaphore, #tpu.memory_space<semaphore_mem>>) src(%dma_wait3A_28 : memref<196x128xi32, #tpu.memory_space<hbm>>) dst(%arg7 : memref<196x128xi32, #tpu.memory_space<vmem>>)
      tpu.yield
    }) : () -> ()
    "tpu.region"() ({
      %run_scoped3A = tpu.sem_alloc : memref<!tpu.dma_semaphore, #tpu.memory_space<semaphore_mem>>
      %dma_start3A = arith.constant 0 : i32
      %dma_start3A_15 = arith.constant 0 : i32
      %dma_start3A_16 = tpu.memref_slice %arg4[%add3A, %dma_start3A, %dma_start3A_15] : memref<32x196x128xi32, #tpu.memory_space<hbm>> -> memref<1x196x128xi32, #tpu.memory_space<hbm>>
      %dma_start3A_17 = tpu.memref_squeeze %dma_start3A_16 : memref<1x196x128xi32, #tpu.memory_space<hbm>> -> memref<196x128xi32, #tpu.memory_space<hbm>>
      %dma_start3A_18 = arith.constant 0 : i32
      %dma_start3A_19 = arith.constant 0 : i32
      %dma_start3A_20 = tpu.memref_slice %arg4[%add3A, %dma_start3A_18, %dma_start3A_19] : memref<32x196x128xi32, #tpu.memory_space<hbm>> -> memref<1x196x128xi32, #tpu.memory_space<hbm>>
      %dma_start3A_21 = tpu.memref_squeeze %dma_start3A_20 : memref<1x196x128xi32, #tpu.memory_space<hbm>> -> memref<196x128xi32, #tpu.memory_space<hbm>>
      tpu.enqueue_dma source(%dma_start3A_21 : memref<196x128xi32, #tpu.memory_space<hbm>>) target(%arg8 : memref<196x128xi32, #tpu.memory_space<vmem>>) target_semaphore(%run_scoped3A : memref<!tpu.dma_semaphore, #tpu.memory_space<semaphore_mem>>)
      %dma_wait3A = arith.constant 0 : i32
      %dma_wait3A_22 = arith.constant 0 : i32
      %dma_wait3A_23 = tpu.memref_slice %arg4[%add3A, %dma_wait3A, %dma_wait3A_22] : memref<32x196x128xi32, #tpu.memory_space<hbm>> -> memref<1x196x128xi32, #tpu.memory_space<hbm>>
      %dma_wait3A_24 = tpu.memref_squeeze %dma_wait3A_23 : memref<1x196x128xi32, #tpu.memory_space<hbm>> -> memref<196x128xi32, #tpu.memory_space<hbm>>
      %dma_wait3A_25 = arith.constant 0 : i32
      %dma_wait3A_26 = arith.constant 0 : i32
      %dma_wait3A_27 = tpu.memref_slice %arg4[%add3A, %dma_wait3A_25, %dma_wait3A_26] : memref<32x196x128xi32, #tpu.memory_space<hbm>> -> memref<1x196x128xi32, #tpu.memory_space<hbm>>
      %dma_wait3A_28 = tpu.memref_squeeze %dma_wait3A_27 : memref<1x196x128xi32, #tpu.memory_space<hbm>> -> memref<196x128xi32, #tpu.memory_space<hbm>>
      tpu.wait_dma2 semaphore(%run_scoped3A : memref<!tpu.dma_semaphore, #tpu.memory_space<semaphore_mem>>) src(%dma_wait3A_28 : memref<196x128xi32, #tpu.memory_space<hbm>>) dst(%arg8 : memref<196x128xi32, #tpu.memory_space<vmem>>)
      tpu.yield
    }) : () -> ()
    %barrier3A = arith.constant 0 : index
    tpu.barrier barrier_id(%barrier3A)
    %scan3A = arith.constant 0 : i32
    %scan3A_5 = arith.constant 0 : i32
    %scan3A_6 = arith.constant 196 : i32
    %scan3A_7 = arith.addi %scan3A_5, %scan3A_6 : i32
    %scan3A_8 = arith.constant 1 : i32
    scf.for %scan3A_15 = %scan3A_5 to %scan3A_7 step %scan3A_8  : i32 {
      %dma_start3A = arith.constant 0 : i32
      %dma_start3A_16 = tpu.memref_slice %arg7[%scan3A_15, %dma_start3A] : memref<196x128xi32, #tpu.memory_space<vmem>> -> memref<1x128xi32, #tpu.memory_space<vmem>>
      %dma_start3A_17 = tpu.memref_squeeze %dma_start3A_16 : memref<1x128xi32, #tpu.memory_space<vmem>> -> memref<128xi32, #tpu.memory_space<vmem>>
      %dma_start3A_18 = arith.constant 0 : i32
      %dma_start3A_19 = arith.constant 0 : i32
      %dma_start3A_20 = tpu.memref_slice %arg2[%dma_start3A_18, %dma_start3A_19] : memref<50176x18xf32, #tpu.memory_space<hbm>> -> memref<50176x18xf32, #tpu.memory_space<hbm>>
      tpu.enqueue_indirect_dma source(%dma_start3A_20 : memref<50176x18xf32, #tpu.memory_space<hbm>>) target(%arg9 : memref<128x18xf32, #tpu.memory_space<vmem>>) offsets(%dma_start3A_17 : memref<128xi32, #tpu.memory_space<vmem>>) semaphore(%arg11 : memref<!tpu.dma_semaphore, #tpu.memory_space<semaphore_mem>>)
      %dma_wait3A = arith.constant 0 : i32
      %dma_wait3A_21 = tpu.memref_slice %arg7[%scan3A_15, %dma_wait3A] : memref<196x128xi32, #tpu.memory_space<vmem>> -> memref<1x128xi32, #tpu.memory_space<vmem>>
      %dma_wait3A_22 = tpu.memref_squeeze %dma_wait3A_21 : memref<1x128xi32, #tpu.memory_space<vmem>> -> memref<128xi32, #tpu.memory_space<vmem>>
      %dma_wait3A_23 = arith.constant 0 : i32
      %dma_wait3A_24 = arith.constant 0 : i32
      %dma_wait3A_25 = tpu.memref_slice %arg2[%dma_wait3A_23, %dma_wait3A_24] : memref<50176x18xf32, #tpu.memory_space<hbm>> -> memref<50176x18xf32, #tpu.memory_space<hbm>>
      tpu.wait_indirect_dma semaphore(%arg11 : memref<!tpu.dma_semaphore, #tpu.memory_space<semaphore_mem>>) src(%dma_wait3A_25 : memref<50176x18xf32, #tpu.memory_space<hbm>>) dst(%arg9 : memref<128x18xf32, #tpu.memory_space<vmem>>)
      "tpu.region"() ({
        %run_scoped3A = tpu.sem_alloc : memref<!tpu.dma_semaphore, #tpu.memory_space<semaphore_mem>>
        %dma_start3A_26 = arith.constant 0 : i32
        %dma_start3A_27 = tpu.memref_slice %arg8[%scan3A_15, %dma_start3A_26] : memref<196x128xi32, #tpu.memory_space<vmem>> -> memref<1x128xi32, #tpu.memory_space<vmem>>
        %dma_start3A_28 = tpu.memref_squeeze %dma_start3A_27 : memref<1x128xi32, #tpu.memory_space<vmem>> -> memref<128xi32, #tpu.memory_space<vmem>>
        %dma_start3A_29 = arith.constant 0 : i32
        %dma_start3A_30 = arith.constant 0 : i32
        %dma_start3A_31 = tpu.memref_slice %arg10[%dma_start3A_29, %dma_start3A_30] : memref<50176x18xf32, #tpu.memory_space<vmem_shared>> -> memref<50176x18xf32, #tpu.memory_space<vmem_shared>>
        tpu.enqueue_indirect_dma source(%arg9 : memref<128x18xf32, #tpu.memory_space<vmem>>) target(%dma_start3A_31 : memref<50176x18xf32, #tpu.memory_space<vmem_shared>>) offsets(%dma_start3A_28 : memref<128xi32, #tpu.memory_space<vmem>>) semaphore(%run_scoped3A : memref<!tpu.dma_semaphore, #tpu.memory_space<semaphore_mem>>) {add = true}
        %dma_wait3A_32 = arith.constant 0 : i32
        %dma_wait3A_33 = tpu.memref_slice %arg8[%scan3A_15, %dma_wait3A_32] : memref<196x128xi32, #tpu.memory_space<vmem>> -> memref<1x128xi32, #tpu.memory_space<vmem>>
        %dma_wait3A_34 = tpu.memref_squeeze %dma_wait3A_33 : memref<1x128xi32, #tpu.memory_space<vmem>> -> memref<128xi32, #tpu.memory_space<vmem>>
        %dma_wait3A_35 = arith.constant 0 : i32
        %dma_wait3A_36 = arith.constant 0 : i32
        %dma_wait3A_37 = tpu.memref_slice %arg10[%dma_wait3A_35, %dma_wait3A_36] : memref<50176x18xf32, #tpu.memory_space<vmem_shared>> -> memref<50176x18xf32, #tpu.memory_space<vmem_shared>>
        tpu.wait_indirect_dma semaphore(%run_scoped3A : memref<!tpu.dma_semaphore, #tpu.memory_space<semaphore_mem>>) src(%arg9 : memref<128x18xf32, #tpu.memory_space<vmem>>) dst(%dma_wait3A_37 : memref<50176x18xf32, #tpu.memory_space<vmem_shared>>)
        tpu.yield
      }) : () -> ()
    }
    %scan3A_9 = arith.constant 196 : i32
    %barrier3A_10 = arith.constant 0 : index
    tpu.barrier barrier_id(%barrier3A_10)
    %mul3A_11 = arith.constant 3136 : i32
    %mul3A_12 = arith.muli %arg1, %mul3A_11 : i32
    %mul3A_13 = arith.constant 3136 : i32
    %mul3A_14 = arith.muli %arg1, %mul3A_13 : i32
    "tpu.region"() ({
      %run_scoped3A = tpu.sem_alloc : memref<!tpu.dma_semaphore, #tpu.memory_space<semaphore_mem>>
      %dma_start3A = arith.constant 0 : i32
      %dma_start3A_15 = tpu.memref_slice %arg6[%arg0, %mul3A_14, %dma_start3A] : memref<2x50176x18xf32, #tpu.memory_space<hbm>> -> memref<1x3136x18xf32, #tpu.memory_space<hbm>>
      %dma_start3A_16 = tpu.memref_squeeze %dma_start3A_15 : memref<1x3136x18xf32, #tpu.memory_space<hbm>> -> memref<3136x18xf32, #tpu.memory_space<hbm>>
      %dma_start3A_17 = arith.constant 0 : i32
      %dma_start3A_18 = tpu.memref_slice %arg10[%mul3A_12, %dma_start3A_17] : memref<50176x18xf32, #tpu.memory_space<vmem_shared>> -> memref<3136x18xf32, #tpu.memory_space<vmem_shared>>
      tpu.enqueue_dma source(%dma_start3A_18 : memref<3136x18xf32, #tpu.memory_space<vmem_shared>>) target(%dma_start3A_16 : memref<3136x18xf32, #tpu.memory_space<hbm>>) target_semaphore(%run_scoped3A : memref<!tpu.dma_semaphore, #tpu.memory_space<semaphore_mem>>)
      %dma_wait3A = arith.constant 0 : i32
      %dma_wait3A_19 = tpu.memref_slice %arg6[%arg0, %mul3A_14, %dma_wait3A] : memref<2x50176x18xf32, #tpu.memory_space<hbm>> -> memref<1x3136x18xf32, #tpu.memory_space<hbm>>
      %dma_wait3A_20 = tpu.memref_squeeze %dma_wait3A_19 : memref<1x3136x18xf32, #tpu.memory_space<hbm>> -> memref<3136x18xf32, #tpu.memory_space<hbm>>
      %dma_wait3A_21 = arith.constant 0 : i32
      %dma_wait3A_22 = tpu.memref_slice %arg10[%mul3A_12, %dma_wait3A_21] : memref<50176x18xf32, #tpu.memory_space<vmem_shared>> -> memref<3136x18xf32, #tpu.memory_space<vmem_shared>>
      tpu.wait_dma2 semaphore(%run_scoped3A : memref<!tpu.dma_semaphore, #tpu.memory_space<semaphore_mem>>) src(%dma_wait3A_22 : memref<3136x18xf32, #tpu.memory_space<vmem_shared>>) dst(%dma_wait3A_20 : memref<3136x18xf32, #tpu.memory_space<hbm>>)
      tpu.yield
    }) : () -> ()
    return
  }
}

#map = affine_map<(d0, d1) -> (0, 0)>
#map1 = affine_map<(d0, d1) -> (0, 0, 0)>
module attributes {stable_mosaic.version = 14 : i64} {
  func.func @prop_kernel(%arg0: i32, %arg1: i32, %arg2: memref<50176x18xf32, #tpu.memory_space<hbm>>, %arg3: memref<32x196x128xi32, #tpu.memory_space<hbm>>, %arg4: memref<32x196x128xi32, #tpu.memory_space<hbm>>, %arg5: memref<50176x18xf32, #tpu.memory_space<hbm>>, %arg6: memref<2x50176x18xf32, #tpu.memory_space<hbm>>, %arg7: memref<196x128xi32, #tpu.memory_space<vmem>>, %arg8: memref<196x128xi32, #tpu.memory_space<vmem>>, %arg9: memref<128x18xf32, #tpu.memory_space<vmem>>, %arg10: memref<50176x18xf32, #tpu.memory_space<vmem_shared>>, %arg11: memref<!tpu.dma_semaphore, #tpu.memory_space<semaphore_mem>>) attributes {dimension_semantics = [#tpu.dimension_semantics<core_parallel>, #tpu.dimension_semantics<subcore_parallel>], iteration_bounds = array<i64: 2, 16>, scalar_prefetch = 0 : i64, scratch_operands = 5 : i64, tpu.core_type = #tpu.core_type<sc_vector_subcore>, window_params = [{transform_indices = #map}, {transform_indices = #map1}, {transform_indices = #map1}, {transform_indices = #map}, {transform_indices = #map1}]} {
    %mul3A = arith.constant 2 : i32
    %mul3A_0 = arith.muli %arg1, %mul3A : i32
    %add3A = arith.addi %mul3A_0, %arg0 : i32
    %mul3A_1 = arith.constant 3136 : i32
    %mul3A_2 = arith.muli %arg1, %mul3A_1 : i32
    %mul3A_3 = arith.constant 3136 : i32
    %mul3A_4 = arith.muli %arg1, %mul3A_3 : i32
    "tpu.region"() ({
      %run_scoped3A = tpu.sem_alloc : memref<!tpu.dma_semaphore, #tpu.memory_space<semaphore_mem>>
      %dma_start3A = arith.constant 0 : i32
      %dma_start3A_15 = tpu.memref_slice %arg10[%mul3A_4, %dma_start3A] : memref<50176x18xf32, #tpu.memory_space<vmem_shared>> -> memref<3136x18xf32, #tpu.memory_space<vmem_shared>>
      %dma_start3A_16 = arith.constant 0 : i32
      %dma_start3A_17 = tpu.memref_slice %arg5[%mul3A_2, %dma_start3A_16] : memref<50176x18xf32, #tpu.memory_space<hbm>> -> memref<3136x18xf32, #tpu.memory_space<hbm>>
      tpu.enqueue_dma source(%dma_start3A_17 : memref<3136x18xf32, #tpu.memory_space<hbm>>) target(%dma_start3A_15 : memref<3136x18xf32, #tpu.memory_space<vmem_shared>>) target_semaphore(%run_scoped3A : memref<!tpu.dma_semaphore, #tpu.memory_space<semaphore_mem>>)
      %dma_wait3A = arith.constant 0 : i32
      %dma_wait3A_18 = tpu.memref_slice %arg10[%mul3A_4, %dma_wait3A] : memref<50176x18xf32, #tpu.memory_space<vmem_shared>> -> memref<3136x18xf32, #tpu.memory_space<vmem_shared>>
      %dma_wait3A_19 = arith.constant 0 : i32
      %dma_wait3A_20 = tpu.memref_slice %arg5[%mul3A_2, %dma_wait3A_19] : memref<50176x18xf32, #tpu.memory_space<hbm>> -> memref<3136x18xf32, #tpu.memory_space<hbm>>
      tpu.wait_dma2 semaphore(%run_scoped3A : memref<!tpu.dma_semaphore, #tpu.memory_space<semaphore_mem>>) src(%dma_wait3A_20 : memref<3136x18xf32, #tpu.memory_space<hbm>>) dst(%dma_wait3A_18 : memref<3136x18xf32, #tpu.memory_space<vmem_shared>>)
      tpu.yield
    }) : () -> ()
    "tpu.region"() ({
      %run_scoped3A = tpu.sem_alloc : memref<!tpu.dma_semaphore, #tpu.memory_space<semaphore_mem>>
      %dma_start3A = arith.constant 0 : i32
      %dma_start3A_15 = arith.constant 0 : i32
      %dma_start3A_16 = tpu.memref_slice %arg3[%add3A, %dma_start3A, %dma_start3A_15] : memref<32x196x128xi32, #tpu.memory_space<hbm>> -> memref<1x196x128xi32, #tpu.memory_space<hbm>>
      %dma_start3A_17 = tpu.memref_squeeze %dma_start3A_16 : memref<1x196x128xi32, #tpu.memory_space<hbm>> -> memref<196x128xi32, #tpu.memory_space<hbm>>
      %dma_start3A_18 = arith.constant 0 : i32
      %dma_start3A_19 = arith.constant 0 : i32
      %dma_start3A_20 = tpu.memref_slice %arg3[%add3A, %dma_start3A_18, %dma_start3A_19] : memref<32x196x128xi32, #tpu.memory_space<hbm>> -> memref<1x196x128xi32, #tpu.memory_space<hbm>>
      %dma_start3A_21 = tpu.memref_squeeze %dma_start3A_20 : memref<1x196x128xi32, #tpu.memory_space<hbm>> -> memref<196x128xi32, #tpu.memory_space<hbm>>
      tpu.enqueue_dma source(%dma_start3A_21 : memref<196x128xi32, #tpu.memory_space<hbm>>) target(%arg7 : memref<196x128xi32, #tpu.memory_space<vmem>>) target_semaphore(%run_scoped3A : memref<!tpu.dma_semaphore, #tpu.memory_space<semaphore_mem>>)
      %dma_wait3A = arith.constant 0 : i32
      %dma_wait3A_22 = arith.constant 0 : i32
      %dma_wait3A_23 = tpu.memref_slice %arg3[%add3A, %dma_wait3A, %dma_wait3A_22] : memref<32x196x128xi32, #tpu.memory_space<hbm>> -> memref<1x196x128xi32, #tpu.memory_space<hbm>>
      %dma_wait3A_24 = tpu.memref_squeeze %dma_wait3A_23 : memref<1x196x128xi32, #tpu.memory_space<hbm>> -> memref<196x128xi32, #tpu.memory_space<hbm>>
      %dma_wait3A_25 = arith.constant 0 : i32
      %dma_wait3A_26 = arith.constant 0 : i32
      %dma_wait3A_27 = tpu.memref_slice %arg3[%add3A, %dma_wait3A_25, %dma_wait3A_26] : memref<32x196x128xi32, #tpu.memory_space<hbm>> -> memref<1x196x128xi32, #tpu.memory_space<hbm>>
      %dma_wait3A_28 = tpu.memref_squeeze %dma_wait3A_27 : memref<1x196x128xi32, #tpu.memory_space<hbm>> -> memref<196x128xi32, #tpu.memory_space<hbm>>
      tpu.wait_dma2 semaphore(%run_scoped3A : memref<!tpu.dma_semaphore, #tpu.memory_space<semaphore_mem>>) src(%dma_wait3A_28 : memref<196x128xi32, #tpu.memory_space<hbm>>) dst(%arg7 : memref<196x128xi32, #tpu.memory_space<vmem>>)
      tpu.yield
    }) : () -> ()
    "tpu.region"() ({
      %run_scoped3A = tpu.sem_alloc : memref<!tpu.dma_semaphore, #tpu.memory_space<semaphore_mem>>
      %dma_start3A = arith.constant 0 : i32
      %dma_start3A_15 = arith.constant 0 : i32
      %dma_start3A_16 = tpu.memref_slice %arg4[%add3A, %dma_start3A, %dma_start3A_15] : memref<32x196x128xi32, #tpu.memory_space<hbm>> -> memref<1x196x128xi32, #tpu.memory_space<hbm>>
      %dma_start3A_17 = tpu.memref_squeeze %dma_start3A_16 : memref<1x196x128xi32, #tpu.memory_space<hbm>> -> memref<196x128xi32, #tpu.memory_space<hbm>>
      %dma_start3A_18 = arith.constant 0 : i32
      %dma_start3A_19 = arith.constant 0 : i32
      %dma_start3A_20 = tpu.memref_slice %arg4[%add3A, %dma_start3A_18, %dma_start3A_19] : memref<32x196x128xi32, #tpu.memory_space<hbm>> -> memref<1x196x128xi32, #tpu.memory_space<hbm>>
      %dma_start3A_21 = tpu.memref_squeeze %dma_start3A_20 : memref<1x196x128xi32, #tpu.memory_space<hbm>> -> memref<196x128xi32, #tpu.memory_space<hbm>>
      tpu.enqueue_dma source(%dma_start3A_21 : memref<196x128xi32, #tpu.memory_space<hbm>>) target(%arg8 : memref<196x128xi32, #tpu.memory_space<vmem>>) target_semaphore(%run_scoped3A : memref<!tpu.dma_semaphore, #tpu.memory_space<semaphore_mem>>)
      %dma_wait3A = arith.constant 0 : i32
      %dma_wait3A_22 = arith.constant 0 : i32
      %dma_wait3A_23 = tpu.memref_slice %arg4[%add3A, %dma_wait3A, %dma_wait3A_22] : memref<32x196x128xi32, #tpu.memory_space<hbm>> -> memref<1x196x128xi32, #tpu.memory_space<hbm>>
      %dma_wait3A_24 = tpu.memref_squeeze %dma_wait3A_23 : memref<1x196x128xi32, #tpu.memory_space<hbm>> -> memref<196x128xi32, #tpu.memory_space<hbm>>
      %dma_wait3A_25 = arith.constant 0 : i32
      %dma_wait3A_26 = arith.constant 0 : i32
      %dma_wait3A_27 = tpu.memref_slice %arg4[%add3A, %dma_wait3A_25, %dma_wait3A_26] : memref<32x196x128xi32, #tpu.memory_space<hbm>> -> memref<1x196x128xi32, #tpu.memory_space<hbm>>
      %dma_wait3A_28 = tpu.memref_squeeze %dma_wait3A_27 : memref<1x196x128xi32, #tpu.memory_space<hbm>> -> memref<196x128xi32, #tpu.memory_space<hbm>>
      tpu.wait_dma2 semaphore(%run_scoped3A : memref<!tpu.dma_semaphore, #tpu.memory_space<semaphore_mem>>) src(%dma_wait3A_28 : memref<196x128xi32, #tpu.memory_space<hbm>>) dst(%arg8 : memref<196x128xi32, #tpu.memory_space<vmem>>)
      tpu.yield
    }) : () -> ()
    %barrier3A = arith.constant 0 : index
    tpu.barrier barrier_id(%barrier3A)
    %scan3A = arith.constant 0 : i32
    %scan3A_5 = arith.constant 0 : i32
    %scan3A_6 = arith.constant 196 : i32
    %scan3A_7 = arith.addi %scan3A_5, %scan3A_6 : i32
    %scan3A_8 = arith.constant 1 : i32
    scf.for %scan3A_15 = %scan3A_5 to %scan3A_7 step %scan3A_8  : i32 {
      %dma_start3A = arith.constant 0 : i32
      %dma_start3A_16 = tpu.memref_slice %arg7[%scan3A_15, %dma_start3A] : memref<196x128xi32, #tpu.memory_space<vmem>> -> memref<1x128xi32, #tpu.memory_space<vmem>>
      %dma_start3A_17 = tpu.memref_squeeze %dma_start3A_16 : memref<1x128xi32, #tpu.memory_space<vmem>> -> memref<128xi32, #tpu.memory_space<vmem>>
      %dma_start3A_18 = arith.constant 0 : i32
      %dma_start3A_19 = arith.constant 0 : i32
      %dma_start3A_20 = tpu.memref_slice %arg2[%dma_start3A_18, %dma_start3A_19] : memref<50176x18xf32, #tpu.memory_space<hbm>> -> memref<50176x18xf32, #tpu.memory_space<hbm>>
      tpu.enqueue_indirect_dma source(%dma_start3A_20 : memref<50176x18xf32, #tpu.memory_space<hbm>>) target(%arg9 : memref<128x18xf32, #tpu.memory_space<vmem>>) offsets(%dma_start3A_17 : memref<128xi32, #tpu.memory_space<vmem>>) semaphore(%arg11 : memref<!tpu.dma_semaphore, #tpu.memory_space<semaphore_mem>>)
      %dma_wait3A = arith.constant 0 : i32
      %dma_wait3A_21 = tpu.memref_slice %arg7[%scan3A_15, %dma_wait3A] : memref<196x128xi32, #tpu.memory_space<vmem>> -> memref<1x128xi32, #tpu.memory_space<vmem>>
      %dma_wait3A_22 = tpu.memref_squeeze %dma_wait3A_21 : memref<1x128xi32, #tpu.memory_space<vmem>> -> memref<128xi32, #tpu.memory_space<vmem>>
      %dma_wait3A_23 = arith.constant 0 : i32
      %dma_wait3A_24 = arith.constant 0 : i32
      %dma_wait3A_25 = tpu.memref_slice %arg2[%dma_wait3A_23, %dma_wait3A_24] : memref<50176x18xf32, #tpu.memory_space<hbm>> -> memref<50176x18xf32, #tpu.memory_space<hbm>>
      tpu.wait_indirect_dma semaphore(%arg11 : memref<!tpu.dma_semaphore, #tpu.memory_space<semaphore_mem>>) src(%dma_wait3A_25 : memref<50176x18xf32, #tpu.memory_space<hbm>>) dst(%arg9 : memref<128x18xf32, #tpu.memory_space<vmem>>)
      "tpu.region"() ({
        %run_scoped3A = tpu.sem_alloc : memref<!tpu.dma_semaphore, #tpu.memory_space<semaphore_mem>>
        %dma_start3A_26 = arith.constant 0 : i32
        %dma_start3A_27 = tpu.memref_slice %arg8[%scan3A_15, %dma_start3A_26] : memref<196x128xi32, #tpu.memory_space<vmem>> -> memref<1x128xi32, #tpu.memory_space<vmem>>
        %dma_start3A_28 = tpu.memref_squeeze %dma_start3A_27 : memref<1x128xi32, #tpu.memory_space<vmem>> -> memref<128xi32, #tpu.memory_space<vmem>>
        %dma_start3A_29 = arith.constant 0 : i32
        %dma_start3A_30 = arith.constant 0 : i32
        %dma_start3A_31 = tpu.memref_slice %arg10[%dma_start3A_29, %dma_start3A_30] : memref<50176x18xf32, #tpu.memory_space<vmem_shared>> -> memref<50176x18xf32, #tpu.memory_space<vmem_shared>>
        tpu.enqueue_indirect_dma source(%arg9 : memref<128x18xf32, #tpu.memory_space<vmem>>) target(%dma_start3A_31 : memref<50176x18xf32, #tpu.memory_space<vmem_shared>>) offsets(%dma_start3A_28 : memref<128xi32, #tpu.memory_space<vmem>>) semaphore(%run_scoped3A : memref<!tpu.dma_semaphore, #tpu.memory_space<semaphore_mem>>) {add = true}
        %dma_wait3A_32 = arith.constant 0 : i32
        %dma_wait3A_33 = tpu.memref_slice %arg8[%scan3A_15, %dma_wait3A_32] : memref<196x128xi32, #tpu.memory_space<vmem>> -> memref<1x128xi32, #tpu.memory_space<vmem>>
        %dma_wait3A_34 = tpu.memref_squeeze %dma_wait3A_33 : memref<1x128xi32, #tpu.memory_space<vmem>> -> memref<128xi32, #tpu.memory_space<vmem>>
        %dma_wait3A_35 = arith.constant 0 : i32
        %dma_wait3A_36 = arith.constant 0 : i32
        %dma_wait3A_37 = tpu.memref_slice %arg10[%dma_wait3A_35, %dma_wait3A_36] : memref<50176x18xf32, #tpu.memory_space<vmem_shared>> -> memref<50176x18xf32, #tpu.memory_space<vmem_shared>>
        tpu.wait_indirect_dma semaphore(%run_scoped3A : memref<!tpu.dma_semaphore, #tpu.memory_space<semaphore_mem>>) src(%arg9 : memref<128x18xf32, #tpu.memory_space<vmem>>) dst(%dma_wait3A_37 : memref<50176x18xf32, #tpu.memory_space<vmem_shared>>)
        tpu.yield
      }) : () -> ()
    }
    %scan3A_9 = arith.constant 196 : i32
    %barrier3A_10 = arith.constant 0 : index
    tpu.barrier barrier_id(%barrier3A_10)
    %mul3A_11 = arith.constant 3136 : i32
    %mul3A_12 = arith.muli %arg1, %mul3A_11 : i32
    %mul3A_13 = arith.constant 3136 : i32
    %mul3A_14 = arith.muli %arg1, %mul3A_13 : i32
    "tpu.region"() ({
      %run_scoped3A = tpu.sem_alloc : memref<!tpu.dma_semaphore, #tpu.memory_space<semaphore_mem>>
      %dma_start3A = arith.constant 0 : i32
      %dma_start3A_15 = tpu.memref_slice %arg6[%arg0, %mul3A_14, %dma_start3A] : memref<2x50176x18xf32, #tpu.memory_space<hbm>> -> memref<1x3136x18xf32, #tpu.memory_space<hbm>>
      %dma_start3A_16 = tpu.memref_squeeze %dma_start3A_15 : memref<1x3136x18xf32, #tpu.memory_space<hbm>> -> memref<3136x18xf32, #tpu.memory_space<hbm>>
      %dma_start3A_17 = arith.constant 0 : i32
      %dma_start3A_18 = tpu.memref_slice %arg10[%mul3A_12, %dma_start3A_17] : memref<50176x18xf32, #tpu.memory_space<vmem_shared>> -> memref<3136x18xf32, #tpu.memory_space<vmem_shared>>
      tpu.enqueue_dma source(%dma_start3A_18 : memref<3136x18xf32, #tpu.memory_space<vmem_shared>>) target(%dma_start3A_16 : memref<3136x18xf32, #tpu.memory_space<hbm>>) target_semaphore(%run_scoped3A : memref<!tpu.dma_semaphore, #tpu.memory_space<semaphore_mem>>)
      %dma_wait3A = arith.constant 0 : i32
      %dma_wait3A_19 = tpu.memref_slice %arg6[%arg0, %mul3A_14, %dma_wait3A] : memref<2x50176x18xf32, #tpu.memory_space<hbm>> -> memref<1x3136x18xf32, #tpu.memory_space<hbm>>
      %dma_wait3A_20 = tpu.memref_squeeze %dma_wait3A_19 : memref<1x3136x18xf32, #tpu.memory_space<hbm>> -> memref<3136x18xf32, #tpu.memory_space<hbm>>
      %dma_wait3A_21 = arith.constant 0 : i32
      %dma_wait3A_22 = tpu.memref_slice %arg10[%mul3A_12, %dma_wait3A_21] : memref<50176x18xf32, #tpu.memory_space<vmem_shared>> -> memref<3136x18xf32, #tpu.memory_space<vmem_shared>>
      tpu.wait_dma2 semaphore(%run_scoped3A : memref<!tpu.dma_semaphore, #tpu.memory_space<semaphore_mem>>) src(%dma_wait3A_22 : memref<3136x18xf32, #tpu.memory_space<vmem_shared>>) dst(%dma_wait3A_20 : memref<3136x18xf32, #tpu.memory_space<hbm>>)
      tpu.yield
    }) : () -> ()
    return
  }
}

module attributes {stable_mosaic.version = 14 : i64} {
  func.func @_tc0_body(%arg0: i32, %arg1: memref<3136x1xf32, #tpu.memory_space<vmem>>, %arg2: memref<8x18xf32, #tpu.memory_space<vmem>>, %arg3: memref<2x3136x1xf32, #tpu.memory_space<vmem>>, %arg4: memref<3136x18xf32, #tpu.memory_space<vmem>>, %arg5: memref<3136x18xf32, #tpu.memory_space<vmem>>, %arg6: memref<3136x1xf32, #tpu.memory_space<vmem>>) attributes {dimension_semantics = [#tpu.dimension_semantics<arbitrary>], iteration_bounds = array<i64: 16>, scalar_prefetch = 0 : i64, scratch_operands = 0 : i64, tpu.core_type = #tpu.core_type<tc>, window_params = [{transform_indices = @transform_0, window_bounds = array<i64: 3136, 1>}, {pipeline_mode = #tpu.pipeline_mode<synchronous>, transform_indices = @transform_1, window_bounds = array<i64: 8, 18>}, {transform_indices = @transform_2, window_bounds = array<i64: 2, 3136, 1>}, {transform_indices = @transform_3, window_bounds = array<i64: 3136, 18>}, {transform_indices = @transform_4, window_bounds = array<i64: 3136, 18>}, {transform_indices = @transform_5, window_bounds = array<i64: 3136, 1>}]} {
    %get3A = arith.constant 0 : index
    %get3A_0 = arith.constant 0 : index
    %get3A_1 = vector.load %arg1[%get3A, %get3A_0] : memref<3136x1xf32, #tpu.memory_space<vmem>>, vector<3136x1xf32>
    %get3A_2 = arith.constant 0 : index
    %get3A_3 = arith.constant 0 : index
    %get3A_4 = vector.load %arg2[%get3A_2, %get3A_3] : memref<8x18xf32, #tpu.memory_space<vmem>>, vector<8x18xf32>
    %eq3A = arith.constant -1.000000e+00 : f32
    %eq3A_5 = vector.broadcast %eq3A : f32 to vector<3136x1xf32>
    %eq3A_6 = arith.cmpf oeq, %get3A_1, %eq3A_5 : vector<3136x1xf32>
    %jit3A = arith.constant 1.000000e+00 : f32
    %jit3A_7 = arith.constant 0.000000e+00 : f32
    %broadcast_in_dim3A = vector.broadcast %jit3A : f32 to vector<3136x1xf32>
    %broadcast_in_dim3A_8 = vector.broadcast %jit3A_7 : f32 to vector<3136x1xf32>
    %select_n3A = arith.select %eq3A_6, %broadcast_in_dim3A, %broadcast_in_dim3A_8 : vector<3136x1xi1>, vector<3136x1xf32>
    %slice3A = vector.extract_strided_slice %get3A_4 {offsets = [0, 0], sizes = [1, 18], strides = [1, 1]} : vector<8x18xf32> to vector<1x18xf32>
    %mul3A = vector.broadcast %select_n3A : vector<3136x1xf32> to vector<3136x18xf32>
    %mul3A_9 = vector.broadcast %slice3A : vector<1x18xf32> to vector<3136x18xf32>
    %mul3A_10 = arith.mulf %mul3A, %mul3A_9 : vector<3136x18xf32>
    %eq3A_11 = arith.constant 0.000000e+00 : f32
    %eq3A_12 = vector.broadcast %eq3A_11 : f32 to vector<3136x1xf32>
    %eq3A_13 = arith.cmpf oeq, %get3A_1, %eq3A_12 : vector<3136x1xf32>
    %jit3A_14 = arith.constant 1.000000e+00 : f32
    %jit3A_15 = arith.constant 0.000000e+00 : f32
    %broadcast_in_dim3A_16 = vector.broadcast %jit3A_14 : f32 to vector<3136x1xf32>
    %broadcast_in_dim3A_17 = vector.broadcast %jit3A_15 : f32 to vector<3136x1xf32>
    %select_n3A_18 = arith.select %eq3A_13, %broadcast_in_dim3A_16, %broadcast_in_dim3A_17 : vector<3136x1xi1>, vector<3136x1xf32>
    %slice3A_19 = vector.extract_strided_slice %get3A_4 {offsets = [1, 0], sizes = [1, 18], strides = [1, 1]} : vector<8x18xf32> to vector<1x18xf32>
    %mul3A_20 = vector.broadcast %select_n3A_18 : vector<3136x1xf32> to vector<3136x18xf32>
    %mul3A_21 = vector.broadcast %slice3A_19 : vector<1x18xf32> to vector<3136x18xf32>
    %mul3A_22 = arith.mulf %mul3A_20, %mul3A_21 : vector<3136x18xf32>
    %add3A = arith.addf %mul3A_10, %mul3A_22 : vector<3136x18xf32>
    %eq3A_23 = arith.constant 1.000000e+00 : f32
    %eq3A_24 = vector.broadcast %eq3A_23 : f32 to vector<3136x1xf32>
    %eq3A_25 = arith.cmpf oeq, %get3A_1, %eq3A_24 : vector<3136x1xf32>
    %jit3A_26 = arith.constant 1.000000e+00 : f32
    %jit3A_27 = arith.constant 0.000000e+00 : f32
    %broadcast_in_dim3A_28 = vector.broadcast %jit3A_26 : f32 to vector<3136x1xf32>
    %broadcast_in_dim3A_29 = vector.broadcast %jit3A_27 : f32 to vector<3136x1xf32>
    %select_n3A_30 = arith.select %eq3A_25, %broadcast_in_dim3A_28, %broadcast_in_dim3A_29 : vector<3136x1xi1>, vector<3136x1xf32>
    %slice3A_31 = vector.extract_strided_slice %get3A_4 {offsets = [2, 0], sizes = [1, 18], strides = [1, 1]} : vector<8x18xf32> to vector<1x18xf32>
    %mul3A_32 = vector.broadcast %select_n3A_30 : vector<3136x1xf32> to vector<3136x18xf32>
    %mul3A_33 = vector.broadcast %slice3A_31 : vector<1x18xf32> to vector<3136x18xf32>
    %mul3A_34 = arith.mulf %mul3A_32, %mul3A_33 : vector<3136x18xf32>
    %add3A_35 = arith.addf %add3A, %mul3A_34 : vector<3136x18xf32>
    %get3A_36 = arith.constant 0 : index
    %get3A_37 = arith.constant 0 : index
    %get3A_38 = arith.constant 0 : index
    %get3A_39 = vector.load %arg3[%get3A_36, %get3A_37, %get3A_38] : memref<2x3136x1xf32, #tpu.memory_space<vmem>>, vector<1x3136x1xf32>
    %get3A_40 = vector.shape_cast %get3A_39 : vector<1x3136x1xf32> to vector<3136x1xf32>
    %get3A_41 = arith.constant 1 : index
    %get3A_42 = arith.constant 0 : index
    %get3A_43 = arith.constant 0 : index
    %get3A_44 = vector.load %arg3[%get3A_41, %get3A_42, %get3A_43] : memref<2x3136x1xf32, #tpu.memory_space<vmem>>, vector<1x3136x1xf32>
    %get3A_45 = vector.shape_cast %get3A_44 : vector<1x3136x1xf32> to vector<3136x1xf32>
    %add3A_46 = arith.addf %get3A_40, %get3A_45 : vector<3136x1xf32>
    %add3A_47 = arith.constant 1.000000e+00 : f32
    %add3A_48 = vector.broadcast %add3A_47 : f32 to vector<3136x1xf32>
    %add3A_49 = arith.addf %add3A_46, %add3A_48 : vector<3136x1xf32>
    %rsqrt3A = math.rsqrt %add3A_49 : vector<3136x1xf32>
    %swap3A = arith.constant 0 : index
    %swap3A_50 = arith.constant 0 : index
    %swap3A_51 = vector.load %arg4[%swap3A, %swap3A_50] : memref<3136x18xf32, #tpu.memory_space<vmem>>, vector<3136x18xf32>
    tpu.vector_store %arg4[%swap3A, %swap3A_50], %add3A_35 {strides = array<i32>} : memref<3136x18xf32, #tpu.memory_space<vmem>>, vector<3136x18xf32>,
    %mul3A_52 = vector.broadcast %rsqrt3A : vector<3136x1xf32> to vector<3136x18xf32>
    %mul3A_53 = arith.mulf %add3A_35, %mul3A_52 : vector<3136x18xf32>
    %swap3A_54 = arith.constant 0 : index
    %swap3A_55 = arith.constant 0 : index
    %swap3A_56 = vector.load %arg5[%swap3A_54, %swap3A_55] : memref<3136x18xf32, #tpu.memory_space<vmem>>, vector<3136x18xf32>
    tpu.vector_store %arg5[%swap3A_54, %swap3A_55], %mul3A_53 {strides = array<i32>} : memref<3136x18xf32, #tpu.memory_space<vmem>>, vector<3136x18xf32>,
    %swap3A_57 = arith.constant 0 : index
    %swap3A_58 = arith.constant 0 : index
    %swap3A_59 = vector.load %arg6[%swap3A_57, %swap3A_58] : memref<3136x1xf32, #tpu.memory_space<vmem>>, vector<3136x1xf32>
    tpu.vector_store %arg6[%swap3A_57, %swap3A_58], %rsqrt3A {strides = array<i32>} : memref<3136x1xf32, #tpu.memory_space<vmem>>, vector<3136x1xf32>,
    return
  }
  func.func @transform_0(%arg0: i32) -> (i32, i32) {
    %c0_i32 = arith.constant 0 : i32
    %c0_i32_0 = arith.constant 0 : i32
    return %arg0, %c0_i32 : i32, i32
  }
  func.func @transform_1(%arg0: i32) -> (i32, i32) {
    %c0_i32 = arith.constant 0 : i32
    %c0_i32_0 = arith.constant 0 : i32
    %c0_i32_1 = arith.constant 0 : i32
    return %c0_i32, %c0_i32_0 : i32, i32
  }
  func.func @transform_2(%arg0: i32) -> (i32, i32, i32) {
    %c0_i32 = arith.constant 0 : i32
    %c0_i32_0 = arith.constant 0 : i32
    %c0_i32_1 = arith.constant 0 : i32
    return %c0_i32, %arg0, %c0_i32_0 : i32, i32, i32
  }
  func.func @transform_3(%arg0: i32) -> (i32, i32) {
    %c0_i32 = arith.constant 0 : i32
    %c0_i32_0 = arith.constant 0 : i32
    return %arg0, %c0_i32 : i32, i32
  }
  func.func @transform_4(%arg0: i32) -> (i32, i32) {
    %c0_i32 = arith.constant 0 : i32
    %c0_i32_0 = arith.constant 0 : i32
    return %arg0, %c0_i32 : i32, i32
  }
  func.func @transform_5(%arg0: i32) -> (i32, i32) {
    %c0_i32 = arith.constant 0 : i32
    %c0_i32_0 = arith.constant 0 : i32
    return %arg0, %c0_i32 : i32, i32
  }
}

module attributes {stable_mosaic.version = 14 : i64} {
  func.func @_post_body(%arg0: i32, %arg1: memref<2x3136x18xf32, #tpu.memory_space<vmem>>, %arg2: memref<3136x18xf32, #tpu.memory_space<vmem>>, %arg3: memref<3136x1xf32, #tpu.memory_space<vmem>>, %arg4: memref<3136x18xf32, #tpu.memory_space<vmem>>, %arg5: memref<16x3136xf32, #tpu.memory_space<vmem>>, %arg6: memref<3136x16xf32, #tpu.memory_space<vmem>>, %arg7: memref<18x18xf32, #tpu.memory_space<vmem>>, %arg8: memref<1x18xf32, #tpu.memory_space<vmem>>, %arg9: memref<1x18xf32, #tpu.memory_space<vmem>>, %arg10: memref<1x18xf32, #tpu.memory_space<vmem>>, %arg11: memref<1x18xf32, #tpu.memory_space<vmem>>, %arg12: memref<18x36xf32, #tpu.memory_space<vmem>>, %arg13: memref<1x36xf32, #tpu.memory_space<vmem>>, %arg14: memref<3136x18xf32, #tpu.memory_space<vmem>>, %arg15: memref<3136x36xf32, #tpu.memory_space<vmem>>) attributes {dimension_semantics = [#tpu.dimension_semantics<arbitrary>], iteration_bounds = array<i64: 16>, scalar_prefetch = 0 : i64, scratch_operands = 0 : i64, tpu.core_type = #tpu.core_type<tc>, window_params = [{transform_indices = @transform_0, window_bounds = array<i64: 2, 3136, 18>}, {transform_indices = @transform_1, window_bounds = array<i64: 3136, 18>}, {transform_indices = @transform_2, window_bounds = array<i64: 3136, 1>}, {transform_indices = @transform_3, window_bounds = array<i64: 3136, 18>}, {pipeline_mode = #tpu.pipeline_mode<synchronous>, transform_indices = @transform_4, window_bounds = array<i64: 16, 3136>}, {pipeline_mode = #tpu.pipeline_mode<synchronous>, transform_indices = @transform_5, window_bounds = array<i64: 3136, 16>}, {pipeline_mode = #tpu.pipeline_mode<synchronous>, transform_indices = @transform_6, window_bounds = array<i64: 18, 18>}, {pipeline_mode = #tpu.pipeline_mode<synchronous>, transform_indices = @transform_7, window_bounds = array<i64: 1, 18>}, {pipeline_mode = #tpu.pipeline_mode<synchronous>, transform_indices = @transform_8, window_bounds = array<i64: 1, 18>}, {pipeline_mode = #tpu.pipeline_mode<synchronous>, transform_indices = @transform_9, window_bounds = array<i64: 1, 18>}, {pipeline_mode = #tpu.pipeline_mode<synchronous>, transform_indices = @transform_10, window_bounds = array<i64: 1, 18>}, {pipeline_mode = #tpu.pipeline_mode<synchronous>, transform_indices = @transform_11, window_bounds = array<i64: 18, 36>}, {pipeline_mode = #tpu.pipeline_mode<synchronous>, transform_indices = @transform_12, window_bounds = array<i64: 1, 36>}, {transform_indices = @transform_13, window_bounds = array<i64: 3136, 18>}, {transform_indices = @transform_14, window_bounds = array<i64: 3136, 36>}]} {
    %get3A = arith.constant 0 : index
    %get3A_0 = arith.constant 0 : index
    %get3A_1 = vector.load %arg3[%get3A, %get3A_0] : memref<3136x1xf32, #tpu.memory_space<vmem>>, vector<3136x1xf32>
    %get3A_2 = arith.constant 0 : index
    %get3A_3 = arith.constant 0 : index
    %get3A_4 = arith.constant 0 : index
    %get3A_5 = vector.load %arg1[%get3A_2, %get3A_3, %get3A_4] : memref<2x3136x18xf32, #tpu.memory_space<vmem>>, vector<1x3136x18xf32>
    %get3A_6 = vector.shape_cast %get3A_5 : vector<1x3136x18xf32> to vector<3136x18xf32>
    %get3A_7 = arith.constant 1 : index
    %get3A_8 = arith.constant 0 : index
    %get3A_9 = arith.constant 0 : index
    %get3A_10 = vector.load %arg1[%get3A_7, %get3A_8, %get3A_9] : memref<2x3136x18xf32, #tpu.memory_space<vmem>>, vector<1x3136x18xf32>
    %get3A_11 = vector.shape_cast %get3A_10 : vector<1x3136x18xf32> to vector<3136x18xf32>
    %add3A = arith.addf %get3A_6, %get3A_11 : vector<3136x18xf32>
    %get3A_12 = arith.constant 0 : index
    %get3A_13 = arith.constant 0 : index
    %get3A_14 = vector.load %arg2[%get3A_12, %get3A_13] : memref<3136x18xf32, #tpu.memory_space<vmem>>, vector<3136x18xf32>
    %add3A_15 = arith.addf %add3A, %get3A_14 : vector<3136x18xf32>
    %mul3A = vector.broadcast %get3A_1 : vector<3136x1xf32> to vector<3136x18xf32>
    %mul3A_16 = arith.mulf %add3A_15, %mul3A : vector<3136x18xf32>
    %get3A_17 = arith.constant 0 : index
    %get3A_18 = arith.constant 0 : index
    %get3A_19 = vector.load %arg7[%get3A_17, %get3A_18] : memref<18x18xf32, #tpu.memory_space<vmem>>, vector<18x18xf32>
    %dot_general3A = arith.constant dense<0.000000e+00> : vector<3136x18xf32>
    %dot_general3A_20 = tpu.matmul %mul3A_16, %get3A_19, %dot_general3A {dimension_numbers = #tpu.dot_dimension_numbers<[1], [0], [0], [1], [0, 0, 1, 1], [], []>, transpose_lhs_hint = false} : vector<3136x18xf32>, vector<18x18xf32>, vector<3136x18xf32> -> vector<3136x18xf32>
    %get3A_21 = arith.constant 0 : index
    %get3A_22 = arith.constant 0 : index
    %get3A_23 = vector.load %arg8[%get3A_21, %get3A_22] : memref<1x18xf32, #tpu.memory_space<vmem>>, vector<1x18xf32>
    %add3A_24 = vector.broadcast %get3A_23 : vector<1x18xf32> to vector<3136x18xf32>
    %add3A_25 = arith.addf %dot_general3A_20, %add3A_24 : vector<3136x18xf32>
    %get3A_26 = arith.constant 0 : index
    %get3A_27 = arith.constant 0 : index
    %get3A_28 = vector.load %arg5[%get3A_26, %get3A_27] : memref<16x3136xf32, #tpu.memory_space<vmem>>, vector<16x3136xf32>
    %dot_general3A_29 = arith.constant dense<0.000000e+00> : vector<16x18xf32>
    %dot_general3A_30 = tpu.matmul %get3A_28, %add3A_25, %dot_general3A_29 {dimension_numbers = #tpu.dot_dimension_numbers<[1], [0], [0], [1], [0, 0, 1, 1], [], []>, precision = #tpu.contract_precision<fp32>, transpose_lhs_hint = false} : vector<16x3136xf32>, vector<3136x18xf32>, vector<16x18xf32> -> vector<16x18xf32>
    %get3A_31 = arith.constant 0 : index
    %get3A_32 = arith.constant 0 : index
    %get3A_33 = vector.load %arg11[%get3A_31, %get3A_32] : memref<1x18xf32, #tpu.memory_space<vmem>>, vector<1x18xf32>
    %get3A_34 = arith.constant 0 : index
    %get3A_35 = arith.constant 0 : index
    %get3A_36 = vector.load %arg6[%get3A_34, %get3A_35] : memref<3136x16xf32, #tpu.memory_space<vmem>>, vector<3136x16xf32>
    %dot_general3A_37 = arith.constant dense<0.000000e+00> : vector<3136x18xf32>
    %dot_general3A_38 = tpu.matmul %get3A_36, %dot_general3A_30, %dot_general3A_37 {dimension_numbers = #tpu.dot_dimension_numbers<[1], [0], [0], [1], [0, 0, 1, 1], [], []>, transpose_lhs_hint = false} : vector<3136x16xf32>, vector<16x18xf32>, vector<3136x18xf32> -> vector<3136x18xf32>
    %mul3A_39 = vector.broadcast %get3A_33 : vector<1x18xf32> to vector<3136x18xf32>
    %mul3A_40 = arith.mulf %mul3A_39, %dot_general3A_38 : vector<3136x18xf32>
    %sub3A = arith.subf %add3A_25, %mul3A_40 : vector<3136x18xf32>
    %get3A_41 = arith.constant 0 : index
    %get3A_42 = arith.constant 0 : index
    %get3A_43 = vector.load %arg5[%get3A_41, %get3A_42] : memref<16x3136xf32, #tpu.memory_space<vmem>>, vector<16x3136xf32>
    %mul3A_44 = arith.mulf %sub3A, %sub3A : vector<3136x18xf32>
    %dot_general3A_45 = arith.constant dense<0.000000e+00> : vector<16x18xf32>
    %dot_general3A_46 = tpu.matmul %get3A_43, %mul3A_44, %dot_general3A_45 {dimension_numbers = #tpu.dot_dimension_numbers<[1], [0], [0], [1], [0, 0, 1, 1], [], []>, precision = #tpu.contract_precision<fp32>, transpose_lhs_hint = false} : vector<16x3136xf32>, vector<3136x18xf32>, vector<16x18xf32> -> vector<16x18xf32>
    %add3A_47 = arith.constant 9.99999974E-6 : f32
    %add3A_48 = vector.broadcast %add3A_47 : f32 to vector<16x18xf32>
    %add3A_49 = arith.addf %dot_general3A_46, %add3A_48 : vector<16x18xf32>
    %rsqrt3A = math.rsqrt %add3A_49 : vector<16x18xf32>
    %get3A_50 = arith.constant 0 : index
    %get3A_51 = arith.constant 0 : index
    %get3A_52 = vector.load %arg9[%get3A_50, %get3A_51] : memref<1x18xf32, #tpu.memory_space<vmem>>, vector<1x18xf32>
    %get3A_53 = arith.constant 0 : index
    %get3A_54 = arith.constant 0 : index
    %get3A_55 = vector.load %arg6[%get3A_53, %get3A_54] : memref<3136x16xf32, #tpu.memory_space<vmem>>, vector<3136x16xf32>
    %dot_general3A_56 = arith.constant dense<0.000000e+00> : vector<3136x18xf32>
    %dot_general3A_57 = tpu.matmul %get3A_55, %rsqrt3A, %dot_general3A_56 {dimension_numbers = #tpu.dot_dimension_numbers<[1], [0], [0], [1], [0, 0, 1, 1], [], []>, transpose_lhs_hint = false} : vector<3136x16xf32>, vector<16x18xf32>, vector<3136x18xf32> -> vector<3136x18xf32>
    %mul3A_58 = arith.mulf %sub3A, %dot_general3A_57 : vector<3136x18xf32>
    %mul3A_59 = vector.broadcast %get3A_52 : vector<1x18xf32> to vector<3136x18xf32>
    %mul3A_60 = arith.mulf %mul3A_59, %mul3A_58 : vector<3136x18xf32>
    %get3A_61 = arith.constant 0 : index
    %get3A_62 = arith.constant 0 : index
    %get3A_63 = vector.load %arg10[%get3A_61, %get3A_62] : memref<1x18xf32, #tpu.memory_space<vmem>>, vector<1x18xf32>
    %add3A_64 = vector.broadcast %get3A_63 : vector<1x18xf32> to vector<3136x18xf32>
    %add3A_65 = arith.addf %mul3A_60, %add3A_64 : vector<3136x18xf32>
    %get3A_66 = arith.constant 0 : index
    %get3A_67 = arith.constant 0 : index
    %get3A_68 = vector.load %arg4[%get3A_66, %get3A_67] : memref<3136x18xf32, #tpu.memory_space<vmem>>, vector<3136x18xf32>
    %add3A_69 = arith.addf %add3A_65, %get3A_68 : vector<3136x18xf32>
    %mul3A_70 = vector.broadcast %get3A_1 : vector<3136x1xf32> to vector<3136x18xf32>
    %mul3A_71 = arith.mulf %add3A_69, %mul3A_70 : vector<3136x18xf32>
    %swap3A = arith.constant 0 : index
    %swap3A_72 = arith.constant 0 : index
    %swap3A_73 = vector.load %arg14[%swap3A, %swap3A_72] : memref<3136x18xf32, #tpu.memory_space<vmem>>, vector<3136x18xf32>
    tpu.vector_store %arg14[%swap3A, %swap3A_72], %mul3A_71 {strides = array<i32>} : memref<3136x18xf32, #tpu.memory_space<vmem>>, vector<3136x18xf32>,
    %get3A_74 = arith.constant 0 : index
    %get3A_75 = arith.constant 0 : index
    %get3A_76 = vector.load %arg12[%get3A_74, %get3A_75] : memref<18x36xf32, #tpu.memory_space<vmem>>, vector<18x36xf32>
    %dot_general3A_77 = arith.constant dense<0.000000e+00> : vector<3136x36xf32>
    %dot_general3A_78 = tpu.matmul %add3A_69, %get3A_76, %dot_general3A_77 {dimension_numbers = #tpu.dot_dimension_numbers<[1], [0], [0], [1], [0, 0, 1, 1], [], []>, transpose_lhs_hint = false} : vector<3136x18xf32>, vector<18x36xf32>, vector<3136x36xf32> -> vector<3136x36xf32>
    %get3A_79 = arith.constant 0 : index
    %get3A_80 = arith.constant 0 : index
    %get3A_81 = vector.load %arg13[%get3A_79, %get3A_80] : memref<1x36xf32, #tpu.memory_space<vmem>>, vector<1x36xf32>
    %add3A_82 = vector.broadcast %get3A_81 : vector<1x36xf32> to vector<3136x36xf32>
    %add3A_83 = arith.addf %dot_general3A_78, %add3A_82 : vector<3136x36xf32>
    %swap3A_84 = arith.constant 0 : index
    %swap3A_85 = arith.constant 0 : index
    %swap3A_86 = vector.load %arg15[%swap3A_84, %swap3A_85] : memref<3136x36xf32, #tpu.memory_space<vmem>>, vector<3136x36xf32>
    tpu.vector_store %arg15[%swap3A_84, %swap3A_85], %add3A_83 {strides = array<i32>} : memref<3136x36xf32, #tpu.memory_space<vmem>>, vector<3136x36xf32>,
    return
  }
  func.func @transform_0(%arg0: i32) -> (i32, i32, i32) {
    %c0_i32 = arith.constant 0 : i32
    %c0_i32_0 = arith.constant 0 : i32
    %c0_i32_1 = arith.constant 0 : i32
    return %c0_i32, %arg0, %c0_i32_0 : i32, i32, i32
  }
  func.func @transform_1(%arg0: i32) -> (i32, i32) {
    %c0_i32 = arith.constant 0 : i32
    %c0_i32_0 = arith.constant 0 : i32
    return %arg0, %c0_i32 : i32, i32
  }
  func.func @transform_2(%arg0: i32) -> (i32, i32) {
    %c0_i32 = arith.constant 0 : i32
    %c0_i32_0 = arith.constant 0 : i32
    return %arg0, %c0_i32 : i32, i32
  }
  func.func @transform_3(%arg0: i32) -> (i32, i32) {
    %c0_i32 = arith.constant 0 : i32
    %c0_i32_0 = arith.constant 0 : i32
    return %arg0, %c0_i32 : i32, i32
  }
  func.func @transform_4(%arg0: i32) -> (i32, i32) {
    %c0_i32 = arith.constant 0 : i32
    %c0_i32_0 = arith.constant 0 : i32
    %c0_i32_1 = arith.constant 0 : i32
    return %c0_i32, %c0_i32_0 : i32, i32
  }
  func.func @transform_5(%arg0: i32) -> (i32, i32) {
    %c0_i32 = arith.constant 0 : i32
    %c0_i32_0 = arith.constant 0 : i32
    %c0_i32_1 = arith.constant 0 : i32
    return %c0_i32, %c0_i32_0 : i32, i32
  }
  func.func @transform_6(%arg0: i32) -> (i32, i32) {
    %c0_i32 = arith.constant 0 : i32
    %c0_i32_0 = arith.constant 0 : i32
    %c0_i32_1 = arith.constant 0 : i32
    return %c0_i32, %c0_i32_0 : i32, i32
  }
  func.func @transform_7(%arg0: i32) -> (i32, i32) {
    %c0_i32 = arith.constant 0 : i32
    %c0_i32_0 = arith.constant 0 : i32
    %c0_i32_1 = arith.constant 0 : i32
    return %c0_i32, %c0_i32_0 : i32, i32
  }
  func.func @transform_8(%arg0: i32) -> (i32, i32) {
    %c0_i32 = arith.constant 0 : i32
    %c0_i32_0 = arith.constant 0 : i32
    %c0_i32_1 = arith.constant 0 : i32
    return %c0_i32, %c0_i32_0 : i32, i32
  }
  func.func @transform_9(%arg0: i32) -> (i32, i32) {
    %c0_i32 = arith.constant 0 : i32
    %c0_i32_0 = arith.constant 0 : i32
    %c0_i32_1 = arith.constant 0 : i32
    return %c0_i32, %c0_i32_0 : i32, i32
  }
  func.func @transform_10(%arg0: i32) -> (i32, i32) {
    %c0_i32 = arith.constant 0 : i32
    %c0_i32_0 = arith.constant 0 : i32
    %c0_i32_1 = arith.constant 0 : i32
    return %c0_i32, %c0_i32_0 : i32, i32
  }
  func.func @transform_11(%arg0: i32) -> (i32, i32) {
    %c0_i32 = arith.constant 0 : i32
    %c0_i32_0 = arith.constant 0 : i32
    %c0_i32_1 = arith.constant 0 : i32
    return %c0_i32, %c0_i32_0 : i32, i32
  }
  func.func @transform_12(%arg0: i32) -> (i32, i32) {
    %c0_i32 = arith.constant 0 : i32
    %c0_i32_0 = arith.constant 0 : i32
    %c0_i32_1 = arith.constant 0 : i32
    return %c0_i32, %c0_i32_0 : i32, i32
  }
  func.func @transform_13(%arg0: i32) -> (i32, i32) {
    %c0_i32 = arith.constant 0 : i32
    %c0_i32_0 = arith.constant 0 : i32
    return %arg0, %c0_i32 : i32, i32
  }
  func.func @transform_14(%arg0: i32) -> (i32, i32) {
    %c0_i32 = arith.constant 0 : i32
    %c0_i32_0 = arith.constant 0 : i32
    return %arg0, %c0_i32 : i32, i32
  }
}

module attributes {stable_mosaic.version = 14 : i64} {
  func.func @_post_body(%arg0: i32, %arg1: memref<2x3136x18xf32, #tpu.memory_space<vmem>>, %arg2: memref<3136x18xf32, #tpu.memory_space<vmem>>, %arg3: memref<3136x1xf32, #tpu.memory_space<vmem>>, %arg4: memref<3136x36xf32, #tpu.memory_space<vmem>>, %arg5: memref<16x3136xf32, #tpu.memory_space<vmem>>, %arg6: memref<3136x16xf32, #tpu.memory_space<vmem>>, %arg7: memref<18x36xf32, #tpu.memory_space<vmem>>, %arg8: memref<1x36xf32, #tpu.memory_space<vmem>>, %arg9: memref<1x36xf32, #tpu.memory_space<vmem>>, %arg10: memref<1x36xf32, #tpu.memory_space<vmem>>, %arg11: memref<1x36xf32, #tpu.memory_space<vmem>>, %arg12: memref<36x72xf32, #tpu.memory_space<vmem>>, %arg13: memref<1x72xf32, #tpu.memory_space<vmem>>, %arg14: memref<3136x18xf32, #tpu.memory_space<vmem>>, %arg15: memref<3136x18xf32, #tpu.memory_space<vmem>>, %arg16: memref<3136x72xf32, #tpu.memory_space<vmem>>) attributes {dimension_semantics = [#tpu.dimension_semantics<arbitrary>], iteration_bounds = array<i64: 16>, scalar_prefetch = 0 : i64, scratch_operands = 0 : i64, tpu.core_type = #tpu.core_type<tc>, window_params = [{transform_indices = @transform_0, window_bounds = array<i64: 2, 3136, 18>}, {transform_indices = @transform_1, window_bounds = array<i64: 3136, 18>}, {transform_indices = @transform_2, window_bounds = array<i64: 3136, 1>}, {transform_indices = @transform_3, window_bounds = array<i64: 3136, 36>}, {pipeline_mode = #tpu.pipeline_mode<synchronous>, transform_indices = @transform_4, window_bounds = array<i64: 16, 3136>}, {pipeline_mode = #tpu.pipeline_mode<synchronous>, transform_indices = @transform_5, window_bounds = array<i64: 3136, 16>}, {pipeline_mode = #tpu.pipeline_mode<synchronous>, transform_indices = @transform_6, window_bounds = array<i64: 18, 36>}, {pipeline_mode = #tpu.pipeline_mode<synchronous>, transform_indices = @transform_7, window_bounds = array<i64: 1, 36>}, {pipeline_mode = #tpu.pipeline_mode<synchronous>, transform_indices = @transform_8, window_bounds = array<i64: 1, 36>}, {pipeline_mode = #tpu.pipeline_mode<synchronous>, transform_indices = @transform_9, window_bounds = array<i64: 1, 36>}, {pipeline_mode = #tpu.pipeline_mode<synchronous>, transform_indices = @transform_10, window_bounds = array<i64: 1, 36>}, {pipeline_mode = #tpu.pipeline_mode<synchronous>, transform_indices = @transform_11, window_bounds = array<i64: 36, 72>}, {pipeline_mode = #tpu.pipeline_mode<synchronous>, transform_indices = @transform_12, window_bounds = array<i64: 1, 72>}, {transform_indices = @transform_13, window_bounds = array<i64: 3136, 18>}, {transform_indices = @transform_14, window_bounds = array<i64: 3136, 18>}, {transform_indices = @transform_15, window_bounds = array<i64: 3136, 72>}]} {
    %get3A = arith.constant 0 : index
    %get3A_0 = arith.constant 0 : index
    %get3A_1 = vector.load %arg3[%get3A, %get3A_0] : memref<3136x1xf32, #tpu.memory_space<vmem>>, vector<3136x1xf32>
    %get3A_2 = arith.constant 0 : index
    %get3A_3 = arith.constant 0 : index
    %get3A_4 = arith.constant 0 : index
    %get3A_5 = vector.load %arg1[%get3A_2, %get3A_3, %get3A_4] : memref<2x3136x18xf32, #tpu.memory_space<vmem>>, vector<1x3136x18xf32>
    %get3A_6 = vector.shape_cast %get3A_5 : vector<1x3136x18xf32> to vector<3136x18xf32>
    %get3A_7 = arith.constant 1 : index
    %get3A_8 = arith.constant 0 : index
    %get3A_9 = arith.constant 0 : index
    %get3A_10 = vector.load %arg1[%get3A_7, %get3A_8, %get3A_9] : memref<2x3136x18xf32, #tpu.memory_space<vmem>>, vector<1x3136x18xf32>
    %get3A_11 = vector.shape_cast %get3A_10 : vector<1x3136x18xf32> to vector<3136x18xf32>
    %add3A = arith.addf %get3A_6, %get3A_11 : vector<3136x18xf32>
    %get3A_12 = arith.constant 0 : index
    %get3A_13 = arith.constant 0 : index
    %get3A_14 = vector.load %arg2[%get3A_12, %get3A_13] : memref<3136x18xf32, #tpu.memory_space<vmem>>, vector<3136x18xf32>
    %add3A_15 = arith.addf %add3A, %get3A_14 : vector<3136x18xf32>
    %mul3A = vector.broadcast %get3A_1 : vector<3136x1xf32> to vector<3136x18xf32>
    %mul3A_16 = arith.mulf %add3A_15, %mul3A : vector<3136x18xf32>
    %get3A_17 = arith.constant 0 : index
    %get3A_18 = arith.constant 0 : index
    %get3A_19 = vector.load %arg7[%get3A_17, %get3A_18] : memref<18x36xf32, #tpu.memory_space<vmem>>, vector<18x36xf32>
    %dot_general3A = arith.constant dense<0.000000e+00> : vector<3136x36xf32>
    %dot_general3A_20 = tpu.matmul %mul3A_16, %get3A_19, %dot_general3A {dimension_numbers = #tpu.dot_dimension_numbers<[1], [0], [0], [1], [0, 0, 1, 1], [], []>, transpose_lhs_hint = false} : vector<3136x18xf32>, vector<18x36xf32>, vector<3136x36xf32> -> vector<3136x36xf32>
    %get3A_21 = arith.constant 0 : index
    %get3A_22 = arith.constant 0 : index
    %get3A_23 = vector.load %arg8[%get3A_21, %get3A_22] : memref<1x36xf32, #tpu.memory_space<vmem>>, vector<1x36xf32>
    %add3A_24 = vector.broadcast %get3A_23 : vector<1x36xf32> to vector<3136x36xf32>
    %add3A_25 = arith.addf %dot_general3A_20, %add3A_24 : vector<3136x36xf32>
    %get3A_26 = arith.constant 0 : index
    %get3A_27 = arith.constant 0 : index
    %get3A_28 = vector.load %arg5[%get3A_26, %get3A_27] : memref<16x3136xf32, #tpu.memory_space<vmem>>, vector<16x3136xf32>
    %dot_general3A_29 = arith.constant dense<0.000000e+00> : vector<16x36xf32>
    %dot_general3A_30 = tpu.matmul %get3A_28, %add3A_25, %dot_general3A_29 {dimension_numbers = #tpu.dot_dimension_numbers<[1], [0], [0], [1], [0, 0, 1, 1], [], []>, precision = #tpu.contract_precision<fp32>, transpose_lhs_hint = false} : vector<16x3136xf32>, vector<3136x36xf32>, vector<16x36xf32> -> vector<16x36xf32>
    %get3A_31 = arith.constant 0 : index
    %get3A_32 = arith.constant 0 : index
    %get3A_33 = vector.load %arg11[%get3A_31, %get3A_32] : memref<1x36xf32, #tpu.memory_space<vmem>>, vector<1x36xf32>
    %get3A_34 = arith.constant 0 : index
    %get3A_35 = arith.constant 0 : index
    %get3A_36 = vector.load %arg6[%get3A_34, %get3A_35] : memref<3136x16xf32, #tpu.memory_space<vmem>>, vector<3136x16xf32>
    %dot_general3A_37 = arith.constant dense<0.000000e+00> : vector<3136x36xf32>
    %dot_general3A_38 = tpu.matmul %get3A_36, %dot_general3A_30, %dot_general3A_37 {dimension_numbers = #tpu.dot_dimension_numbers<[1], [0], [0], [1], [0, 0, 1, 1], [], []>, transpose_lhs_hint = false} : vector<3136x16xf32>, vector<16x36xf32>, vector<3136x36xf32> -> vector<3136x36xf32>
    %mul3A_39 = vector.broadcast %get3A_33 : vector<1x36xf32> to vector<3136x36xf32>
    %mul3A_40 = arith.mulf %mul3A_39, %dot_general3A_38 : vector<3136x36xf32>
    %sub3A = arith.subf %add3A_25, %mul3A_40 : vector<3136x36xf32>
    %get3A_41 = arith.constant 0 : index
    %get3A_42 = arith.constant 0 : index
    %get3A_43 = vector.load %arg5[%get3A_41, %get3A_42] : memref<16x3136xf32, #tpu.memory_space<vmem>>, vector<16x3136xf32>
    %mul3A_44 = arith.mulf %sub3A, %sub3A : vector<3136x36xf32>
    %dot_general3A_45 = arith.constant dense<0.000000e+00> : vector<16x36xf32>
    %dot_general3A_46 = tpu.matmul %get3A_43, %mul3A_44, %dot_general3A_45 {dimension_numbers = #tpu.dot_dimension_numbers<[1], [0], [0], [1], [0, 0, 1, 1], [], []>, precision = #tpu.contract_precision<fp32>, transpose_lhs_hint = false} : vector<16x3136xf32>, vector<3136x36xf32>, vector<16x36xf32> -> vector<16x36xf32>
    %add3A_47 = arith.constant 9.99999974E-6 : f32
    %add3A_48 = vector.broadcast %add3A_47 : f32 to vector<16x36xf32>
    %add3A_49 = arith.addf %dot_general3A_46, %add3A_48 : vector<16x36xf32>
    %rsqrt3A = math.rsqrt %add3A_49 : vector<16x36xf32>
    %get3A_50 = arith.constant 0 : index
    %get3A_51 = arith.constant 0 : index
    %get3A_52 = vector.load %arg9[%get3A_50, %get3A_51] : memref<1x36xf32, #tpu.memory_space<vmem>>, vector<1x36xf32>
    %get3A_53 = arith.constant 0 : index
    %get3A_54 = arith.constant 0 : index
    %get3A_55 = vector.load %arg6[%get3A_53, %get3A_54] : memref<3136x16xf32, #tpu.memory_space<vmem>>, vector<3136x16xf32>
    %dot_general3A_56 = arith.constant dense<0.000000e+00> : vector<3136x36xf32>
    %dot_general3A_57 = tpu.matmul %get3A_55, %rsqrt3A, %dot_general3A_56 {dimension_numbers = #tpu.dot_dimension_numbers<[1], [0], [0], [1], [0, 0, 1, 1], [], []>, transpose_lhs_hint = false} : vector<3136x16xf32>, vector<16x36xf32>, vector<3136x36xf32> -> vector<3136x36xf32>
    %mul3A_58 = arith.mulf %sub3A, %dot_general3A_57 : vector<3136x36xf32>
    %mul3A_59 = vector.broadcast %get3A_52 : vector<1x36xf32> to vector<3136x36xf32>
    %mul3A_60 = arith.mulf %mul3A_59, %mul3A_58 : vector<3136x36xf32>
    %get3A_61 = arith.constant 0 : index
    %get3A_62 = arith.constant 0 : index
    %get3A_63 = vector.load %arg10[%get3A_61, %get3A_62] : memref<1x36xf32, #tpu.memory_space<vmem>>, vector<1x36xf32>
    %add3A_64 = vector.broadcast %get3A_63 : vector<1x36xf32> to vector<3136x36xf32>
    %add3A_65 = arith.addf %mul3A_60, %add3A_64 : vector<3136x36xf32>
    %get3A_66 = arith.constant 0 : index
    %get3A_67 = arith.constant 0 : index
    %get3A_68 = vector.load %arg4[%get3A_66, %get3A_67] : memref<3136x36xf32, #tpu.memory_space<vmem>>, vector<3136x36xf32>
    %add3A_69 = arith.addf %add3A_65, %get3A_68 : vector<3136x36xf32>
    %mul3A_70 = vector.broadcast %get3A_1 : vector<3136x1xf32> to vector<3136x36xf32>
    %mul3A_71 = arith.mulf %add3A_69, %mul3A_70 : vector<3136x36xf32>
    %slice3A = vector.extract_strided_slice %mul3A_71 {offsets = [0, 0], sizes = [3136, 18], strides = [1, 1]} : vector<3136x36xf32> to vector<3136x18xf32>
    %swap3A = arith.constant 0 : index
    %swap3A_72 = arith.constant 0 : index
    %swap3A_73 = vector.load %arg14[%swap3A, %swap3A_72] : memref<3136x18xf32, #tpu.memory_space<vmem>>, vector<3136x18xf32>
    tpu.vector_store %arg14[%swap3A, %swap3A_72], %slice3A {strides = array<i32>} : memref<3136x18xf32, #tpu.memory_space<vmem>>, vector<3136x18xf32>,
    %slice3A_74 = vector.extract_strided_slice %mul3A_71 {offsets = [0, 18], sizes = [3136, 18], strides = [1, 1]} : vector<3136x36xf32> to vector<3136x18xf32>
    %swap3A_75 = arith.constant 0 : index
    %swap3A_76 = arith.constant 0 : index
    %swap3A_77 = vector.load %arg15[%swap3A_75, %swap3A_76] : memref<3136x18xf32, #tpu.memory_space<vmem>>, vector<3136x18xf32>
    tpu.vector_store %arg15[%swap3A_75, %swap3A_76], %slice3A_74 {strides = array<i32>} : memref<3136x18xf32, #tpu.memory_space<vmem>>, vector<3136x18xf32>,
    %get3A_78 = arith.constant 0 : index
    %get3A_79 = arith.constant 0 : index
    %get3A_80 = vector.load %arg12[%get3A_78, %get3A_79] : memref<36x72xf32, #tpu.memory_space<vmem>>, vector<36x72xf32>
    %dot_general3A_81 = arith.constant dense<0.000000e+00> : vector<3136x72xf32>
    %dot_general3A_82 = tpu.matmul %add3A_69, %get3A_80, %dot_general3A_81 {dimension_numbers = #tpu.dot_dimension_numbers<[1], [0], [0], [1], [0, 0, 1, 1], [], []>, transpose_lhs_hint = false} : vector<3136x36xf32>, vector<36x72xf32>, vector<3136x72xf32> -> vector<3136x72xf32>
    %get3A_83 = arith.constant 0 : index
    %get3A_84 = arith.constant 0 : index
    %get3A_85 = vector.load %arg13[%get3A_83, %get3A_84] : memref<1x72xf32, #tpu.memory_space<vmem>>, vector<1x72xf32>
    %add3A_86 = vector.broadcast %get3A_85 : vector<1x72xf32> to vector<3136x72xf32>
    %add3A_87 = arith.addf %dot_general3A_82, %add3A_86 : vector<3136x72xf32>
    %swap3A_88 = arith.constant 0 : index
    %swap3A_89 = arith.constant 0 : index
    %swap3A_90 = vector.load %arg16[%swap3A_88, %swap3A_89] : memref<3136x72xf32, #tpu.memory_space<vmem>>, vector<3136x72xf32>
    tpu.vector_store %arg16[%swap3A_88, %swap3A_89], %add3A_87 {strides = array<i32>} : memref<3136x72xf32, #tpu.memory_space<vmem>>, vector<3136x72xf32>,
    return
  }
  func.func @transform_0(%arg0: i32) -> (i32, i32, i32) {
    %c0_i32 = arith.constant 0 : i32
    %c0_i32_0 = arith.constant 0 : i32
    %c0_i32_1 = arith.constant 0 : i32
    return %c0_i32, %arg0, %c0_i32_0 : i32, i32, i32
  }
  func.func @transform_1(%arg0: i32) -> (i32, i32) {
    %c0_i32 = arith.constant 0 : i32
    %c0_i32_0 = arith.constant 0 : i32
    return %arg0, %c0_i32 : i32, i32
  }
  func.func @transform_2(%arg0: i32) -> (i32, i32) {
    %c0_i32 = arith.constant 0 : i32
    %c0_i32_0 = arith.constant 0 : i32
    return %arg0, %c0_i32 : i32, i32
  }
  func.func @transform_3(%arg0: i32) -> (i32, i32) {
    %c0_i32 = arith.constant 0 : i32
    %c0_i32_0 = arith.constant 0 : i32
    return %arg0, %c0_i32 : i32, i32
  }
  func.func @transform_4(%arg0: i32) -> (i32, i32) {
    %c0_i32 = arith.constant 0 : i32
    %c0_i32_0 = arith.constant 0 : i32
    %c0_i32_1 = arith.constant 0 : i32
    return %c0_i32, %c0_i32_0 : i32, i32
  }
  func.func @transform_5(%arg0: i32) -> (i32, i32) {
    %c0_i32 = arith.constant 0 : i32
    %c0_i32_0 = arith.constant 0 : i32
    %c0_i32_1 = arith.constant 0 : i32
    return %c0_i32, %c0_i32_0 : i32, i32
  }
  func.func @transform_6(%arg0: i32) -> (i32, i32) {
    %c0_i32 = arith.constant 0 : i32
    %c0_i32_0 = arith.constant 0 : i32
    %c0_i32_1 = arith.constant 0 : i32
    return %c0_i32, %c0_i32_0 : i32, i32
  }
  func.func @transform_7(%arg0: i32) -> (i32, i32) {
    %c0_i32 = arith.constant 0 : i32
    %c0_i32_0 = arith.constant 0 : i32
    %c0_i32_1 = arith.constant 0 : i32
    return %c0_i32, %c0_i32_0 : i32, i32
  }
  func.func @transform_8(%arg0: i32) -> (i32, i32) {
    %c0_i32 = arith.constant 0 : i32
    %c0_i32_0 = arith.constant 0 : i32
    %c0_i32_1 = arith.constant 0 : i32
    return %c0_i32, %c0_i32_0 : i32, i32
  }
  func.func @transform_9(%arg0: i32) -> (i32, i32) {
    %c0_i32 = arith.constant 0 : i32
    %c0_i32_0 = arith.constant 0 : i32
    %c0_i32_1 = arith.constant 0 : i32
    return %c0_i32, %c0_i32_0 : i32, i32
  }
  func.func @transform_10(%arg0: i32) -> (i32, i32) {
    %c0_i32 = arith.constant 0 : i32
    %c0_i32_0 = arith.constant 0 : i32
    %c0_i32_1 = arith.constant 0 : i32
    return %c0_i32, %c0_i32_0 : i32, i32
  }
  func.func @transform_11(%arg0: i32) -> (i32, i32) {
    %c0_i32 = arith.constant 0 : i32
    %c0_i32_0 = arith.constant 0 : i32
    %c0_i32_1 = arith.constant 0 : i32
    return %c0_i32, %c0_i32_0 : i32, i32
  }
  func.func @transform_12(%arg0: i32) -> (i32, i32) {
    %c0_i32 = arith.constant 0 : i32
    %c0_i32_0 = arith.constant 0 : i32
    %c0_i32_1 = arith.constant 0 : i32
    return %c0_i32, %c0_i32_0 : i32, i32
  }
  func.func @transform_13(%arg0: i32) -> (i32, i32) {
    %c0_i32 = arith.constant 0 : i32
    %c0_i32_0 = arith.constant 0 : i32
    return %arg0, %c0_i32 : i32, i32
  }
  func.func @transform_14(%arg0: i32) -> (i32, i32) {
    %c0_i32 = arith.constant 0 : i32
    %c0_i32_0 = arith.constant 0 : i32
    return %arg0, %c0_i32 : i32, i32
  }
  func.func @transform_15(%arg0: i32) -> (i32, i32) {
    %c0_i32 = arith.constant 0 : i32
    %c0_i32_0 = arith.constant 0 : i32
    return %arg0, %c0_i32 : i32, i32
  }
}

module attributes {stable_mosaic.version = 14 : i64} {
  func.func @_pool_body(%arg0: i32, %arg1: memref<2x3136x18xf32, #tpu.memory_space<vmem>>, %arg2: memref<2x3136x18xf32, #tpu.memory_space<vmem>>, %arg3: memref<3136x18xf32, #tpu.memory_space<vmem>>, %arg4: memref<3136x18xf32, #tpu.memory_space<vmem>>, %arg5: memref<3136x1xf32, #tpu.memory_space<vmem>>, %arg6: memref<3136x72xf32, #tpu.memory_space<vmem>>, %arg7: memref<16x3136xf32, #tpu.memory_space<vmem>>, %arg8: memref<3136x16xf32, #tpu.memory_space<vmem>>, %arg9: memref<36x72xf32, #tpu.memory_space<vmem>>, %arg10: memref<1x72xf32, #tpu.memory_space<vmem>>, %arg11: memref<1x72xf32, #tpu.memory_space<vmem>>, %arg12: memref<1x72xf32, #tpu.memory_space<vmem>>, %arg13: memref<1x72xf32, #tpu.memory_space<vmem>>, %arg14: memref<16x72xf32, #tpu.memory_space<vmem>>) attributes {dimension_semantics = [#tpu.dimension_semantics<arbitrary>], iteration_bounds = array<i64: 16>, scalar_prefetch = 0 : i64, scratch_operands = 0 : i64, tpu.core_type = #tpu.core_type<tc>, window_params = [{transform_indices = @transform_0, window_bounds = array<i64: 2, 3136, 18>}, {transform_indices = @transform_1, window_bounds = array<i64: 2, 3136, 18>}, {transform_indices = @transform_2, window_bounds = array<i64: 3136, 18>}, {transform_indices = @transform_3, window_bounds = array<i64: 3136, 18>}, {transform_indices = @transform_4, window_bounds = array<i64: 3136, 1>}, {transform_indices = @transform_5, window_bounds = array<i64: 3136, 72>}, {pipeline_mode = #tpu.pipeline_mode<synchronous>, transform_indices = @transform_6, window_bounds = array<i64: 16, 3136>}, {pipeline_mode = #tpu.pipeline_mode<synchronous>, transform_indices = @transform_7, window_bounds = array<i64: 3136, 16>}, {pipeline_mode = #tpu.pipeline_mode<synchronous>, transform_indices = @transform_8, window_bounds = array<i64: 36, 72>}, {pipeline_mode = #tpu.pipeline_mode<synchronous>, transform_indices = @transform_9, window_bounds = array<i64: 1, 72>}, {pipeline_mode = #tpu.pipeline_mode<synchronous>, transform_indices = @transform_10, window_bounds = array<i64: 1, 72>}, {pipeline_mode = #tpu.pipeline_mode<synchronous>, transform_indices = @transform_11, window_bounds = array<i64: 1, 72>}, {pipeline_mode = #tpu.pipeline_mode<synchronous>, transform_indices = @transform_12, window_bounds = array<i64: 1, 72>}, {transform_indices = @transform_13, window_bounds = array<i64: 16, 72>}]} {
    %get3A = arith.constant 0 : index
    %get3A_0 = arith.constant 0 : index
    %get3A_1 = vector.load %arg5[%get3A, %get3A_0] : memref<3136x1xf32, #tpu.memory_space<vmem>>, vector<3136x1xf32>
    %get3A_2 = arith.constant 0 : index
    %get3A_3 = arith.constant 0 : index
    %get3A_4 = arith.constant 0 : index
    %get3A_5 = vector.load %arg1[%get3A_2, %get3A_3, %get3A_4] : memref<2x3136x18xf32, #tpu.memory_space<vmem>>, vector<1x3136x18xf32>
    %get3A_6 = vector.shape_cast %get3A_5 : vector<1x3136x18xf32> to vector<3136x18xf32>
    %get3A_7 = arith.constant 1 : index
    %get3A_8 = arith.constant 0 : index
    %get3A_9 = arith.constant 0 : index
    %get3A_10 = vector.load %arg1[%get3A_7, %get3A_8, %get3A_9] : memref<2x3136x18xf32, #tpu.memory_space<vmem>>, vector<1x3136x18xf32>
    %get3A_11 = vector.shape_cast %get3A_10 : vector<1x3136x18xf32> to vector<3136x18xf32>
    %add3A = arith.addf %get3A_6, %get3A_11 : vector<3136x18xf32>
    %get3A_12 = arith.constant 0 : index
    %get3A_13 = arith.constant 0 : index
    %get3A_14 = vector.load %arg3[%get3A_12, %get3A_13] : memref<3136x18xf32, #tpu.memory_space<vmem>>, vector<3136x18xf32>
    %add3A_15 = arith.addf %add3A, %get3A_14 : vector<3136x18xf32>
    %mul3A = vector.broadcast %get3A_1 : vector<3136x1xf32> to vector<3136x18xf32>
    %mul3A_16 = arith.mulf %add3A_15, %mul3A : vector<3136x18xf32>
    %get3A_17 = arith.constant 0 : index
    %get3A_18 = arith.constant 0 : index
    %get3A_19 = arith.constant 0 : index
    %get3A_20 = vector.load %arg2[%get3A_17, %get3A_18, %get3A_19] : memref<2x3136x18xf32, #tpu.memory_space<vmem>>, vector<1x3136x18xf32>
    %get3A_21 = vector.shape_cast %get3A_20 : vector<1x3136x18xf32> to vector<3136x18xf32>
    %get3A_22 = arith.constant 1 : index
    %get3A_23 = arith.constant 0 : index
    %get3A_24 = arith.constant 0 : index
    %get3A_25 = vector.load %arg2[%get3A_22, %get3A_23, %get3A_24] : memref<2x3136x18xf32, #tpu.memory_space<vmem>>, vector<1x3136x18xf32>
    %get3A_26 = vector.shape_cast %get3A_25 : vector<1x3136x18xf32> to vector<3136x18xf32>
    %add3A_27 = arith.addf %get3A_21, %get3A_26 : vector<3136x18xf32>
    %get3A_28 = arith.constant 0 : index
    %get3A_29 = arith.constant 0 : index
    %get3A_30 = vector.load %arg4[%get3A_28, %get3A_29] : memref<3136x18xf32, #tpu.memory_space<vmem>>, vector<3136x18xf32>
    %add3A_31 = arith.addf %add3A_27, %get3A_30 : vector<3136x18xf32>
    %mul3A_32 = vector.broadcast %get3A_1 : vector<3136x1xf32> to vector<3136x18xf32>
    %mul3A_33 = arith.mulf %add3A_31, %mul3A_32 : vector<3136x18xf32>
    %get3A_34 = arith.constant 0 : index
    %get3A_35 = arith.constant 0 : index
    %get3A_36 = vector.load %arg9[%get3A_34, %get3A_35] : memref<36x72xf32, #tpu.memory_space<vmem>>, vector<36x72xf32>
    %slice3A = vector.extract_strided_slice %get3A_36 {offsets = [0, 0], sizes = [18, 72], strides = [1, 1]} : vector<36x72xf32> to vector<18x72xf32>
    %dot_general3A = arith.constant dense<0.000000e+00> : vector<3136x72xf32>
    %dot_general3A_37 = tpu.matmul %mul3A_16, %slice3A, %dot_general3A {dimension_numbers = #tpu.dot_dimension_numbers<[1], [0], [0], [1], [0, 0, 1, 1], [], []>, transpose_lhs_hint = false} : vector<3136x18xf32>, vector<18x72xf32>, vector<3136x72xf32> -> vector<3136x72xf32>
    %slice3A_38 = vector.extract_strided_slice %get3A_36 {offsets = [18, 0], sizes = [18, 72], strides = [1, 1]} : vector<36x72xf32> to vector<18x72xf32>
    %dot_general3A_39 = arith.constant dense<0.000000e+00> : vector<3136x72xf32>
    %dot_general3A_40 = tpu.matmul %mul3A_33, %slice3A_38, %dot_general3A_39 {dimension_numbers = #tpu.dot_dimension_numbers<[1], [0], [0], [1], [0, 0, 1, 1], [], []>, transpose_lhs_hint = false} : vector<3136x18xf32>, vector<18x72xf32>, vector<3136x72xf32> -> vector<3136x72xf32>
    %add3A_41 = arith.addf %dot_general3A_37, %dot_general3A_40 : vector<3136x72xf32>
    %get3A_42 = arith.constant 0 : index
    %get3A_43 = arith.constant 0 : index
    %get3A_44 = vector.load %arg10[%get3A_42, %get3A_43] : memref<1x72xf32, #tpu.memory_space<vmem>>, vector<1x72xf32>
    %add3A_45 = vector.broadcast %get3A_44 : vector<1x72xf32> to vector<3136x72xf32>
    %add3A_46 = arith.addf %add3A_41, %add3A_45 : vector<3136x72xf32>
    %get3A_47 = arith.constant 0 : index
    %get3A_48 = arith.constant 0 : index
    %get3A_49 = vector.load %arg7[%get3A_47, %get3A_48] : memref<16x3136xf32, #tpu.memory_space<vmem>>, vector<16x3136xf32>
    %dot_general3A_50 = arith.constant dense<0.000000e+00> : vector<16x72xf32>
    %dot_general3A_51 = tpu.matmul %get3A_49, %add3A_46, %dot_general3A_50 {dimension_numbers = #tpu.dot_dimension_numbers<[1], [0], [0], [1], [0, 0, 1, 1], [], []>, precision = #tpu.contract_precision<fp32>, transpose_lhs_hint = false} : vector<16x3136xf32>, vector<3136x72xf32>, vector<16x72xf32> -> vector<16x72xf32>
    %get3A_52 = arith.constant 0 : index
    %get3A_53 = arith.constant 0 : index
    %get3A_54 = vector.load %arg13[%get3A_52, %get3A_53] : memref<1x72xf32, #tpu.memory_space<vmem>>, vector<1x72xf32>
    %get3A_55 = arith.constant 0 : index
    %get3A_56 = arith.constant 0 : index
    %get3A_57 = vector.load %arg8[%get3A_55, %get3A_56] : memref<3136x16xf32, #tpu.memory_space<vmem>>, vector<3136x16xf32>
    %dot_general3A_58 = arith.constant dense<0.000000e+00> : vector<3136x72xf32>
    %dot_general3A_59 = tpu.matmul %get3A_57, %dot_general3A_51, %dot_general3A_58 {dimension_numbers = #tpu.dot_dimension_numbers<[1], [0], [0], [1], [0, 0, 1, 1], [], []>, transpose_lhs_hint = false} : vector<3136x16xf32>, vector<16x72xf32>, vector<3136x72xf32> -> vector<3136x72xf32>
    %mul3A_60 = vector.broadcast %get3A_54 : vector<1x72xf32> to vector<3136x72xf32>
    %mul3A_61 = arith.mulf %mul3A_60, %dot_general3A_59 : vector<3136x72xf32>
    %sub3A = arith.subf %add3A_46, %mul3A_61 : vector<3136x72xf32>
    %get3A_62 = arith.constant 0 : index
    %get3A_63 = arith.constant 0 : index
    %get3A_64 = vector.load %arg7[%get3A_62, %get3A_63] : memref<16x3136xf32, #tpu.memory_space<vmem>>, vector<16x3136xf32>
    %mul3A_65 = arith.mulf %sub3A, %sub3A : vector<3136x72xf32>
    %dot_general3A_66 = arith.constant dense<0.000000e+00> : vector<16x72xf32>
    %dot_general3A_67 = tpu.matmul %get3A_64, %mul3A_65, %dot_general3A_66 {dimension_numbers = #tpu.dot_dimension_numbers<[1], [0], [0], [1], [0, 0, 1, 1], [], []>, precision = #tpu.contract_precision<fp32>, transpose_lhs_hint = false} : vector<16x3136xf32>, vector<3136x72xf32>, vector<16x72xf32> -> vector<16x72xf32>
    %add3A_68 = arith.constant 9.99999974E-6 : f32
    %add3A_69 = vector.broadcast %add3A_68 : f32 to vector<16x72xf32>
    %add3A_70 = arith.addf %dot_general3A_67, %add3A_69 : vector<16x72xf32>
    %rsqrt3A = math.rsqrt %add3A_70 : vector<16x72xf32>
    %get3A_71 = arith.constant 0 : index
    %get3A_72 = arith.constant 0 : index
    %get3A_73 = vector.load %arg11[%get3A_71, %get3A_72] : memref<1x72xf32, #tpu.memory_space<vmem>>, vector<1x72xf32>
    %get3A_74 = arith.constant 0 : index
    %get3A_75 = arith.constant 0 : index
    %get3A_76 = vector.load %arg8[%get3A_74, %get3A_75] : memref<3136x16xf32, #tpu.memory_space<vmem>>, vector<3136x16xf32>
    %dot_general3A_77 = arith.constant dense<0.000000e+00> : vector<3136x72xf32>
    %dot_general3A_78 = tpu.matmul %get3A_76, %rsqrt3A, %dot_general3A_77 {dimension_numbers = #tpu.dot_dimension_numbers<[1], [0], [0], [1], [0, 0, 1, 1], [], []>, transpose_lhs_hint = false} : vector<3136x16xf32>, vector<16x72xf32>, vector<3136x72xf32> -> vector<3136x72xf32>
    %mul3A_79 = arith.mulf %sub3A, %dot_general3A_78 : vector<3136x72xf32>
    %mul3A_80 = vector.broadcast %get3A_73 : vector<1x72xf32> to vector<3136x72xf32>
    %mul3A_81 = arith.mulf %mul3A_80, %mul3A_79 : vector<3136x72xf32>
    %get3A_82 = arith.constant 0 : index
    %get3A_83 = arith.constant 0 : index
    %get3A_84 = vector.load %arg12[%get3A_82, %get3A_83] : memref<1x72xf32, #tpu.memory_space<vmem>>, vector<1x72xf32>
    %add3A_85 = vector.broadcast %get3A_84 : vector<1x72xf32> to vector<3136x72xf32>
    %add3A_86 = arith.addf %mul3A_81, %add3A_85 : vector<3136x72xf32>
    %get3A_87 = arith.constant 0 : index
    %get3A_88 = arith.constant 0 : index
    %get3A_89 = vector.load %arg6[%get3A_87, %get3A_88] : memref<3136x72xf32, #tpu.memory_space<vmem>>, vector<3136x72xf32>
    %add3A_90 = arith.addf %add3A_86, %get3A_89 : vector<3136x72xf32>
    %get3A_91 = arith.constant 0 : index
    %get3A_92 = arith.constant 0 : index
    %get3A_93 = vector.load %arg7[%get3A_91, %get3A_92] : memref<16x3136xf32, #tpu.memory_space<vmem>>, vector<16x3136xf32>
    %dot_general3A_94 = arith.constant dense<0.000000e+00> : vector<16x72xf32>
    %dot_general3A_95 = tpu.matmul %get3A_93, %add3A_90, %dot_general3A_94 {dimension_numbers = #tpu.dot_dimension_numbers<[1], [0], [0], [1], [0, 0, 1, 1], [], []>, precision = #tpu.contract_precision<fp32>, transpose_lhs_hint = false} : vector<16x3136xf32>, vector<3136x72xf32>, vector<16x72xf32> -> vector<16x72xf32>
    %swap3A = arith.constant 0 : index
    %swap3A_96 = arith.constant 0 : index
    %swap3A_97 = vector.load %arg14[%swap3A, %swap3A_96] : memref<16x72xf32, #tpu.memory_space<vmem>>, vector<16x72xf32>
    tpu.vector_store %arg14[%swap3A, %swap3A_96], %dot_general3A_95 {strides = array<i32>} : memref<16x72xf32, #tpu.memory_space<vmem>>, vector<16x72xf32>,
    return
  }
  func.func @transform_0(%arg0: i32) -> (i32, i32, i32) {
    %c0_i32 = arith.constant 0 : i32
    %c0_i32_0 = arith.constant 0 : i32
    %c0_i32_1 = arith.constant 0 : i32
    return %c0_i32, %arg0, %c0_i32_0 : i32, i32, i32
  }
  func.func @transform_1(%arg0: i32) -> (i32, i32, i32) {
    %c0_i32 = arith.constant 0 : i32
    %c0_i32_0 = arith.constant 0 : i32
    %c0_i32_1 = arith.constant 0 : i32
    return %c0_i32, %arg0, %c0_i32_0 : i32, i32, i32
  }
  func.func @transform_2(%arg0: i32) -> (i32, i32) {
    %c0_i32 = arith.constant 0 : i32
    %c0_i32_0 = arith.constant 0 : i32
    return %arg0, %c0_i32 : i32, i32
  }
  func.func @transform_3(%arg0: i32) -> (i32, i32) {
    %c0_i32 = arith.constant 0 : i32
    %c0_i32_0 = arith.constant 0 : i32
    return %arg0, %c0_i32 : i32, i32
  }
  func.func @transform_4(%arg0: i32) -> (i32, i32) {
    %c0_i32 = arith.constant 0 : i32
    %c0_i32_0 = arith.constant 0 : i32
    return %arg0, %c0_i32 : i32, i32
  }
  func.func @transform_5(%arg0: i32) -> (i32, i32) {
    %c0_i32 = arith.constant 0 : i32
    %c0_i32_0 = arith.constant 0 : i32
    return %arg0, %c0_i32 : i32, i32
  }
  func.func @transform_6(%arg0: i32) -> (i32, i32) {
    %c0_i32 = arith.constant 0 : i32
    %c0_i32_0 = arith.constant 0 : i32
    %c0_i32_1 = arith.constant 0 : i32
    return %c0_i32, %c0_i32_0 : i32, i32
  }
  func.func @transform_7(%arg0: i32) -> (i32, i32) {
    %c0_i32 = arith.constant 0 : i32
    %c0_i32_0 = arith.constant 0 : i32
    %c0_i32_1 = arith.constant 0 : i32
    return %c0_i32, %c0_i32_0 : i32, i32
  }
  func.func @transform_8(%arg0: i32) -> (i32, i32) {
    %c0_i32 = arith.constant 0 : i32
    %c0_i32_0 = arith.constant 0 : i32
    %c0_i32_1 = arith.constant 0 : i32
    return %c0_i32, %c0_i32_0 : i32, i32
  }
  func.func @transform_9(%arg0: i32) -> (i32, i32) {
    %c0_i32 = arith.constant 0 : i32
    %c0_i32_0 = arith.constant 0 : i32
    %c0_i32_1 = arith.constant 0 : i32
    return %c0_i32, %c0_i32_0 : i32, i32
  }
  func.func @transform_10(%arg0: i32) -> (i32, i32) {
    %c0_i32 = arith.constant 0 : i32
    %c0_i32_0 = arith.constant 0 : i32
    %c0_i32_1 = arith.constant 0 : i32
    return %c0_i32, %c0_i32_0 : i32, i32
  }
  func.func @transform_11(%arg0: i32) -> (i32, i32) {
    %c0_i32 = arith.constant 0 : i32
    %c0_i32_0 = arith.constant 0 : i32
    %c0_i32_1 = arith.constant 0 : i32
    return %c0_i32, %c0_i32_0 : i32, i32
  }
  func.func @transform_12(%arg0: i32) -> (i32, i32) {
    %c0_i32 = arith.constant 0 : i32
    %c0_i32_0 = arith.constant 0 : i32
    %c0_i32_1 = arith.constant 0 : i32
    return %c0_i32, %c0_i32_0 : i32, i32
  }
  func.func @transform_13(%arg0: i32) -> (i32, i32) {
    %c0_i32 = arith.constant 0 : i32
    %c0_i32_0 = arith.constant 0 : i32
    return %arg0, %c0_i32 : i32, i32
  }
}

module attributes {stable_mosaic.version = 14 : i64} {
  func.func @_mlp_body(%arg0: memref<256x72xf32, #tpu.memory_space<vmem>>, %arg1: memref<256x196xf32, #tpu.memory_space<vmem>>, %arg2: memref<72x512xf32, #tpu.memory_space<vmem>>, %arg3: memref<196x512xf32, #tpu.memory_space<vmem>>, %arg4: memref<1x512xf32, #tpu.memory_space<vmem>>, %arg5: memref<512x512xf32, #tpu.memory_space<vmem>>, %arg6: memref<1x512xf32, #tpu.memory_space<vmem>>, %arg7: memref<512x1xf32, #tpu.memory_space<vmem>>, %arg8: memref<1x1xf32, #tpu.memory_space<vmem>>, %arg9: memref<256x1xf32, #tpu.memory_space<vmem>>) attributes {dimension_semantics = [], scalar_prefetch = 0 : i64, scratch_operands = 0 : i64, tpu.core_type = #tpu.core_type<tc>} {
    %get3A = arith.constant 0 : index
    %get3A_0 = arith.constant 0 : index
    %get3A_1 = vector.load %arg0[%get3A, %get3A_0] : memref<256x72xf32, #tpu.memory_space<vmem>>, vector<256x72xf32>
    %get3A_2 = arith.constant 0 : index
    %get3A_3 = arith.constant 0 : index
    %get3A_4 = vector.load %arg2[%get3A_2, %get3A_3] : memref<72x512xf32, #tpu.memory_space<vmem>>, vector<72x512xf32>
    %dot_general3A = arith.constant dense<0.000000e+00> : vector<256x512xf32>
    %dot_general3A_5 = tpu.matmul %get3A_1, %get3A_4, %dot_general3A {dimension_numbers = #tpu.dot_dimension_numbers<[1], [0], [0], [1], [0, 0, 1, 1], [], []>, transpose_lhs_hint = false} : vector<256x72xf32>, vector<72x512xf32>, vector<256x512xf32> -> vector<256x512xf32>
    %get3A_6 = arith.constant 0 : index
    %get3A_7 = arith.constant 0 : index
    %get3A_8 = vector.load %arg1[%get3A_6, %get3A_7] : memref<256x196xf32, #tpu.memory_space<vmem>>, vector<256x196xf32>
    %get3A_9 = arith.constant 0 : index
    %get3A_10 = arith.constant 0 : index
    %get3A_11 = vector.load %arg3[%get3A_9, %get3A_10] : memref<196x512xf32, #tpu.memory_space<vmem>>, vector<196x512xf32>
    %dot_general3A_12 = arith.constant dense<0.000000e+00> : vector<256x512xf32>
    %dot_general3A_13 = tpu.matmul %get3A_8, %get3A_11, %dot_general3A_12 {dimension_numbers = #tpu.dot_dimension_numbers<[1], [0], [0], [1], [0, 0, 1, 1], [], []>, transpose_lhs_hint = false} : vector<256x196xf32>, vector<196x512xf32>, vector<256x512xf32> -> vector<256x512xf32>
    %add3A = arith.addf %dot_general3A_5, %dot_general3A_13 : vector<256x512xf32>
    %get3A_14 = arith.constant 0 : index
    %get3A_15 = arith.constant 0 : index
    %get3A_16 = vector.load %arg4[%get3A_14, %get3A_15] : memref<1x512xf32, #tpu.memory_space<vmem>>, vector<1x512xf32>
    %add3A_17 = vector.broadcast %get3A_16 : vector<1x512xf32> to vector<256x512xf32>
    %add3A_18 = arith.addf %add3A, %add3A_17 : vector<256x512xf32>
    %max3A = arith.constant 0.000000e+00 : f32
    %max3A_19 = vector.broadcast %max3A : f32 to vector<256x512xf32>
    %max3A_20 = arith.maximumf %add3A_18, %max3A_19 : vector<256x512xf32>
    %get3A_21 = arith.constant 0 : index
    %get3A_22 = arith.constant 0 : index
    %get3A_23 = vector.load %arg5[%get3A_21, %get3A_22] : memref<512x512xf32, #tpu.memory_space<vmem>>, vector<512x512xf32>
    %dot_general3A_24 = arith.constant dense<0.000000e+00> : vector<256x512xf32>
    %dot_general3A_25 = tpu.matmul %max3A_20, %get3A_23, %dot_general3A_24 {dimension_numbers = #tpu.dot_dimension_numbers<[1], [0], [0], [1], [0, 0, 1, 1], [], []>, transpose_lhs_hint = false} : vector<256x512xf32>, vector<512x512xf32>, vector<256x512xf32> -> vector<256x512xf32>
    %get3A_26 = arith.constant 0 : index
    %get3A_27 = arith.constant 0 : index
    %get3A_28 = vector.load %arg6[%get3A_26, %get3A_27] : memref<1x512xf32, #tpu.memory_space<vmem>>, vector<1x512xf32>
    %add3A_29 = vector.broadcast %get3A_28 : vector<1x512xf32> to vector<256x512xf32>
    %add3A_30 = arith.addf %dot_general3A_25, %add3A_29 : vector<256x512xf32>
    %max3A_31 = arith.constant 0.000000e+00 : f32
    %max3A_32 = vector.broadcast %max3A_31 : f32 to vector<256x512xf32>
    %max3A_33 = arith.maximumf %add3A_30, %max3A_32 : vector<256x512xf32>
    %get3A_34 = arith.constant 0 : index
    %get3A_35 = arith.constant 0 : index
    %get3A_36 = vector.load %arg7[%get3A_34, %get3A_35] : memref<512x1xf32, #tpu.memory_space<vmem>>, vector<512x1xf32>
    %dot_general3A_37 = arith.constant dense<0.000000e+00> : vector<256x1xf32>
    %dot_general3A_38 = tpu.matmul %max3A_33, %get3A_36, %dot_general3A_37 {dimension_numbers = #tpu.dot_dimension_numbers<[1], [0], [0], [1], [0, 0, 1, 1], [], []>, transpose_lhs_hint = false} : vector<256x512xf32>, vector<512x1xf32>, vector<256x1xf32> -> vector<256x1xf32>
    %get3A_39 = arith.constant 0 : index
    %get3A_40 = arith.constant 0 : index
    %get3A_41 = vector.load %arg8[%get3A_39, %get3A_40] : memref<1x1xf32, #tpu.memory_space<vmem>>, vector<1x1xf32>
    %add3A_42 = vector.broadcast %get3A_41 : vector<1x1xf32> to vector<256x1xf32>
    %add3A_43 = arith.addf %dot_general3A_38, %add3A_42 : vector<256x1xf32>
    %swap3A = arith.constant 0 : index
    %swap3A_44 = arith.constant 0 : index
    %swap3A_45 = vector.load %arg9[%swap3A, %swap3A_44] : memref<256x1xf32, #tpu.memory_space<vmem>>, vector<256x1xf32>
    tpu.vector_store %arg9[%swap3A, %swap3A_44], %add3A_43 {strides = array<i32>} : memref<256x1xf32, #tpu.memory_space<vmem>>, vector<256x1xf32>,
    return
  }
}

</mosaic_0001>

<sc_bundles>
// kernel: kernel.12.cloned.1.call-start
scs
__scs_entry_jumppad:
0x0: {  	(pc) =	sbr.rel $0x88, $3  }
0x1: {  	(tag) =	ssettag $0x0;
	lr =	simm.s32 $0x1  }
0x2: {  	[smem:$0x3F84] =	sst lr;
	_ =	strace $0xD0000000  }
0x3: {  	_ = 	snop  }
0x4: {  	_ = 	snop  }
0x5: {  	_ = 	snop  }
0x6: {  	_ = 	snop  }
0x7: {  	_ = 	snop  }
__scs_overlays_trampoline_lowered:
0x8: {  	[smem:$0x3F93] =	sst s0  }
0x9: {  	[smem:$0x3F94] =	sst s1  }
0xa: {  	[smem:$0x3F95] =	sst s2  }
0xb: {  	[smem:$0x3F96] =	sst s3  }
0xc: {  	[smem:$0x3F97] =	sst s4  }
0xd: {  	[smem:$0x3F98] =	sst s5  }
0xe: {  	[smem:$0x3F99] =	sst s6  }
0xf: {  	[smem:$0x3F9A] =	sst s7  }
0x10: {  	[smem:$0x3F9B] =	sst s8  }
0x11: {  	[smem:$0x3F9C] =	sst s9;
	s0 =	simm.s32 @!p0 $0x0  }
0x12: {  	s1 =	sld [smem:$0x3F82];
	s0 =	simm.s32 @p0 $0x1  }
0x13: {  	[smem:$0x3F9D] =	sst s0;
	s0 =	simm.s32 @!p1 $0x0  }
0x14: {  	s2 =	sld [smem:$0x3F81];
	s0 =	simm.s32 @p1 $0x1  }
0x15: {  	[smem:$0x3F9E] =	sst s0;
	s0 =	simm.s32 @!p2 $0x0  }
0x16: {  	s3 =	sld [smem:$0x3FDB];
	s0 =	simm.s32 @p2 $0x1  }
0x17: {  	s4 =	simm.s32 $0x1BF5;
	[smem:$0x3FA0] =	sst s0  }
0x18: {  	s0 =	sld [smem:$0x3F83];
	_ =	swait.ge [sflag:s4], $0x0  }
0x19: {  	s7 =	sld [smem:$0x3F84]  }
0x1a: {  	s8 =	sadd.s32 $0xFFFFE003, lr  }
0x1b: {  	s9 =	sadd.s32 $0xFFFFFEF7, lr;
	s5 =	simm.s32 $0xFFFFFFFF;
	p2 =	slt.u32 s8, $0xFFFFF086  }
0x1c: {  	p1 =	slt.u32 s9, $0xF7A;
	s5 =	simm.s32 @!p2 $0x0  }
0x1d: {  	s5 =	simm.s32 @p1 $0x1;
	p0 =	seq.s32 s7, s2  }
0x1e: {  	s7 =	smul.u32 @!p0 $0xF7A, s2;
	p2 =	seq.s32 @!p0 s5, $0x0  }
0x1f: {  	s9 =	smul.u32 $0xF7A, s1;
	s8 =	simm.s32 @!p0 $0x1BF5;
	p2 =	por !p2, p0  }
0x20: {  	[sflag:s8] =	ssyncset.s32 @!p0 $0xFFFFF086;
	s6 =	sadd.s32 @!p0 s3, s7;
	s7 =	simm.s32 @!p0 $0x108  }
0x21: {  	s3 =	sadd.s32 s3, s9;
	s6 =	sadd.s32 @!p0 $0x88, s6;
	s7 =	simm.s32 @p2 $0x1082  }
0x22: {  	[simem:s7], [sflag:s8] =	dma.local @!p0 [hbm:s6], $0xF7A  }
0x23: {  	s9 =	sor.u32 $0xD0000000, s2;
	s6 =	simm.s32 $0x108;
	_ =	swait.ge @!p0 [sflag:s8], $0x0  }
0x24: {  	s3 =	sadd.s32 $0x88, s3;
	s6 =	simm.s32 @!p1 $0x1082;
	[sflag:s4] =	ssyncset.s32 $0xFFFFF086  }
0x25: {  	[simem:s6], [sflag:s4] =	dma.local [hbm:s3], $0xF7A  }
0x26: {  	[smem:$0x3F84] =	sst s1;
	(tag) =	ssettag s2;
	_ =	strace s9  }
0x27: {  	s1 =	sld [smem:$0x3F94]  }
0x28: {  	s2 =	sld [smem:$0x3F95]  }
0x29: {  	s4 =	sld [smem:$0x3F97]  }
0x2a: {  	p0 =	seq.s32 s5, $0x0;
	s5 =	sld [smem:$0x3F98]  }
0x2b: {  	s6 =	sld [smem:$0x3F99]  }
0x2c: {  	s7 =	sld [smem:$0x3F9A]  }
0x2d: {  	s3 =	simm.s32 $0x108;
	s8 =	sld [smem:$0x3F9B]  }
0x2e: {  	s3 =	simm.s32 @!p0 $0x1082;
	s9 =	sld [smem:$0x3F9C]  }
0x2f: {  	lr =	sadd.s32 s0, s3;
	s0 =	sld [smem:$0x3F93]  }
0x30: {  	s3 =	sld [smem:$0x3F96]  }
0x31: {  	[smem:$0x3F9F] =	sst s10  }
0x32: {  	s10 =	sld [smem:$0x3F9D];
	_ =	sdelay $0x3  }
0x33: {  	p0 =	seq.s32 s10, $0x1;
	s10 =	sld [smem:$0x3F9F];
	_ =	sdelay $0x3  }
0x34: {  	[smem:$0x3F9F] =	sst s10  }
0x35: {  	s10 =	sld [smem:$0x3F9E];
	_ =	sdelay $0x3  }
0x36: {  	p1 =	seq.s32 s10, $0x1;
	s10 =	sld [smem:$0x3F9F];
	_ =	sdelay $0x3  }
0x37: {  	[smem:$0x3F9F] =	sst s10  }
0x38: {  	s10 =	sld [smem:$0x3FA0]  }
0x39: {  	_ = 	snop;
	(pc) =	sbr.ind lr, $3  }
0x3a: {  	_ = 	snop  }
0x3b: {  	_ = 	snop  }
0x3c: {  	p2 =	seq.s32 s10, $0x1;
	s10 =	sld [smem:$0x3F9F]  }
0x3d: {  	_ =	shalt  }
0x3e: {  	_ =	shalt  }
0x3f: {  	_ =	shalt  }
0x40: {  	_ =	shalt  }
0x41: {  	_ =	shalt  }
0x42: {  	_ =	shalt  }
0x43: {  	_ =	shalt  }
0x44: {  	_ =	shalt  }
0x45: {  	_ =	shalt  }
0x46: {  	_ =	shalt  }
0x47: {  	_ =	shalt  }
0x48: {  	_ =	shalt  }
0x49: {  	_ =	shalt  }
0x4a: {  	_ =	shalt  }
0x4b: {  	_ =	shalt  }
0x4c: {  	_ =	shalt  }
0x4d: {  	_ =	shalt  }
0x4e: {  	_ =	shalt  }
0x4f: {  	_ =	shalt  }
0x50: {  	_ =	shalt  }
0x51: {  	_ =	shalt  }
0x52: {  	_ =	shalt  }
0x53: {  	_ =	shalt  }
0x54: {  	_ =	shalt  }
0x55: {  	_ =	shalt  }
0x56: {  	_ =	shalt  }
0x57: {  	_ =	shalt  }
0x58: {  	_ =	shalt  }
0x59: {  	_ =	shalt  }
0x5a: {  	_ =	shalt  }
0x5b: {  	_ =	shalt  }
0x5c: {  	_ =	shalt  }
0x5d: {  	_ =	shalt  }
0x5e: {  	_ =	shalt  }
0x5f: {  	_ =	shalt  }
0x60: {  	_ =	shalt  }
0x61: {  	_ =	shalt  }
0x62: {  	_ =	shalt  }
0x63: {  	_ =	shalt  }
0x64: {  	_ =	shalt  }
0x65: {  	_ =	shalt  }
0x66: {  	_ =	shalt  }
0x67: {  	_ =	shalt  }
0x68: {  	_ =	shalt  }
0x69: {  	_ =	shalt  }
0x6a: {  	_ =	shalt  }
0x6b: {  	_ =	shalt  }
0x6c: {  	_ =	shalt  }
0x6d: {  	_ =	shalt  }
0x6e: {  	_ =	shalt  }
0x6f: {  	_ =	shalt  }
0x70: {  	_ =	shalt  }
0x71: {  	_ =	shalt  }
0x72: {  	_ =	shalt  }
0x73: {  	_ =	shalt  }
0x74: {  	_ =	shalt  }
0x75: {  	_ =	shalt  }
0x76: {  	_ =	shalt  }
0x77: {  	_ =	shalt  }
0x78: {  	_ =	shalt  }
0x79: {  	_ =	shalt  }
0x7a: {  	_ =	shalt  }
0x7b: {  	_ =	shalt  }
0x7c: {  	_ =	shalt  }
0x7d: {  	_ =	shalt  }
0x7e: {  	_ =	shalt  }
0x7f: {  	_ =	shalt  }
0x80: {  	_ =	shalt  }
0x81: {  	_ =	shalt  }
0x82: {  	_ =	shalt  }
0x83: {  	_ =	shalt  }
0x84: {  	_ =	shalt  }
0x85: {  	_ =	shalt  }
0x86: {  	_ =	shalt  }
0x87: {  	_ =	shalt  }
.Lfunc_end0:
.L_simem_size_0:
called_computation_lowered:
.L_overlay_start_0:
0x88: {  	s2 =	sld [smem:$0x3FD9]  }
0x89: {  	s3 =	sld [smem:$0x3FFE];
	_ =	sdelay $0x1  }
0x8a: {  	s1 =	srdreg.scid  }
0x8b: {  	s0 =	sand.u32 $0x1, s1  }
0x8c: {  	s16 =	sshll.u32 s0, $0xA;
	s2 =	sadd.s32 s3, s2  }
0x8d: {  	s2 =	sadd.s32 s2, s16  }
0x8e: {  	[smem:$0x3FAB] =	sst s2  }
0x8f: {  	_ = 	snop  }
0x90: {  	(tm) =	ssettm $0x1  }
0x91: {  	s17 =	sld [smem:$0x3FFB];
	_ =	sdelay $0x3  }
0x92: {  	_ =	strace s17  }
0x93: {  	s2 =	sld [smem:$0x3FFC];
	_ =	sdelay $0x3  }
0x94: {  	_ =	strace s2  }
0x95: {  	s2 =	sld [smem:$0x3FFD];
	_ =	sdelay $0x3  }
0x96: {  	_ =	strace s2  }
0x97: {  	_ =	strace $0x8FFFFFFF  }
0x98: {  	s18 =	sld [smem:$0x3FDB];
	_ =	sdelay $0x1  }
0x99: {  	s19 =	simm.s32 $_scs_section_size  }
0x9a: {  	s4 =	simm.s32 $_size__tile_overlayer_lowered;
	s5 =	simm.s32 $_tile_overlayer_lowered  }
0x9b: {  	s22 =	simm.s32 $0x1BFF;
	s21 =	sshll.u32 s5, $0x1;
	s2 =	sadd.s32 s19, s18  }
0x9c: {  	s6 =	simm.s32 $0x0;
	s20 =	sshll.u32 s4, $0x1;
	s4 =	sadd.s32 s21, s2  }
0x9d: {  	[timem:s6], [sflag:s22] =	dma.local [hbm:s4], s20  }
0x9e: {  	_ =	swait.ge [sflag:s22], s20  }
0x9f: {  	s3 =	ssub.s32 $0x0, s20;
	[sflag:s22] =	ssyncset.done $0x0  }
0xa0: {  	[sflag:s22] =	ssyncadd.s32 s3;
	_ =	sdelay $0x1  }
0xa1: {  	s23 =	simm.s32 $0x1B8B  }
0xa2: {  	_ =	swait.ge [sflag:s23], $0x1  }
0xa3: {  	[sflag:s23] =	ssyncset.done $0x0  }
0xa4: {  	s25 =	simm.s32 $0x1B8E;
	s24 =	sld [smem:$0x3FFE];
	[sflag:s23] =	ssyncadd.s32 $0xFFFFFFFF  }
0xa5: {  	s26 =	simm.s32 $execute0_lowered;
	[smem:$0x3FD2] =	sst s25  }
0xa6: {  	s4 =	sshll.u32 s26, $0x1;
	_ =	strace $0x80000046;
	[dreg:$0x1] =	wrdreg $0xFFFFFFFF  }
0xa7: {  	s28 =	simm.s32 $_size_execute0_lowered;
	s2 =	sadd.s32 s2, s4;
	[dreg:$0x0] =	wrdreg $0x0  }
0xa8: {  	s4 =	sshll.u32 s28, $0x1;
	[dreg:$0x2] =	wrdreg s2  }
0xa9: {  	[dreg:$0x3] =	wrdreg s4  }
0xaa: {  	[dreg:$0x4] =	wrdreg $0xC0  }
0xab: {  	_ =	task [dreg:s6], $0x5FFFF  }
0xac: {  	[dreg:$0x1] =	wrdreg $0xFFFFFFFF  }
0xad: {  	[dreg:$0x0] =	wrdreg $0x60  }
0xae: {  	[dreg:$0x2] =	wrdreg s24  }
0xaf: {  	[dreg:$0x3] =	wrdreg $0x66000  }
0xb0: {  	[dreg:$0x4] =	wrdreg $0x9  }
0xb1: {  	_ =	task.clear_ibuf [dreg:s6], $0x5FFFF;
	_ =	strace $0x90000046  }
0xb2: {  	s29 =	simm.s32 $0x9;
	_ =	strace $0x80000048  }
0xb3: {  	_ =	swait.ge [sflag:s29], $0x1  }
0xb4: {  	[sflag:s29] =	ssyncadd.s32 $0xFFFFFFFF  }
0xb5: {  	_ =	strace $0x90000048  }
0xb6: {  	_ =	sfence  }
0xb7: {  	s30 =	sld [smem:$0x0];
	_ =	sdelay $0x2  }
0xb8: {  	s31 =	sshll.u32 s1, $0xD;
	s1 =	sshrl.u32 s1, $0x2  }
0xb9: {  	s3 =	sand.u32 $0x4000, s31;
	s1 =	sadd.s32 s1, s30  }
0xba: {  	s0 =	sor.u32 s3, s0;
	s1 =	sshll.u32 s1, $0x11  }
0xbb: {  	s0 =	sor.u32 s1, s0  }
0xbc: {  	s0 =	sadd.s32 $0x8F2B, s0  }
0xbd: {  	[sflag:s0] =	ssyncadd.remote.s32 $0x1  }
0xbe: {  	_ =	sfence.sel $0xFFFF  }
0xbf: {  	[dreg:$0x0] =	wrdreg $0xFFFFFFFF;
	(pc) =	sbr.abs _section_cstart, $3  }
0xc0: {  	[dreg:$0x1] =	wrdreg $0xFFFFFFFF  }
0xc1: {  	_ =	task.clear_ibuf [dreg:s6], $0x2FFFF;
	_ =	strace $0x9FFFFFFF  }
0xc2: {  	(tm) =	ssettm $0x7FFFFFFF  }
0xc3: {  	_ =	shalt  }
tec
execute0_lowered:
.L_overlay_start_1:
0x0: {  	(tag) =	ssettag $0x1  }
0x1: {  	s1 =	srdreg.scid  }
0x2: {  	s0 =	stileid.u32;
	s6 =	rddreg [dreg:$0x0]  }
0x3: {  	s2 =	rddreg [dreg:$0x1];
	s3 =	simm.s32 $0x0;
	s13 =	simm.s32 $0x80  }
0x4: {  	s14 =	simm.s32 $0x0;
	s5 =	sand.u32 $0x1, s1;
	s30 =	sshll.u32 s0, $0x1  }
0x5: {  	s7 =	smul.u32 $0x6200, s0;
	[smem:$0x7FF] =	sst s3;
	s31 =	sshll.u32 s0, $0x6  }
0x6: {  	s1 =	sor.u32 s5, s30;
	s8 =	smul.u32 $0x62000, s5;
	s5 =	ssub.s32 $0x2, s5  }
0x7: {  	s4 =	smul.u32 $0xC40, s1;
	s1 =	rddreg [dreg:$0x2];
	_ =	strace $0x80000047  }
0x8: {  	s10 =	sshrl.u32 s7, $0x3;
	s11 =	sshrl.u32 s5, $0x1;
	s12 =	sadd.s32 s7, s2  }
0x9: {  	s8 =	sadd.s32 s7, s8;
	s10 =	sadd.s32 s10, s6;
	s11 =	ssub.s32 s5, s11  }
0xa: {  	s9 =	sadd.s32 s4, s6;
	s4 =	sadd.s32 $0x42A00, s6;
	s8 =	sshrl.u32 s8, $0x3  }
0xb: {  	s5 =	sadd.s32 $0x36600, s10;
	s10 =	sshrl.u32 s12, $0x3;
	s12 =	simm.s32 $0x6200  }
0xc: {  	s8 =	sadd.s32 s8, s6;
	s6 =	sor.u32 $0x1C01, s31;
	s7 =	sadd.s32 $0x1DE00, s9  }
0xd: {  	s9 =	smax.u32 s11, $0x1;
	s11 =	simm.s32 $0x1;
	s8 =	sadd.s32 $0x42C00, s8  }
.LBB2_1:
0xe: {  	[spmem:s10], [sflag:s6] =	dma.local [hbm:s5], $0xC40  }
0xf: {  	_ =	swait.ge [sflag:s11], $0xC40  }
0x10: {  	[sflag:s11] =	ssyncset.done $0x0  }
0x11: {  	[sflag:s11] =	ssyncadd.s32 $0xFFFFF3C0  }
0x12: {  	[tilespmem:s12], [sflag:$0x1] =	stream.linear.gather [hbm4b:s4+s3], $0x400, $0x38;
	[tilespmem:$0x7240] =	vst v63  }
0x13: {  	_ =	swait.ge [sflag:s11], $0x400  }
0x14: {  	[sflag:s11] =	ssyncset.done $0x0  }
0x15: {  	[sflag:s11] =	ssyncadd.s32 $0xFFFFFC00  }
0x16: {  	[tilespmem:s3], [sflag:$0x1] =	stream.linear.gather [hbm4b:s7+s3], $0x6200, $0x38;
	[tilespmem:$0x7240] =	vst v63  }
0x17: {  	_ =	swait.ge [sflag:s11], $0x6200  }
0x18: {  	[sflag:s11] =	ssyncset.done $0x0  }
0x19: {  	[sflag:s11] =	ssyncadd.s32 $0xFFFF9E00  }
0x1a: {  	s15 =	simm.s32 $0x0;
	[bflag:$0x0] =	sbarrier.arrive $0xFFFF  }
0x1b: {  	[spmem:s2] =	stream.indirect.scatter.add.f32 [tilespmem:s12], [sflag:$0x1], $0x1, s15, s13, $0xb8;
	[tilespmem:$0x7240] =	vst v63  }
0x1c: {  	_ =	swait.ge [sflag:s11], $0x80  }
0x1d: {  	s15 =	simm.s32 $0x200;
	[sflag:s11] =	ssyncset.done $0x0  }
.LBB2_2:
0x1e: {  	s16 =	sshra.s32 s15, $0x2;
	[sflag:s11] =	ssyncadd.s32 $0xFFFFFF80;
	p0 =	sne.s32 s15, $0x18600  }
0x1f: {  	[spmem:s2] =	stream.indirect.scatter.add.f32 [tilespmem:s12], [sflag:$0x1], $0x1, s16, s13, $0xb8;
	[tilespmem:$0x7240] =	vst v63  }
.Ltmp0:
0x20: {  	_ = 	snop;
	(pc) =	sbr.rel @p0 .LBB2_2-.Ltmp0, $4  }
0x21: {  	_ = 	snop  }
0x22: {  	s15 =	sadd.s32 $0x200, s15  }
0x23: {  	_ =	swait.ge [sflag:s11], $0x80  }
0x24: {  	[sflag:s11] =	ssyncset.done $0x0  }
0x25: {  	s14 =	sadd.s32 $0x1, s14  }
0x26: {  	[sflag:s11] =	ssyncadd.s32 $0xFFFFFF80;
	p0 =	sne.s32 s14, s9  }
.Ltmp1:
0x27: {  	[bflag:$0x0] =	sbarrier.arrive $0xFFFF;
	(pc) =	sbr.rel @p0 .LBB2_1-.Ltmp1, $4  }
0x28: {  	[hbm:s8], [sflag:s6] =	dma.local [spmem:s10], $0xC40  }
0x29: {  	_ =	swait.ge [sflag:s11], $0xC40  }
0x2a: {  	[sflag:s11] =	ssyncset.done $0x0  }
0x2b: {  	[sflag:s11] =	ssyncadd.s32 $0xFFFFF3C0  }
0x2c: {  	_ =	sfence.sel $0x180000  }
0x2d: {  	[bflag:$0x0] =	sbarrier.arrive $0xFFFF  }
0x2e: {  	p0 =	sne.s32 s0, $0x0;
	_ =	strace $0x90000047  }
0x2f: {  	s0 =	sadd.s32 @!p0 $0x100000, s1;
	[bflag:$0x2] =	sbarrier.arrive $0xFFFF  }
0x30: {  	[sflag:s0] =	ssyncadd.tile.s32 @!p0 $0x1;
	_ =	shalt  }
.Lfunc_end2:
_tile_overlayer_lowered:
.L_overlay_start_2:
0x31: {  	(tag) =	ssettag $0x2  }
0x32: {  	s0 =	rddreg [dreg:$0x0];
	s2 =	stileid.u32  }
0x33: {  	s1 =	rddreg [dreg:$0x1];
	p0 =	sne.s32 s2, $0x0  }
0x34: {  	s3 =	rddreg [dreg:$0x2];
	[bflag:$0x3] =	sbarrier.arrive $0xFFFF;
	s2 =	simm.s32 @!p0 $0x1C01  }
0x35: {  	[timem:s3], [sflag:s2] =	dma.local @!p0 [hbm:s0], s1  }
0x36: {  	s0 =	simm.s32 @!p0 $0x1  }
0x37: {  	_ =	swait.ge @!p0 [sflag:s0], s1  }
0x38: {  	s1 =	ssub.s32 @!p0 $0x0, s1;
	[sflag:s0] =	ssyncset.done @!p0 $0x0  }
0x39: {  	[sflag:s0] =	ssyncadd.s32 @!p0 s1  }
0x3a: {  	[bflag:$0x3] =	sbarrier.arrive $0xFFFF  }
0x3b: {  	_ =	shalt  }

// kernel: kernel.15.cloned.1.call-start
scs
__scs_entry_jumppad:
0x0: {  	(pc) =	sbr.rel $0x88, $3  }
0x1: {  	(tag) =	ssettag $0x0;
	lr =	simm.s32 $0x1  }
0x2: {  	[smem:$0x3F84] =	sst lr;
	_ =	strace $0xD0000000  }
0x3: {  	_ = 	snop  }
0x4: {  	_ = 	snop  }
0x5: {  	_ = 	snop  }
0x6: {  	_ = 	snop  }
0x7: {  	_ = 	snop  }
__scs_overlays_trampoline_lowered:
0x8: {  	[smem:$0x3F93] =	sst s0  }
0x9: {  	[smem:$0x3F94] =	sst s1  }
0xa: {  	[smem:$0x3F95] =	sst s2  }
0xb: {  	[smem:$0x3F96] =	sst s3  }
0xc: {  	[smem:$0x3F97] =	sst s4  }
0xd: {  	[smem:$0x3F98] =	sst s5  }
0xe: {  	[smem:$0x3F99] =	sst s6  }
0xf: {  	[smem:$0x3F9A] =	sst s7  }
0x10: {  	[smem:$0x3F9B] =	sst s8  }
0x11: {  	[smem:$0x3F9C] =	sst s9;
	s0 =	simm.s32 @!p0 $0x0  }
0x12: {  	s1 =	sld [smem:$0x3F82];
	s0 =	simm.s32 @p0 $0x1  }
0x13: {  	[smem:$0x3F9D] =	sst s0;
	s0 =	simm.s32 @!p1 $0x0  }
0x14: {  	s2 =	sld [smem:$0x3F81];
	s0 =	simm.s32 @p1 $0x1  }
0x15: {  	[smem:$0x3F9E] =	sst s0;
	s0 =	simm.s32 @!p2 $0x0  }
0x16: {  	s3 =	sld [smem:$0x3FDB];
	s0 =	simm.s32 @p2 $0x1  }
0x17: {  	s4 =	simm.s32 $0x1BF5;
	[smem:$0x3FA0] =	sst s0  }
0x18: {  	s0 =	sld [smem:$0x3F83];
	_ =	swait.ge [sflag:s4], $0x0  }
0x19: {  	s7 =	sld [smem:$0x3F84]  }
0x1a: {  	s8 =	sadd.s32 $0xFFFFE003, lr  }
0x1b: {  	s9 =	sadd.s32 $0xFFFFFEF7, lr;
	s5 =	simm.s32 $0xFFFFFFFF;
	p2 =	slt.u32 s8, $0xFFFFF086  }
0x1c: {  	p1 =	slt.u32 s9, $0xF7A;
	s5 =	simm.s32 @!p2 $0x0  }
0x1d: {  	s5 =	simm.s32 @p1 $0x1;
	p0 =	seq.s32 s7, s2  }
0x1e: {  	s7 =	smul.u32 @!p0 $0xF7A, s2;
	p2 =	seq.s32 @!p0 s5, $0x0  }
0x1f: {  	s9 =	smul.u32 $0xF7A, s1;
	s8 =	simm.s32 @!p0 $0x1BF5;
	p2 =	por !p2, p0  }
0x20: {  	[sflag:s8] =	ssyncset.s32 @!p0 $0xFFFFF086;
	s6 =	sadd.s32 @!p0 s3, s7;
	s7 =	simm.s32 @!p0 $0x108  }
0x21: {  	s3 =	sadd.s32 s3, s9;
	s6 =	sadd.s32 @!p0 $0x88, s6;
	s7 =	simm.s32 @p2 $0x1082  }
0x22: {  	[simem:s7], [sflag:s8] =	dma.local @!p0 [hbm:s6], $0xF7A  }
0x23: {  	s9 =	sor.u32 $0xD0000000, s2;
	s6 =	simm.s32 $0x108;
	_ =	swait.ge @!p0 [sflag:s8], $0x0  }
0x24: {  	s3 =	sadd.s32 $0x88, s3;
	s6 =	simm.s32 @!p1 $0x1082;
	[sflag:s4] =	ssyncset.s32 $0xFFFFF086  }
0x25: {  	[simem:s6], [sflag:s4] =	dma.local [hbm:s3], $0xF7A  }
0x26: {  	[smem:$0x3F84] =	sst s1;
	(tag) =	ssettag s2;
	_ =	strace s9  }
0x27: {  	s1 =	sld [smem:$0x3F94]  }
0x28: {  	s2 =	sld [smem:$0x3F95]  }
0x29: {  	s4 =	sld [smem:$0x3F97]  }
0x2a: {  	p0 =	seq.s32 s5, $0x0;
	s5 =	sld [smem:$0x3F98]  }
0x2b: {  	s6 =	sld [smem:$0x3F99]  }
0x2c: {  	s7 =	sld [smem:$0x3F9A]  }
0x2d: {  	s3 =	simm.s32 $0x108;
	s8 =	sld [smem:$0x3F9B]  }
0x2e: {  	s3 =	simm.s32 @!p0 $0x1082;
	s9 =	sld [smem:$0x3F9C]  }
0x2f: {  	lr =	sadd.s32 s0, s3;
	s0 =	sld [smem:$0x3F93]  }
0x30: {  	s3 =	sld [smem:$0x3F96]  }
0x31: {  	[smem:$0x3F9F] =	sst s10  }
0x32: {  	s10 =	sld [smem:$0x3F9D];
	_ =	sdelay $0x3  }
0x33: {  	p0 =	seq.s32 s10, $0x1;
	s10 =	sld [smem:$0x3F9F];
	_ =	sdelay $0x3  }
0x34: {  	[smem:$0x3F9F] =	sst s10  }
0x35: {  	s10 =	sld [smem:$0x3F9E];
	_ =	sdelay $0x3  }
0x36: {  	p1 =	seq.s32 s10, $0x1;
	s10 =	sld [smem:$0x3F9F];
	_ =	sdelay $0x3  }
0x37: {  	[smem:$0x3F9F] =	sst s10  }
0x38: {  	s10 =	sld [smem:$0x3FA0]  }
0x39: {  	_ = 	snop;
	(pc) =	sbr.ind lr, $3  }
0x3a: {  	_ = 	snop  }
0x3b: {  	_ = 	snop  }
0x3c: {  	p2 =	seq.s32 s10, $0x1;
	s10 =	sld [smem:$0x3F9F]  }
0x3d: {  	_ =	shalt  }
0x3e: {  	_ =	shalt  }
0x3f: {  	_ =	shalt  }
0x40: {  	_ =	shalt  }
0x41: {  	_ =	shalt  }
0x42: {  	_ =	shalt  }
0x43: {  	_ =	shalt  }
0x44: {  	_ =	shalt  }
0x45: {  	_ =	shalt  }
0x46: {  	_ =	shalt  }
0x47: {  	_ =	shalt  }
0x48: {  	_ =	shalt  }
0x49: {  	_ =	shalt  }
0x4a: {  	_ =	shalt  }
0x4b: {  	_ =	shalt  }
0x4c: {  	_ =	shalt  }
0x4d: {  	_ =	shalt  }
0x4e: {  	_ =	shalt  }
0x4f: {  	_ =	shalt  }
0x50: {  	_ =	shalt  }
0x51: {  	_ =	shalt  }
0x52: {  	_ =	shalt  }
0x53: {  	_ =	shalt  }
0x54: {  	_ =	shalt  }
0x55: {  	_ =	shalt  }
0x56: {  	_ =	shalt  }
0x57: {  	_ =	shalt  }
0x58: {  	_ =	shalt  }
0x59: {  	_ =	shalt  }
0x5a: {  	_ =	shalt  }
0x5b: {  	_ =	shalt  }
0x5c: {  	_ =	shalt  }
0x5d: {  	_ =	shalt  }
0x5e: {  	_ =	shalt  }
0x5f: {  	_ =	shalt  }
0x60: {  	_ =	shalt  }
0x61: {  	_ =	shalt  }
0x62: {  	_ =	shalt  }
0x63: {  	_ =	shalt  }
0x64: {  	_ =	shalt  }
0x65: {  	_ =	shalt  }
0x66: {  	_ =	shalt  }
0x67: {  	_ =	shalt  }
0x68: {  	_ =	shalt  }
0x69: {  	_ =	shalt  }
0x6a: {  	_ =	shalt  }
0x6b: {  	_ =	shalt  }
0x6c: {  	_ =	shalt  }
0x6d: {  	_ =	shalt  }
0x6e: {  	_ =	shalt  }
0x6f: {  	_ =	shalt  }
0x70: {  	_ =	shalt  }
0x71: {  	_ =	shalt  }
0x72: {  	_ =	shalt  }
0x73: {  	_ =	shalt  }
0x74: {  	_ =	shalt  }
0x75: {  	_ =	shalt  }
0x76: {  	_ =	shalt  }
0x77: {  	_ =	shalt  }
0x78: {  	_ =	shalt  }
0x79: {  	_ =	shalt  }
0x7a: {  	_ =	shalt  }
0x7b: {  	_ =	shalt  }
0x7c: {  	_ =	shalt  }
0x7d: {  	_ =	shalt  }
0x7e: {  	_ =	shalt  }
0x7f: {  	_ =	shalt  }
0x80: {  	_ =	shalt  }
0x81: {  	_ =	shalt  }
0x82: {  	_ =	shalt  }
0x83: {  	_ =	shalt  }
0x84: {  	_ =	shalt  }
0x85: {  	_ =	shalt  }
0x86: {  	_ =	shalt  }
0x87: {  	_ =	shalt  }
.Lfunc_end0:
.L_simem_size_0:
called_computation.1_lowered:
.L_overlay_start_0:
0x88: {  	s2 =	sld [smem:$0x3FD9]  }
0x89: {  	s3 =	sld [smem:$0x3FFE];
	_ =	sdelay $0x1  }
0x8a: {  	s1 =	srdreg.scid  }
0x8b: {  	s0 =	sand.u32 $0x1, s1  }
0x8c: {  	s16 =	sshll.u32 s0, $0xA;
	s2 =	sadd.s32 s3, s2  }
0x8d: {  	s2 =	sadd.s32 s2, s16  }
0x8e: {  	[smem:$0x3FAB] =	sst s2  }
0x8f: {  	_ = 	snop  }
0x90: {  	(tm) =	ssettm $0x1  }
0x91: {  	s17 =	sld [smem:$0x3FFB];
	_ =	sdelay $0x3  }
0x92: {  	_ =	strace s17  }
0x93: {  	s2 =	sld [smem:$0x3FFC];
	_ =	sdelay $0x3  }
0x94: {  	_ =	strace s2  }
0x95: {  	s2 =	sld [smem:$0x3FFD];
	_ =	sdelay $0x3  }
0x96: {  	_ =	strace s2  }
0x97: {  	_ =	strace $0x8FFFFFFF  }
0x98: {  	s18 =	sld [smem:$0x3FDB];
	_ =	sdelay $0x1  }
0x99: {  	s19 =	simm.s32 $_scs_section_size  }
0x9a: {  	s4 =	simm.s32 $_size__tile_overlayer_lowered;
	s5 =	simm.s32 $_tile_overlayer_lowered  }
0x9b: {  	s22 =	simm.s32 $0x1BFF;
	s21 =	sshll.u32 s5, $0x1;
	s2 =	sadd.s32 s19, s18  }
0x9c: {  	s6 =	simm.s32 $0x0;
	s20 =	sshll.u32 s4, $0x1;
	s4 =	sadd.s32 s21, s2  }
0x9d: {  	[timem:s6], [sflag:s22] =	dma.local [hbm:s4], s20  }
0x9e: {  	_ =	swait.ge [sflag:s22], s20  }
0x9f: {  	s3 =	ssub.s32 $0x0, s20;
	[sflag:s22] =	ssyncset.done $0x0  }
0xa0: {  	[sflag:s22] =	ssyncadd.s32 s3;
	_ =	sdelay $0x1  }
0xa1: {  	s23 =	simm.s32 $0x1B8B  }
0xa2: {  	_ =	swait.ge [sflag:s23], $0x1  }
0xa3: {  	[sflag:s23] =	ssyncset.done $0x0  }
0xa4: {  	s25 =	simm.s32 $0x1B8E;
	s24 =	sld [smem:$0x3FFE];
	[sflag:s23] =	ssyncadd.s32 $0xFFFFFFFF  }
0xa5: {  	s26 =	simm.s32 $execute0_lowered;
	[smem:$0x3FD2] =	sst s25  }
0xa6: {  	s4 =	sshll.u32 s26, $0x1;
	_ =	strace $0x80000049;
	[dreg:$0x1] =	wrdreg $0xFFFFFFFF  }
0xa7: {  	s28 =	simm.s32 $_size_execute0_lowered;
	s2 =	sadd.s32 s2, s4;
	[dreg:$0x0] =	wrdreg $0x0  }
0xa8: {  	s4 =	sshll.u32 s28, $0x1;
	[dreg:$0x2] =	wrdreg s2  }
0xa9: {  	[dreg:$0x3] =	wrdreg s4  }
0xaa: {  	[dreg:$0x4] =	wrdreg $0xC0  }
0xab: {  	_ =	task [dreg:s6], $0x5FFFF  }
0xac: {  	[dreg:$0x1] =	wrdreg $0xFFFFFFFF  }
0xad: {  	[dreg:$0x0] =	wrdreg $0x60  }
0xae: {  	[dreg:$0x2] =	wrdreg s24  }
0xaf: {  	[dreg:$0x3] =	wrdreg $0xD0000  }
0xb0: {  	[dreg:$0x4] =	wrdreg $0x9  }
0xb1: {  	_ =	task.clear_ibuf [dreg:s6], $0x5FFFF;
	_ =	strace $0x90000049  }
0xb2: {  	s29 =	simm.s32 $0x9;
	_ =	strace $0x8000004B  }
0xb3: {  	_ =	swait.ge [sflag:s29], $0x1  }
0xb4: {  	[sflag:s29] =	ssyncadd.s32 $0xFFFFFFFF  }
0xb5: {  	_ =	strace $0x9000004B  }
0xb6: {  	_ =	sfence  }
0xb7: {  	s30 =	sld [smem:$0x0];
	_ =	sdelay $0x2  }
0xb8: {  	s31 =	sshll.u32 s1, $0xD;
	s1 =	sshrl.u32 s1, $0x2  }
0xb9: {  	s3 =	sand.u32 $0x4000, s31;
	s1 =	sadd.s32 s1, s30  }
0xba: {  	s0 =	sor.u32 s3, s0;
	s1 =	sshll.u32 s1, $0x11  }
0xbb: {  	s0 =	sor.u32 s1, s0  }
0xbc: {  	s0 =	sadd.s32 $0x8F2B, s0  }
0xbd: {  	[sflag:s0] =	ssyncadd.remote.s32 $0x1  }
0xbe: {  	_ =	sfence.sel $0xFFFF  }
0xbf: {  	[dreg:$0x0] =	wrdreg $0xFFFFFFFF;
	(pc) =	sbr.abs _section_cstart, $3  }
0xc0: {  	[dreg:$0x1] =	wrdreg $0xFFFFFFFF  }
0xc1: {  	_ =	task.clear_ibuf [dreg:s6], $0x2FFFF;
	_ =	strace $0x9FFFFFFF  }
0xc2: {  	(tm) =	ssettm $0x7FFFFFFF  }
0xc3: {  	_ =	shalt  }
tec
execute0_lowered:
.L_overlay_start_1:
0x0: {  	(tag) =	ssettag $0x1  }
0x1: {  	s1 =	srdreg.scid  }
0x2: {  	s0 =	stileid.u32;
	s6 =	rddreg [dreg:$0x0]  }
0x3: {  	s2 =	rddreg [dreg:$0x1];
	s3 =	simm.s32 $0x0;
	s14 =	simm.s32 $0x80  }
0x4: {  	s15 =	simm.s32 $0xC400;
	s16 =	simm.s32 $0x1;
	s17 =	simm.s32 $0x0  }
0x5: {  	s5 =	sand.u32 $0x1, s1;
	s28 =	sshll.u32 s0, $0x1;
	s8 =	smul.u32 $0x12600, s0  }
0x6: {  	[smem:$0x7FF] =	sst s3;
	s4 =	sadd.s32 $0x36600, s6;
	s31 =	sshll.u32 s0, $0x6  }
0x7: {  	s1 =	sor.u32 s5, s28;
	s9 =	smul.u32 $0x126000, s5;
	s5 =	ssub.s32 $0x2, s5  }
0x8: {  	s7 =	smul.u32 $0xC40, s1;
	s1 =	rddreg [dreg:$0x2];
	_ =	strace $0x8000004A  }
0x9: {  	s30 =	sshrl.u32 s8, $0x3;
	s11 =	sshrl.u32 s5, $0x1;
	s13 =	sadd.s32 s8, s2  }
0xa: {  	s29 =	sadd.s32 s8, s9;
	s9 =	sadd.s32 s30, s6;
	s11 =	ssub.s32 s5, s11  }
0xb: {  	s10 =	sadd.s32 s7, s6;
	s7 =	sshrl.u32 s29, $0x3;
	s5 =	sadd.s32 $0x11F400, s9  }
0xc: {  	s12 =	sadd.s32 s7, s6;
	s6 =	sor.u32 $0x1C02, s31;
	s7 =	sadd.s32 $0x5600, s10  }
0xd: {  	s8 =	sadd.s32 $0x1DE00, s10;
	s10 =	smax.u32 s11, $0x1;
	s11 =	sshrl.u32 s13, $0x3  }
0xe: {  	s13 =	simm.s32 $0x6200;
	s9 =	sadd.s32 $0x5B200, s12;
	s12 =	simm.s32 $0x2  }
.LBB2_1:
0xf: {  	[spmem:s11], [sflag:s6] =	dma.local [hbm:s5], $0x24C0  }
0x10: {  	_ =	swait.ge [sflag:s12], $0x24C0  }
0x11: {  	[sflag:s12] =	ssyncset.done $0x0  }
0x12: {  	[sflag:s12] =	ssyncadd.s32 $0xFFFFDB40  }
0x13: {  	[tilespmem:s3], [sflag:$0x2] =	stream.linear.gather [hbm4b:s7+s3], $0x6200, $0x38;
	[tilespmem:$0x1AC80] =	vst v63  }
0x14: {  	_ =	swait.ge [sflag:s12], $0x6200  }
0x15: {  	[sflag:s12] =	ssyncset.done $0x0  }
0x16: {  	[sflag:s12] =	ssyncadd.s32 $0xFFFF9E00  }
0x17: {  	[tilespmem:s13], [sflag:$0x2] =	stream.linear.gather [hbm4b:s8+s3], $0x6200, $0x38;
	[tilespmem:$0x1AC80] =	vst v63  }
0x18: {  	_ =	swait.ge [sflag:s12], $0x6200  }
0x19: {  	[sflag:s12] =	ssyncset.done $0x0  }
0x1a: {  	[sflag:s12] =	ssyncadd.s32 $0xFFFF9E00  }
0x1b: {  	s18 =	simm.s32 $0x0;
	[bflag:$0x0] =	sbarrier.arrive $0xFFFF  }
0x1c: {  	[tilespmem:s15], [sflag:$0x1] =	stream.indirect.gather [hbm4b:s4+s14], $0x12, s18, s14, $0xb8;
	[tilespmem:$0x1AC80] =	vst v63  }
0x1d: {  	_ =	swait.ge [sflag:s16], $0x900  }
0x1e: {  	[sflag:s16] =	ssyncset.done $0x0  }
0x1f: {  	s31 =	simm.s32 $0x6200;
	[sflag:s16] =	ssyncadd.s32 $0xFFFFF700  }
0x20: {  	[spmem:s2] =	stream.indirect.scatter.add.f32 [tilespmem:s15], [sflag:$0x2], $0x12, s31, s14, $0xb8;
	[tilespmem:$0x1AC80] =	vst v63  }
0x21: {  	_ =	swait.ge [sflag:s12], $0x900  }
0x22: {  	s19 =	simm.s32 $0x400;
	s18 =	simm.s32 $0x200;
	[sflag:s12] =	ssyncset.done $0x0  }
.LBB2_2:
0x23: {  	s20 =	sshra.s32 s18, $0x2  }
0x24: {  	[sflag:s12] =	ssyncadd.s32 $0xFFFFF700;
	s18 =	smov.u32 s19;
	s21 =	sadd.s32 $0x200, s19  }
0x25: {  	[tilespmem:s15], [sflag:$0x1] =	stream.indirect.gather [hbm4b:s4+s14], $0x12, s20, s14, $0xb8;
	[tilespmem:$0x1AC80] =	vst v63  }
0x26: {  	p0 =	sne.s32 s19, $0x18600;
	_ =	swait.ge [sflag:s16], $0x900  }
.Ltmp0:
0x27: {  	[sflag:s16] =	ssyncset.done $0x0;
	(pc) =	sbr.rel @p0 .LBB2_2-.Ltmp0, $4  }
0x28: {  	s19 =	sadd.s32 $0x6200, s20;
	[sflag:s16] =	ssyncadd.s32 $0xFFFFF700  }
0x29: {  	[spmem:s2] =	stream.indirect.scatter.add.f32 [tilespmem:s15], [sflag:$0x2], $0x12, s19, s14, $0xb8;
	[tilespmem:$0x1AC80] =	vst v63  }
0x2a: {  	_ =	swait.ge [sflag:s12], $0x900  }
0x2b: {  	s19 =	smov.u32 s21;
	[sflag:s12] =	ssyncset.done $0x0  }
0x2c: {  	s18 =	sshra.s32 s18, $0x2;
	[sflag:s12] =	ssyncadd.s32 $0xFFFFF700  }
0x2d: {  	[tilespmem:s15], [sflag:$0x1] =	stream.indirect.gather [hbm4b:s4+s14], $0x12, s18, s14, $0xb8;
	[tilespmem:$0x1AC80] =	vst v63  }
0x2e: {  	_ =	swait.ge [sflag:s16], $0x900  }
0x2f: {  	[sflag:s16] =	ssyncset.done $0x0  }
0x30: {  	s18 =	sadd.s32 $0x6200, s18;
	[sflag:s16] =	ssyncadd.s32 $0xFFFFF700  }
0x31: {  	[spmem:s2] =	stream.indirect.scatter.add.f32 [tilespmem:s15], [sflag:$0x2], $0x12, s18, s14, $0xb8;
	[tilespmem:$0x1AC80] =	vst v63  }
0x32: {  	_ =	swait.ge [sflag:s12], $0x900  }
0x33: {  	s17 =	sadd.s32 $0x1, s17;
	[sflag:s12] =	ssyncset.done $0x0  }
0x34: {  	p0 =	sne.s32 s17, s10;
	[sflag:s12] =	ssyncadd.s32 $0xFFFFF700  }
.Ltmp1:
0x35: {  	[bflag:$0x0] =	sbarrier.arrive $0xFFFF;
	(pc) =	sbr.rel @p0 .LBB2_1-.Ltmp1, $4  }
0x36: {  	[hbm:s9], [sflag:s6] =	dma.local [spmem:s11], $0x24C0  }
0x37: {  	_ =	swait.ge [sflag:s12], $0x24C0  }
0x38: {  	[sflag:s12] =	ssyncset.done $0x0  }
0x39: {  	[sflag:s12] =	ssyncadd.s32 $0xFFFFDB40  }
0x3a: {  	_ =	sfence.sel $0x180000  }
0x3b: {  	[bflag:$0x0] =	sbarrier.arrive $0xFFFF  }
0x3c: {  	p0 =	sne.s32 s0, $0x0;
	_ =	strace $0x9000004A  }
0x3d: {  	s0 =	sadd.s32 @!p0 $0x100000, s1;
	[bflag:$0x2] =	sbarrier.arrive $0xFFFF  }
0x3e: {  	[sflag:s0] =	ssyncadd.tile.s32 @!p0 $0x1;
	_ =	shalt  }
.Lfunc_end2:
_tile_overlayer_lowered:
.L_overlay_start_2:
0x3f: {  	(tag) =	ssettag $0x2  }
0x40: {  	s0 =	rddreg [dreg:$0x0];
	s2 =	stileid.u32  }
0x41: {  	s1 =	rddreg [dreg:$0x1];
	p0 =	sne.s32 s2, $0x0  }
0x42: {  	s3 =	rddreg [dreg:$0x2];
	[bflag:$0x3] =	sbarrier.arrive $0xFFFF;
	s2 =	simm.s32 @!p0 $0x1C02  }
0x43: {  	[timem:s3], [sflag:s2] =	dma.local @!p0 [hbm:s0], s1  }
0x44: {  	s0 =	simm.s32 @!p0 $0x2  }
0x45: {  	_ =	swait.ge @!p0 [sflag:s0], s1  }
0x46: {  	s1 =	ssub.s32 @!p0 $0x0, s1;
	[sflag:s0] =	ssyncset.done @!p0 $0x0  }
0x47: {  	[sflag:s0] =	ssyncadd.s32 @!p0 s1  }
0x48: {  	[bflag:$0x3] =	sbarrier.arrive $0xFFFF  }
0x49: {  	_ =	shalt  }

// kernel: kernel.18.cloned.1.call-start
scs
__scs_entry_jumppad:
0x0: {  	(pc) =	sbr.rel $0x88, $3  }
0x1: {  	(tag) =	ssettag $0x0;
	lr =	simm.s32 $0x1  }
0x2: {  	[smem:$0x3F84] =	sst lr;
	_ =	strace $0xD0000000  }
0x3: {  	_ = 	snop  }
0x4: {  	_ = 	snop  }
0x5: {  	_ = 	snop  }
0x6: {  	_ = 	snop  }
0x7: {  	_ = 	snop  }
__scs_overlays_trampoline_lowered:
0x8: {  	[smem:$0x3F93] =	sst s0  }
0x9: {  	[smem:$0x3F94] =	sst s1  }
0xa: {  	[smem:$0x3F95] =	sst s2  }
0xb: {  	[smem:$0x3F96] =	sst s3  }
0xc: {  	[smem:$0x3F97] =	sst s4  }
0xd: {  	[smem:$0x3F98] =	sst s5  }
0xe: {  	[smem:$0x3F99] =	sst s6  }
0xf: {  	[smem:$0x3F9A] =	sst s7  }
0x10: {  	[smem:$0x3F9B] =	sst s8  }
0x11: {  	[smem:$0x3F9C] =	sst s9;
	s0 =	simm.s32 @!p0 $0x0  }
0x12: {  	s1 =	sld [smem:$0x3F82];
	s0 =	simm.s32 @p0 $0x1  }
0x13: {  	[smem:$0x3F9D] =	sst s0;
	s0 =	simm.s32 @!p1 $0x0  }
0x14: {  	s2 =	sld [smem:$0x3F81];
	s0 =	simm.s32 @p1 $0x1  }
0x15: {  	[smem:$0x3F9E] =	sst s0;
	s0 =	simm.s32 @!p2 $0x0  }
0x16: {  	s3 =	sld [smem:$0x3FDB];
	s0 =	simm.s32 @p2 $0x1  }
0x17: {  	s4 =	simm.s32 $0x1BF5;
	[smem:$0x3FA0] =	sst s0  }
0x18: {  	s0 =	sld [smem:$0x3F83];
	_ =	swait.ge [sflag:s4], $0x0  }
0x19: {  	s7 =	sld [smem:$0x3F84]  }
0x1a: {  	s8 =	sadd.s32 $0xFFFFE003, lr  }
0x1b: {  	s9 =	sadd.s32 $0xFFFFFEF7, lr;
	s5 =	simm.s32 $0xFFFFFFFF;
	p2 =	slt.u32 s8, $0xFFFFF086  }
0x1c: {  	p1 =	slt.u32 s9, $0xF7A;
	s5 =	simm.s32 @!p2 $0x0  }
0x1d: {  	s5 =	simm.s32 @p1 $0x1;
	p0 =	seq.s32 s7, s2  }
0x1e: {  	s7 =	smul.u32 @!p0 $0xF7A, s2;
	p2 =	seq.s32 @!p0 s5, $0x0  }
0x1f: {  	s9 =	smul.u32 $0xF7A, s1;
	s8 =	simm.s32 @!p0 $0x1BF5;
	p2 =	por !p2, p0  }
0x20: {  	[sflag:s8] =	ssyncset.s32 @!p0 $0xFFFFF086;
	s6 =	sadd.s32 @!p0 s3, s7;
	s7 =	simm.s32 @!p0 $0x108  }
0x21: {  	s3 =	sadd.s32 s3, s9;
	s6 =	sadd.s32 @!p0 $0x88, s6;
	s7 =	simm.s32 @p2 $0x1082  }
0x22: {  	[simem:s7], [sflag:s8] =	dma.local @!p0 [hbm:s6], $0xF7A  }
0x23: {  	s9 =	sor.u32 $0xD0000000, s2;
	s6 =	simm.s32 $0x108;
	_ =	swait.ge @!p0 [sflag:s8], $0x0  }
0x24: {  	s3 =	sadd.s32 $0x88, s3;
	s6 =	simm.s32 @!p1 $0x1082;
	[sflag:s4] =	ssyncset.s32 $0xFFFFF086  }
0x25: {  	[simem:s6], [sflag:s4] =	dma.local [hbm:s3], $0xF7A  }
0x26: {  	[smem:$0x3F84] =	sst s1;
	(tag) =	ssettag s2;
	_ =	strace s9  }
0x27: {  	s1 =	sld [smem:$0x3F94]  }
0x28: {  	s2 =	sld [smem:$0x3F95]  }
0x29: {  	s4 =	sld [smem:$0x3F97]  }
0x2a: {  	p0 =	seq.s32 s5, $0x0;
	s5 =	sld [smem:$0x3F98]  }
0x2b: {  	s6 =	sld [smem:$0x3F99]  }
0x2c: {  	s7 =	sld [smem:$0x3F9A]  }
0x2d: {  	s3 =	simm.s32 $0x108;
	s8 =	sld [smem:$0x3F9B]  }
0x2e: {  	s3 =	simm.s32 @!p0 $0x1082;
	s9 =	sld [smem:$0x3F9C]  }
0x2f: {  	lr =	sadd.s32 s0, s3;
	s0 =	sld [smem:$0x3F93]  }
0x30: {  	s3 =	sld [smem:$0x3F96]  }
0x31: {  	[smem:$0x3F9F] =	sst s10  }
0x32: {  	s10 =	sld [smem:$0x3F9D];
	_ =	sdelay $0x3  }
0x33: {  	p0 =	seq.s32 s10, $0x1;
	s10 =	sld [smem:$0x3F9F];
	_ =	sdelay $0x3  }
0x34: {  	[smem:$0x3F9F] =	sst s10  }
0x35: {  	s10 =	sld [smem:$0x3F9E];
	_ =	sdelay $0x3  }
0x36: {  	p1 =	seq.s32 s10, $0x1;
	s10 =	sld [smem:$0x3F9F];
	_ =	sdelay $0x3  }
0x37: {  	[smem:$0x3F9F] =	sst s10  }
0x38: {  	s10 =	sld [smem:$0x3FA0]  }
0x39: {  	_ = 	snop;
	(pc) =	sbr.ind lr, $3  }
0x3a: {  	_ = 	snop  }
0x3b: {  	_ = 	snop  }
0x3c: {  	p2 =	seq.s32 s10, $0x1;
	s10 =	sld [smem:$0x3F9F]  }
0x3d: {  	_ =	shalt  }
0x3e: {  	_ =	shalt  }
0x3f: {  	_ =	shalt  }
0x40: {  	_ =	shalt  }
0x41: {  	_ =	shalt  }
0x42: {  	_ =	shalt  }
0x43: {  	_ =	shalt  }
0x44: {  	_ =	shalt  }
0x45: {  	_ =	shalt  }
0x46: {  	_ =	shalt  }
0x47: {  	_ =	shalt  }
0x48: {  	_ =	shalt  }
0x49: {  	_ =	shalt  }
0x4a: {  	_ =	shalt  }
0x4b: {  	_ =	shalt  }
0x4c: {  	_ =	shalt  }
0x4d: {  	_ =	shalt  }
0x4e: {  	_ =	shalt  }
0x4f: {  	_ =	shalt  }
0x50: {  	_ =	shalt  }
0x51: {  	_ =	shalt  }
0x52: {  	_ =	shalt  }
0x53: {  	_ =	shalt  }
0x54: {  	_ =	shalt  }
0x55: {  	_ =	shalt  }
0x56: {  	_ =	shalt  }
0x57: {  	_ =	shalt  }
0x58: {  	_ =	shalt  }
0x59: {  	_ =	shalt  }
0x5a: {  	_ =	shalt  }
0x5b: {  	_ =	shalt  }
0x5c: {  	_ =	shalt  }
0x5d: {  	_ =	shalt  }
0x5e: {  	_ =	shalt  }
0x5f: {  	_ =	shalt  }
0x60: {  	_ =	shalt  }
0x61: {  	_ =	shalt  }
0x62: {  	_ =	shalt  }
0x63: {  	_ =	shalt  }
0x64: {  	_ =	shalt  }
0x65: {  	_ =	shalt  }
0x66: {  	_ =	shalt  }
0x67: {  	_ =	shalt  }
0x68: {  	_ =	shalt  }
0x69: {  	_ =	shalt  }
0x6a: {  	_ =	shalt  }
0x6b: {  	_ =	shalt  }
0x6c: {  	_ =	shalt  }
0x6d: {  	_ =	shalt  }
0x6e: {  	_ =	shalt  }
0x6f: {  	_ =	shalt  }
0x70: {  	_ =	shalt  }
0x71: {  	_ =	shalt  }
0x72: {  	_ =	shalt  }
0x73: {  	_ =	shalt  }
0x74: {  	_ =	shalt  }
0x75: {  	_ =	shalt  }
0x76: {  	_ =	shalt  }
0x77: {  	_ =	shalt  }
0x78: {  	_ =	shalt  }
0x79: {  	_ =	shalt  }
0x7a: {  	_ =	shalt  }
0x7b: {  	_ =	shalt  }
0x7c: {  	_ =	shalt  }
0x7d: {  	_ =	shalt  }
0x7e: {  	_ =	shalt  }
0x7f: {  	_ =	shalt  }
0x80: {  	_ =	shalt  }
0x81: {  	_ =	shalt  }
0x82: {  	_ =	shalt  }
0x83: {  	_ =	shalt  }
0x84: {  	_ =	shalt  }
0x85: {  	_ =	shalt  }
0x86: {  	_ =	shalt  }
0x87: {  	_ =	shalt  }
.Lfunc_end0:
.L_simem_size_0:
called_computation.2_lowered:
.L_overlay_start_0:
0x88: {  	s2 =	sld [smem:$0x3FD9]  }
0x89: {  	s3 =	sld [smem:$0x3FFE];
	_ =	sdelay $0x1  }
0x8a: {  	s1 =	srdreg.scid  }
0x8b: {  	s0 =	sand.u32 $0x1, s1  }
0x8c: {  	s16 =	sshll.u32 s0, $0xA;
	s2 =	sadd.s32 s3, s2  }
0x8d: {  	s2 =	sadd.s32 s2, s16  }
0x8e: {  	[smem:$0x3FAB] =	sst s2  }
0x8f: {  	_ = 	snop  }
0x90: {  	(tm) =	ssettm $0x1  }
0x91: {  	s17 =	sld [smem:$0x3FFB];
	_ =	sdelay $0x3  }
0x92: {  	_ =	strace s17  }
0x93: {  	s2 =	sld [smem:$0x3FFC];
	_ =	sdelay $0x3  }
0x94: {  	_ =	strace s2  }
0x95: {  	s2 =	sld [smem:$0x3FFD];
	_ =	sdelay $0x3  }
0x96: {  	_ =	strace s2  }
0x97: {  	_ =	strace $0x8FFFFFFF  }
0x98: {  	s18 =	sld [smem:$0x3FDB];
	_ =	sdelay $0x1  }
0x99: {  	s19 =	simm.s32 $_scs_section_size  }
0x9a: {  	s4 =	simm.s32 $_size__tile_overlayer_lowered;
	s5 =	simm.s32 $_tile_overlayer_lowered  }
0x9b: {  	s22 =	simm.s32 $0x1BFF;
	s21 =	sshll.u32 s5, $0x1;
	s2 =	sadd.s32 s19, s18  }
0x9c: {  	s6 =	simm.s32 $0x0;
	s20 =	sshll.u32 s4, $0x1;
	s4 =	sadd.s32 s21, s2  }
0x9d: {  	[timem:s6], [sflag:s22] =	dma.local [hbm:s4], s20  }
0x9e: {  	_ =	swait.ge [sflag:s22], s20  }
0x9f: {  	s3 =	ssub.s32 $0x0, s20;
	[sflag:s22] =	ssyncset.done $0x0  }
0xa0: {  	[sflag:s22] =	ssyncadd.s32 s3;
	_ =	sdelay $0x1  }
0xa1: {  	s23 =	simm.s32 $0x1B8B  }
0xa2: {  	_ =	swait.ge [sflag:s23], $0x1  }
0xa3: {  	[sflag:s23] =	ssyncset.done $0x0  }
0xa4: {  	s25 =	simm.s32 $0x1B8E;
	s24 =	sld [smem:$0x3FFE];
	[sflag:s23] =	ssyncadd.s32 $0xFFFFFFFF  }
0xa5: {  	s26 =	simm.s32 $execute0_lowered;
	[smem:$0x3FD2] =	sst s25  }
0xa6: {  	s4 =	sshll.u32 s26, $0x1;
	_ =	strace $0x8000004C;
	[dreg:$0x1] =	wrdreg $0xFFFFFFFF  }
0xa7: {  	s28 =	simm.s32 $_size_execute0_lowered;
	s2 =	sadd.s32 s2, s4;
	[dreg:$0x0] =	wrdreg $0x0  }
0xa8: {  	s4 =	sshll.u32 s28, $0x1;
	[dreg:$0x2] =	wrdreg s2  }
0xa9: {  	[dreg:$0x3] =	wrdreg s4  }
0xaa: {  	[dreg:$0x4] =	wrdreg $0xC0  }
0xab: {  	_ =	task [dreg:s6], $0x5FFFF  }
0xac: {  	[dreg:$0x1] =	wrdreg $0xFFFFFFFF  }
0xad: {  	[dreg:$0x0] =	wrdreg $0x60  }
0xae: {  	[dreg:$0x2] =	wrdreg s24  }
0xaf: {  	[dreg:$0x3] =	wrdreg $0xD0000  }
0xb0: {  	[dreg:$0x4] =	wrdreg $0x9  }
0xb1: {  	_ =	task.clear_ibuf [dreg:s6], $0x5FFFF;
	_ =	strace $0x9000004C  }
0xb2: {  	s29 =	simm.s32 $0x9;
	_ =	strace $0x8000004E  }
0xb3: {  	_ =	swait.ge [sflag:s29], $0x1  }
0xb4: {  	[sflag:s29] =	ssyncadd.s32 $0xFFFFFFFF  }
0xb5: {  	_ =	strace $0x9000004E  }
0xb6: {  	_ =	sfence  }
0xb7: {  	s30 =	sld [smem:$0x0];
	_ =	sdelay $0x2  }
0xb8: {  	s31 =	sshll.u32 s1, $0xD;
	s1 =	sshrl.u32 s1, $0x2  }
0xb9: {  	s3 =	sand.u32 $0x4000, s31;
	s1 =	sadd.s32 s1, s30  }
0xba: {  	s0 =	sor.u32 s3, s0;
	s1 =	sshll.u32 s1, $0x11  }
0xbb: {  	s0 =	sor.u32 s1, s0  }
0xbc: {  	s0 =	sadd.s32 $0x8F2B, s0  }
0xbd: {  	[sflag:s0] =	ssyncadd.remote.s32 $0x1  }
0xbe: {  	_ =	sfence.sel $0xFFFF  }
0xbf: {  	[dreg:$0x0] =	wrdreg $0xFFFFFFFF;
	(pc) =	sbr.abs _section_cstart, $3  }
0xc0: {  	[dreg:$0x1] =	wrdreg $0xFFFFFFFF  }
0xc1: {  	_ =	task.clear_ibuf [dreg:s6], $0x2FFFF;
	_ =	strace $0x9FFFFFFF  }
0xc2: {  	(tm) =	ssettm $0x7FFFFFFF  }
0xc3: {  	_ =	shalt  }
tec
execute0_lowered:
.L_overlay_start_1:
0x0: {  	(tag) =	ssettag $0x1  }
0x1: {  	s1 =	srdreg.scid  }
0x2: {  	s0 =	stileid.u32;
	s6 =	rddreg [dreg:$0x0]  }
0x3: {  	s2 =	rddreg [dreg:$0x1];
	s3 =	simm.s32 $0x0;
	s14 =	simm.s32 $0x80  }
0x4: {  	s15 =	simm.s32 $0xC400;
	s16 =	simm.s32 $0x1;
	s17 =	simm.s32 $0x0  }
0x5: {  	s5 =	sand.u32 $0x1, s1;
	s28 =	sshll.u32 s0, $0x1;
	s8 =	smul.u32 $0x12600, s0  }
0x6: {  	[smem:$0x7FF] =	sst s3;
	s4 =	sadd.s32 $0xFA600, s6;
	s31 =	sshll.u32 s0, $0x6  }
0x7: {  	s1 =	sor.u32 s5, s28;
	s9 =	smul.u32 $0x126000, s5;
	s5 =	ssub.s32 $0x2, s5  }
0x8: {  	s7 =	smul.u32 $0xC40, s1;
	s1 =	rddreg [dreg:$0x2];
	_ =	strace $0x8000004D  }
0x9: {  	s30 =	sshrl.u32 s8, $0x3;
	s11 =	sshrl.u32 s5, $0x1;
	s13 =	sadd.s32 s8, s2  }
0xa: {  	s29 =	sadd.s32 s8, s9;
	s9 =	sadd.s32 s30, s6;
	s11 =	ssub.s32 s5, s11  }
0xb: {  	s10 =	sadd.s32 s7, s6;
	s7 =	sshrl.u32 s29, $0x3;
	s5 =	sadd.s32 $0x11F400, s9  }
0xc: {  	s12 =	sadd.s32 s7, s6;
	s6 =	sor.u32 $0x1C02, s31;
	s7 =	sadd.s32 $0x5600, s10  }
0xd: {  	s8 =	sadd.s32 $0x1DE00, s10;
	s10 =	smax.u32 s11, $0x1;
	s11 =	sshrl.u32 s13, $0x3  }
0xe: {  	s13 =	simm.s32 $0x6200;
	s9 =	sadd.s32 $0x144000, s12;
	s12 =	simm.s32 $0x2  }
.LBB2_1:
0xf: {  	[spmem:s11], [sflag:s6] =	dma.local [hbm:s5], $0x24C0  }
0x10: {  	_ =	swait.ge [sflag:s12], $0x24C0  }
0x11: {  	[sflag:s12] =	ssyncset.done $0x0  }
0x12: {  	[sflag:s12] =	ssyncadd.s32 $0xFFFFDB40  }
0x13: {  	[tilespmem:s3], [sflag:$0x2] =	stream.linear.gather [hbm4b:s7+s3], $0x6200, $0x38;
	[tilespmem:$0x1AC80] =	vst v63  }
0x14: {  	_ =	swait.ge [sflag:s12], $0x6200  }
0x15: {  	[sflag:s12] =	ssyncset.done $0x0  }
0x16: {  	[sflag:s12] =	ssyncadd.s32 $0xFFFF9E00  }
0x17: {  	[tilespmem:s13], [sflag:$0x2] =	stream.linear.gather [hbm4b:s8+s3], $0x6200, $0x38;
	[tilespmem:$0x1AC80] =	vst v63  }
0x18: {  	_ =	swait.ge [sflag:s12], $0x6200  }
0x19: {  	[sflag:s12] =	ssyncset.done $0x0  }
0x1a: {  	[sflag:s12] =	ssyncadd.s32 $0xFFFF9E00  }
0x1b: {  	s18 =	simm.s32 $0x0;
	[bflag:$0x0] =	sbarrier.arrive $0xFFFF  }
0x1c: {  	[tilespmem:s15], [sflag:$0x1] =	stream.indirect.gather [hbm4b:s4+s14], $0x12, s18, s14, $0xb8;
	[tilespmem:$0x1AC80] =	vst v63  }
0x1d: {  	_ =	swait.ge [sflag:s16], $0x900  }
0x1e: {  	[sflag:s16] =	ssyncset.done $0x0  }
0x1f: {  	s31 =	simm.s32 $0x6200;
	[sflag:s16] =	ssyncadd.s32 $0xFFFFF700  }
0x20: {  	[spmem:s2] =	stream.indirect.scatter.add.f32 [tilespmem:s15], [sflag:$0x2], $0x12, s31, s14, $0xb8;
	[tilespmem:$0x1AC80] =	vst v63  }
0x21: {  	_ =	swait.ge [sflag:s12], $0x900  }
0x22: {  	s19 =	simm.s32 $0x400;
	s18 =	simm.s32 $0x200;
	[sflag:s12] =	ssyncset.done $0x0  }
.LBB2_2:
0x23: {  	s20 =	sshra.s32 s18, $0x2  }
0x24: {  	[sflag:s12] =	ssyncadd.s32 $0xFFFFF700;
	s18 =	smov.u32 s19;
	s21 =	sadd.s32 $0x200, s19  }
0x25: {  	[tilespmem:s15], [sflag:$0x1] =	stream.indirect.gather [hbm4b:s4+s14], $0x12, s20, s14, $0xb8;
	[tilespmem:$0x1AC80] =	vst v63  }
0x26: {  	p0 =	sne.s32 s19, $0x18600;
	_ =	swait.ge [sflag:s16], $0x900  }
.Ltmp0:
0x27: {  	[sflag:s16] =	ssyncset.done $0x0;
	(pc) =	sbr.rel @p0 .LBB2_2-.Ltmp0, $4  }
0x28: {  	s19 =	sadd.s32 $0x6200, s20;
	[sflag:s16] =	ssyncadd.s32 $0xFFFFF700  }
0x29: {  	[spmem:s2] =	stream.indirect.scatter.add.f32 [tilespmem:s15], [sflag:$0x2], $0x12, s19, s14, $0xb8;
	[tilespmem:$0x1AC80] =	vst v63  }
0x2a: {  	_ =	swait.ge [sflag:s12], $0x900  }
0x2b: {  	s19 =	smov.u32 s21;
	[sflag:s12] =	ssyncset.done $0x0  }
0x2c: {  	s18 =	sshra.s32 s18, $0x2;
	[sflag:s12] =	ssyncadd.s32 $0xFFFFF700  }
0x2d: {  	[tilespmem:s15], [sflag:$0x1] =	stream.indirect.gather [hbm4b:s4+s14], $0x12, s18, s14, $0xb8;
	[tilespmem:$0x1AC80] =	vst v63  }
0x2e: {  	_ =	swait.ge [sflag:s16], $0x900  }
0x2f: {  	[sflag:s16] =	ssyncset.done $0x0  }
0x30: {  	s18 =	sadd.s32 $0x6200, s18;
	[sflag:s16] =	ssyncadd.s32 $0xFFFFF700  }
0x31: {  	[spmem:s2] =	stream.indirect.scatter.add.f32 [tilespmem:s15], [sflag:$0x2], $0x12, s18, s14, $0xb8;
	[tilespmem:$0x1AC80] =	vst v63  }
0x32: {  	_ =	swait.ge [sflag:s12], $0x900  }
0x33: {  	s17 =	sadd.s32 $0x1, s17;
	[sflag:s12] =	ssyncset.done $0x0  }
0x34: {  	p0 =	sne.s32 s17, s10;
	[sflag:s12] =	ssyncadd.s32 $0xFFFFF700  }
.Ltmp1:
0x35: {  	[bflag:$0x0] =	sbarrier.arrive $0xFFFF;
	(pc) =	sbr.rel @p0 .LBB2_1-.Ltmp1, $4  }
0x36: {  	[hbm:s9], [sflag:s6] =	dma.local [spmem:s11], $0x24C0  }
0x37: {  	_ =	swait.ge [sflag:s12], $0x24C0  }
0x38: {  	[sflag:s12] =	ssyncset.done $0x0  }
0x39: {  	[sflag:s12] =	ssyncadd.s32 $0xFFFFDB40  }
0x3a: {  	_ =	sfence.sel $0x180000  }
0x3b: {  	[bflag:$0x0] =	sbarrier.arrive $0xFFFF  }
0x3c: {  	p0 =	sne.s32 s0, $0x0;
	_ =	strace $0x9000004D  }
0x3d: {  	s0 =	sadd.s32 @!p0 $0x100000, s1;
	[bflag:$0x2] =	sbarrier.arrive $0xFFFF  }
0x3e: {  	[sflag:s0] =	ssyncadd.tile.s32 @!p0 $0x1;
	_ =	shalt  }
.Lfunc_end2:
_tile_overlayer_lowered:
.L_overlay_start_2:
0x3f: {  	(tag) =	ssettag $0x2  }
0x40: {  	s0 =	rddreg [dreg:$0x0];
	s2 =	stileid.u32  }
0x41: {  	s1 =	rddreg [dreg:$0x1];
	p0 =	sne.s32 s2, $0x0  }
0x42: {  	s3 =	rddreg [dreg:$0x2];
	[bflag:$0x3] =	sbarrier.arrive $0xFFFF;
	s2 =	simm.s32 @!p0 $0x1C02  }
0x43: {  	[timem:s3], [sflag:s2] =	dma.local @!p0 [hbm:s0], s1  }
0x44: {  	s0 =	simm.s32 @!p0 $0x2  }
0x45: {  	_ =	swait.ge @!p0 [sflag:s0], s1  }
0x46: {  	s1 =	ssub.s32 @!p0 $0x0, s1;
	[sflag:s0] =	ssyncset.done @!p0 $0x0  }
0x47: {  	[sflag:s0] =	ssyncadd.s32 @!p0 s1  }
0x48: {  	[bflag:$0x3] =	sbarrier.arrive $0xFFFF  }
0x49: {  	_ =	shalt  }

// kernel: kernel.21.cloned.1.call-start
scs
__scs_entry_jumppad:
0x0: {  	(pc) =	sbr.rel $0x88, $3  }
0x1: {  	(tag) =	ssettag $0x0;
	lr =	simm.s32 $0x1  }
0x2: {  	[smem:$0x3F84] =	sst lr;
	_ =	strace $0xD0000000  }
0x3: {  	_ = 	snop  }
0x4: {  	_ = 	snop  }
0x5: {  	_ = 	snop  }
0x6: {  	_ = 	snop  }
0x7: {  	_ = 	snop  }
__scs_overlays_trampoline_lowered:
0x8: {  	[smem:$0x3F93] =	sst s0  }
0x9: {  	[smem:$0x3F94] =	sst s1  }
0xa: {  	[smem:$0x3F95] =	sst s2  }
0xb: {  	[smem:$0x3F96] =	sst s3  }
0xc: {  	[smem:$0x3F97] =	sst s4  }
0xd: {  	[smem:$0x3F98] =	sst s5  }
0xe: {  	[smem:$0x3F99] =	sst s6  }
0xf: {  	[smem:$0x3F9A] =	sst s7  }
0x10: {  	[smem:$0x3F9B] =	sst s8  }
0x11: {  	[smem:$0x3F9C] =	sst s9;
	s0 =	simm.s32 @!p0 $0x0  }
0x12: {  	s1 =	sld [smem:$0x3F82];
	s0 =	simm.s32 @p0 $0x1  }
0x13: {  	[smem:$0x3F9D] =	sst s0;
	s0 =	simm.s32 @!p1 $0x0  }
0x14: {  	s2 =	sld [smem:$0x3F81];
	s0 =	simm.s32 @p1 $0x1  }
0x15: {  	[smem:$0x3F9E] =	sst s0;
	s0 =	simm.s32 @!p2 $0x0  }
0x16: {  	s3 =	sld [smem:$0x3FDB];
	s0 =	simm.s32 @p2 $0x1  }
0x17: {  	s4 =	simm.s32 $0x1BF5;
	[smem:$0x3FA0] =	sst s0  }
0x18: {  	s0 =	sld [smem:$0x3F83];
	_ =	swait.ge [sflag:s4], $0x0  }
0x19: {  	s7 =	sld [smem:$0x3F84]  }
0x1a: {  	s8 =	sadd.s32 $0xFFFFE003, lr  }
0x1b: {  	s9 =	sadd.s32 $0xFFFFFEF7, lr;
	s5 =	simm.s32 $0xFFFFFFFF;
	p2 =	slt.u32 s8, $0xFFFFF086  }
0x1c: {  	p1 =	slt.u32 s9, $0xF7A;
	s5 =	simm.s32 @!p2 $0x0  }
0x1d: {  	s5 =	simm.s32 @p1 $0x1;
	p0 =	seq.s32 s7, s2  }
0x1e: {  	s7 =	smul.u32 @!p0 $0xF7A, s2;
	p2 =	seq.s32 @!p0 s5, $0x0  }
0x1f: {  	s9 =	smul.u32 $0xF7A, s1;
	s8 =	simm.s32 @!p0 $0x1BF5;
	p2 =	por !p2, p0  }
0x20: {  	[sflag:s8] =	ssyncset.s32 @!p0 $0xFFFFF086;
	s6 =	sadd.s32 @!p0 s3, s7;
	s7 =	simm.s32 @!p0 $0x108  }
0x21: {  	s3 =	sadd.s32 s3, s9;
	s6 =	sadd.s32 @!p0 $0x88, s6;
	s7 =	simm.s32 @p2 $0x1082  }
0x22: {  	[simem:s7], [sflag:s8] =	dma.local @!p0 [hbm:s6], $0xF7A  }
0x23: {  	s9 =	sor.u32 $0xD0000000, s2;
	s6 =	simm.s32 $0x108;
	_ =	swait.ge @!p0 [sflag:s8], $0x0  }
0x24: {  	s3 =	sadd.s32 $0x88, s3;
	s6 =	simm.s32 @!p1 $0x1082;
	[sflag:s4] =	ssyncset.s32 $0xFFFFF086  }
0x25: {  	[simem:s6], [sflag:s4] =	dma.local [hbm:s3], $0xF7A  }
0x26: {  	[smem:$0x3F84] =	sst s1;
	(tag) =	ssettag s2;
	_ =	strace s9  }
0x27: {  	s1 =	sld [smem:$0x3F94]  }
0x28: {  	s2 =	sld [smem:$0x3F95]  }
0x29: {  	s4 =	sld [smem:$0x3F97]  }
0x2a: {  	p0 =	seq.s32 s5, $0x0;
	s5 =	sld [smem:$0x3F98]  }
0x2b: {  	s6 =	sld [smem:$0x3F99]  }
0x2c: {  	s7 =	sld [smem:$0x3F9A]  }
0x2d: {  	s3 =	simm.s32 $0x108;
	s8 =	sld [smem:$0x3F9B]  }
0x2e: {  	s3 =	simm.s32 @!p0 $0x1082;
	s9 =	sld [smem:$0x3F9C]  }
0x2f: {  	lr =	sadd.s32 s0, s3;
	s0 =	sld [smem:$0x3F93]  }
0x30: {  	s3 =	sld [smem:$0x3F96]  }
0x31: {  	[smem:$0x3F9F] =	sst s10  }
0x32: {  	s10 =	sld [smem:$0x3F9D];
	_ =	sdelay $0x3  }
0x33: {  	p0 =	seq.s32 s10, $0x1;
	s10 =	sld [smem:$0x3F9F];
	_ =	sdelay $0x3  }
0x34: {  	[smem:$0x3F9F] =	sst s10  }
0x35: {  	s10 =	sld [smem:$0x3F9E];
	_ =	sdelay $0x3  }
0x36: {  	p1 =	seq.s32 s10, $0x1;
	s10 =	sld [smem:$0x3F9F];
	_ =	sdelay $0x3  }
0x37: {  	[smem:$0x3F9F] =	sst s10  }
0x38: {  	s10 =	sld [smem:$0x3FA0]  }
0x39: {  	_ = 	snop;
	(pc) =	sbr.ind lr, $3  }
0x3a: {  	_ = 	snop  }
0x3b: {  	_ = 	snop  }
0x3c: {  	p2 =	seq.s32 s10, $0x1;
	s10 =	sld [smem:$0x3F9F]  }
0x3d: {  	_ =	shalt  }
0x3e: {  	_ =	shalt  }
0x3f: {  	_ =	shalt  }
0x40: {  	_ =	shalt  }
0x41: {  	_ =	shalt  }
0x42: {  	_ =	shalt  }
0x43: {  	_ =	shalt  }
0x44: {  	_ =	shalt  }
0x45: {  	_ =	shalt  }
0x46: {  	_ =	shalt  }
0x47: {  	_ =	shalt  }
0x48: {  	_ =	shalt  }
0x49: {  	_ =	shalt  }
0x4a: {  	_ =	shalt  }
0x4b: {  	_ =	shalt  }
0x4c: {  	_ =	shalt  }
0x4d: {  	_ =	shalt  }
0x4e: {  	_ =	shalt  }
0x4f: {  	_ =	shalt  }
0x50: {  	_ =	shalt  }
0x51: {  	_ =	shalt  }
0x52: {  	_ =	shalt  }
0x53: {  	_ =	shalt  }
0x54: {  	_ =	shalt  }
0x55: {  	_ =	shalt  }
0x56: {  	_ =	shalt  }
0x57: {  	_ =	shalt  }
0x58: {  	_ =	shalt  }
0x59: {  	_ =	shalt  }
0x5a: {  	_ =	shalt  }
0x5b: {  	_ =	shalt  }
0x5c: {  	_ =	shalt  }
0x5d: {  	_ =	shalt  }
0x5e: {  	_ =	shalt  }
0x5f: {  	_ =	shalt  }
0x60: {  	_ =	shalt  }
0x61: {  	_ =	shalt  }
0x62: {  	_ =	shalt  }
0x63: {  	_ =	shalt  }
0x64: {  	_ =	shalt  }
0x65: {  	_ =	shalt  }
0x66: {  	_ =	shalt  }
0x67: {  	_ =	shalt  }
0x68: {  	_ =	shalt  }
0x69: {  	_ =	shalt  }
0x6a: {  	_ =	shalt  }
0x6b: {  	_ =	shalt  }
0x6c: {  	_ =	shalt  }
0x6d: {  	_ =	shalt  }
0x6e: {  	_ =	shalt  }
0x6f: {  	_ =	shalt  }
0x70: {  	_ =	shalt  }
0x71: {  	_ =	shalt  }
0x72: {  	_ =	shalt  }
0x73: {  	_ =	shalt  }
0x74: {  	_ =	shalt  }
0x75: {  	_ =	shalt  }
0x76: {  	_ =	shalt  }
0x77: {  	_ =	shalt  }
0x78: {  	_ =	shalt  }
0x79: {  	_ =	shalt  }
0x7a: {  	_ =	shalt  }
0x7b: {  	_ =	shalt  }
0x7c: {  	_ =	shalt  }
0x7d: {  	_ =	shalt  }
0x7e: {  	_ =	shalt  }
0x7f: {  	_ =	shalt  }
0x80: {  	_ =	shalt  }
0x81: {  	_ =	shalt  }
0x82: {  	_ =	shalt  }
0x83: {  	_ =	shalt  }
0x84: {  	_ =	shalt  }
0x85: {  	_ =	shalt  }
0x86: {  	_ =	shalt  }
0x87: {  	_ =	shalt  }
.Lfunc_end0:
.L_simem_size_0:
called_computation.3_lowered:
.L_overlay_start_0:
0x88: {  	s2 =	sld [smem:$0x3FD9]  }
0x89: {  	s3 =	sld [smem:$0x3FFE];
	_ =	sdelay $0x1  }
0x8a: {  	s1 =	srdreg.scid  }
0x8b: {  	s0 =	sand.u32 $0x1, s1  }
0x8c: {  	s17 =	sshll.u32 s0, $0xA;
	s2 =	sadd.s32 s3, s2  }
0x8d: {  	s2 =	sadd.s32 s2, s17  }
0x8e: {  	[smem:$0x3FAB] =	sst s2  }
0x8f: {  	_ = 	snop  }
0x90: {  	(tm) =	ssettm $0x1  }
0x91: {  	s18 =	sld [smem:$0x3FFB];
	_ =	sdelay $0x3  }
0x92: {  	_ =	strace s18  }
0x93: {  	s2 =	sld [smem:$0x3FFC];
	_ =	sdelay $0x3  }
0x94: {  	_ =	strace s2  }
0x95: {  	s2 =	sld [smem:$0x3FFD];
	_ =	sdelay $0x3  }
0x96: {  	_ =	strace s2  }
0x97: {  	_ =	strace $0x8FFFFFFF  }
0x98: {  	s19 =	sld [smem:$0x3FDB];
	_ =	sdelay $0x1  }
0x99: {  	s20 =	simm.s32 $_scs_section_size  }
0x9a: {  	s4 =	simm.s32 $_size__tile_overlayer_lowered;
	s5 =	simm.s32 $_tile_overlayer_lowered  }
0x9b: {  	s6 =	simm.s32 $0x1BFF;
	s21 =	sshll.u32 s5, $0x1;
	s3 =	sadd.s32 s20, s19  }
0x9c: {  	s22 =	simm.s32 $0x0;
	s4 =	sshll.u32 s4, $0x1;
	s5 =	sadd.s32 s21, s3  }
0x9d: {  	[timem:s22], [sflag:s6] =	dma.local [hbm:s5], s4  }
0x9e: {  	_ =	swait.ge [sflag:s6], s4  }
0x9f: {  	s4 =	ssub.s32 $0x0, s4;
	[sflag:s6] =	ssyncset.done $0x0  }
0xa0: {  	[sflag:s6] =	ssyncadd.s32 s4;
	_ =	sdelay $0x1  }
0xa1: {  	s23 =	simm.s32 $0x1B8B  }
0xa2: {  	_ =	swait.ge [sflag:s23], $0x1  }
0xa3: {  	[sflag:s23] =	ssyncset.done $0x0  }
0xa4: {  	[sflag:s23] =	ssyncadd.s32 $0xFFFFFFFF  }
0xa5: {  	s4 =	sld [smem:$0x0]  }
0xa6: {  	s5 =	sand.u32 $0xFFFFFFFE, s1  }
0xa7: {  	p0 =	sne.s32 s1, s5  }
0xa8: {  	s5 =	sshll.u32 @p0 s5, $0xE  }
0xa9: {  	s5 =	sadd.s32 @p0 $0x11B8D, s5;
	s6 =	sshll.u32 @p0 s4, $0x11  }
0xaa: {  	s5 =	sor.u32 @p0 s6, s5  }
0xab: {  	[sflag:s5] =	ssyncadd.remote.s32 @p0 $0x1;
	_ =	sdelay $0x1  }
0xac: {  	s5 =	simm.s32 @p0 $0x1B8D  }
0xad: {  	_ =	swait.eq @p0 [sflag:s5], $0x1  }
0xae: {  	[sflag:s5] =	ssyncadd.s32 @p0 $0xFFFFFFFF  }
0xaf: {  	s6 =	sshll.u32 @!p0 s1, $0xE  }
0xb0: {  	s6 =	sor.u32 @!p0 $0x4000, s6;
	s5 =	simm.s32 @!p0 $0x1B8D  }
0xb1: {  	s4 =	sshll.u32 @!p0 s4, $0x11;
	s6 =	sadd.s32 @!p0 $0x11B8D, s6;
	_ =	swait.eq @!p0 [sflag:s5], $0x1  }
0xb2: {  	s4 =	sor.u32 @!p0 s4, s6;
	[sflag:s5] =	ssyncadd.s32 @!p0 $0xFFFFFFFF  }
0xb3: {  	s25 =	simm.s32 $0x1B8E;
	s24 =	sld [smem:$0x3FFE];
	[sflag:s4] =	ssyncadd.remote.s32 @!p0 $0x1  }
0xb4: {  	s26 =	simm.s32 $execute0_lowered;
	[smem:$0x3FD2] =	sst s25  }
0xb5: {  	s5 =	sshll.u32 s26, $0x1;
	_ =	strace $0x80000052;
	[dreg:$0x1] =	wrdreg $0xFFFFFFFF  }
0xb6: {  	s28 =	simm.s32 $_size_execute0_lowered;
	s3 =	sadd.s32 s3, s5;
	[dreg:$0x0] =	wrdreg $0x0  }
0xb7: {  	s5 =	sshll.u32 s28, $0x1;
	[dreg:$0x2] =	wrdreg s3  }
0xb8: {  	[dreg:$0x3] =	wrdreg s5  }
0xb9: {  	[dreg:$0x4] =	wrdreg $0xC0  }
0xba: {  	_ =	task [dreg:s22], $0x5FFFF  }
0xbb: {  	[dreg:$0x1] =	wrdreg $0xFFFFFFFF  }
0xbc: {  	[dreg:$0x0] =	wrdreg $0x60  }
0xbd: {  	[dreg:$0x2] =	wrdreg s24  }
0xbe: {  	[dreg:$0x3] =	wrdreg $0xD0000  }
0xbf: {  	[dreg:$0x4] =	wrdreg $0x9  }
0xc0: {  	_ =	task.clear_ibuf [dreg:s22], $0x5FFFF;
	_ =	strace $0x90000052  }
0xc1: {  	s29 =	simm.s32 $0x9;
	_ =	strace $0x80000054  }
0xc2: {  	_ =	swait.ge [sflag:s29], $0x1  }
0xc3: {  	[sflag:s29] =	ssyncadd.s32 $0xFFFFFFFF  }
0xc4: {  	_ =	strace $0x90000054  }
0xc5: {  	_ =	sfence  }
0xc6: {  	s30 =	sld [smem:$0x0];
	_ =	sdelay $0x2  }
0xc7: {  	s31 =	sshll.u32 s1, $0xD;
	s1 =	sshrl.u32 s1, $0x2  }
0xc8: {  	s4 =	sand.u32 $0x4000, s31;
	s1 =	sadd.s32 s1, s30  }
0xc9: {  	s0 =	sor.u32 s4, s0;
	s1 =	sshll.u32 s1, $0x11  }
0xca: {  	s0 =	sor.u32 s1, s0  }
0xcb: {  	s0 =	sadd.s32 $0x8F2B, s0  }
0xcc: {  	[sflag:s0] =	ssyncadd.remote.s32 $0x1  }
0xcd: {  	_ =	sfence.sel $0xFFFF  }
0xce: {  	[dreg:$0x0] =	wrdreg $0xFFFFFFFF;
	(pc) =	sbr.abs _section_cstart, $3  }
0xcf: {  	[dreg:$0x1] =	wrdreg $0xFFFFFFFF  }
0xd0: {  	_ =	task.clear_ibuf [dreg:s22], $0x2FFFF;
	_ =	strace $0x9FFFFFFF  }
0xd1: {  	(tm) =	ssettm $0x7FFFFFFF  }
tec
execute0_lowered:
.L_overlay_start_1:
0x0: {  	(tag) =	ssettag $0x1  }
0x1: {  	s1 =	srdreg.scid  }
0x2: {  	s0 =	stileid.u32;
	s6 =	rddreg [dreg:$0x0]  }
0x3: {  	s2 =	rddreg [dreg:$0x1];
	s3 =	simm.s32 $0x0;
	s14 =	simm.s32 $0x80  }
0x4: {  	s15 =	simm.s32 $0xC400;
	s16 =	simm.s32 $0x1;
	s17 =	simm.s32 $0x0  }
0x5: {  	s5 =	sand.u32 $0x1, s1;
	s28 =	sshll.u32 s0, $0x1;
	s8 =	smul.u32 $0x12600, s0  }
0x6: {  	[smem:$0x7FF] =	sst s3;
	s4 =	sadd.s32 $0x518000, s6;
	s31 =	sshll.u32 s0, $0x6  }
0x7: {  	s1 =	sor.u32 s5, s28;
	s9 =	smul.u32 $0x126000, s5;
	s5 =	ssub.s32 $0x2, s5  }
0x8: {  	s7 =	smul.u32 $0xC40, s1;
	s1 =	rddreg [dreg:$0x2];
	_ =	strace $0x80000053  }
0x9: {  	s30 =	sshrl.u32 s8, $0x3;
	s11 =	sshrl.u32 s5, $0x1;
	s13 =	sadd.s32 s8, s2  }
0xa: {  	s29 =	sadd.s32 s8, s9;
	s9 =	sadd.s32 s30, s6;
	s11 =	ssub.s32 s5, s11  }
0xb: {  	s10 =	sadd.s32 s7, s6;
	s7 =	sshrl.u32 s29, $0x3;
	s5 =	sadd.s32 $0x11F400, s9  }
0xc: {  	s12 =	sadd.s32 s7, s6;
	s6 =	sor.u32 $0x1C02, s31;
	s7 =	sadd.s32 $0x5600, s10  }
0xd: {  	s8 =	sadd.s32 $0x1DE00, s10;
	s10 =	smax.u32 s11, $0x1;
	s11 =	sshrl.u32 s13, $0x3  }
0xe: {  	s13 =	simm.s32 $0x6200;
	s9 =	sadd.s32 $0x53CC00, s12;
	s12 =	simm.s32 $0x2  }
.LBB2_1:
0xf: {  	[spmem:s11], [sflag:s6] =	dma.local [hbm:s5], $0x24C0  }
0x10: {  	_ =	swait.ge [sflag:s12], $0x24C0  }
0x11: {  	[sflag:s12] =	ssyncset.done $0x0  }
0x12: {  	[sflag:s12] =	ssyncadd.s32 $0xFFFFDB40  }
0x13: {  	[tilespmem:s3], [sflag:$0x2] =	stream.linear.gather [hbm4b:s7+s3], $0x6200, $0x38;
	[tilespmem:$0x1AC80] =	vst v63  }
0x14: {  	_ =	swait.ge [sflag:s12], $0x6200  }
0x15: {  	[sflag:s12] =	ssyncset.done $0x0  }
0x16: {  	[sflag:s12] =	ssyncadd.s32 $0xFFFF9E00  }
0x17: {  	[tilespmem:s13], [sflag:$0x2] =	stream.linear.gather [hbm4b:s8+s3], $0x6200, $0x38;
	[tilespmem:$0x1AC80] =	vst v63  }
0x18: {  	_ =	swait.ge [sflag:s12], $0x6200  }
0x19: {  	[sflag:s12] =	ssyncset.done $0x0  }
0x1a: {  	[sflag:s12] =	ssyncadd.s32 $0xFFFF9E00  }
0x1b: {  	s18 =	simm.s32 $0x0;
	[bflag:$0x0] =	sbarrier.arrive $0xFFFF  }
0x1c: {  	[tilespmem:s15], [sflag:$0x1] =	stream.indirect.gather [hbm4b:s4+s14], $0x12, s18, s14, $0xb8;
	[tilespmem:$0x1AC80] =	vst v63  }
0x1d: {  	_ =	swait.ge [sflag:s16], $0x900  }
0x1e: {  	[sflag:s16] =	ssyncset.done $0x0  }
0x1f: {  	s31 =	simm.s32 $0x6200;
	[sflag:s16] =	ssyncadd.s32 $0xFFFFF700  }
0x20: {  	[spmem:s2] =	stream.indirect.scatter.add.f32 [tilespmem:s15], [sflag:$0x2], $0x12, s31, s14, $0xb8;
	[tilespmem:$0x1AC80] =	vst v63  }
0x21: {  	_ =	swait.ge [sflag:s12], $0x900  }
0x22: {  	s19 =	simm.s32 $0x400;
	s18 =	simm.s32 $0x200;
	[sflag:s12] =	ssyncset.done $0x0  }
.LBB2_2:
0x23: {  	s20 =	sshra.s32 s18, $0x2  }
0x24: {  	[sflag:s12] =	ssyncadd.s32 $0xFFFFF700;
	s18 =	smov.u32 s19;
	s21 =	sadd.s32 $0x200, s19  }
0x25: {  	[tilespmem:s15], [sflag:$0x1] =	stream.indirect.gather [hbm4b:s4+s14], $0x12, s20, s14, $0xb8;
	[tilespmem:$0x1AC80] =	vst v63  }
0x26: {  	p0 =	sne.s32 s19, $0x18600;
	_ =	swait.ge [sflag:s16], $0x900  }
.Ltmp0:
0x27: {  	[sflag:s16] =	ssyncset.done $0x0;
	(pc) =	sbr.rel @p0 .LBB2_2-.Ltmp0, $4  }
0x28: {  	s19 =	sadd.s32 $0x6200, s20;
	[sflag:s16] =	ssyncadd.s32 $0xFFFFF700  }
0x29: {  	[spmem:s2] =	stream.indirect.scatter.add.f32 [tilespmem:s15], [sflag:$0x2], $0x12, s19, s14, $0xb8;
	[tilespmem:$0x1AC80] =	vst v63  }
0x2a: {  	_ =	swait.ge [sflag:s12], $0x900  }
0x2b: {  	s19 =	smov.u32 s21;
	[sflag:s12] =	ssyncset.done $0x0  }
0x2c: {  	s18 =	sshra.s32 s18, $0x2;
	[sflag:s12] =	ssyncadd.s32 $0xFFFFF700  }
0x2d: {  	[tilespmem:s15], [sflag:$0x1] =	stream.indirect.gather [hbm4b:s4+s14], $0x12, s18, s14, $0xb8;
	[tilespmem:$0x1AC80] =	vst v63  }
0x2e: {  	_ =	swait.ge [sflag:s16], $0x900  }
0x2f: {  	[sflag:s16] =	ssyncset.done $0x0  }
0x30: {  	s18 =	sadd.s32 $0x6200, s18;
	[sflag:s16] =	ssyncadd.s32 $0xFFFFF700  }
0x31: {  	[spmem:s2] =	stream.indirect.scatter.add.f32 [tilespmem:s15], [sflag:$0x2], $0x12, s18, s14, $0xb8;
	[tilespmem:$0x1AC80] =	vst v63  }
0x32: {  	_ =	swait.ge [sflag:s12], $0x900  }
0x33: {  	s17 =	sadd.s32 $0x1, s17;
	[sflag:s12] =	ssyncset.done $0x0  }
0x34: {  	p0 =	sne.s32 s17, s10;
	[sflag:s12] =	ssyncadd.s32 $0xFFFFF700  }
.Ltmp1:
0x35: {  	[bflag:$0x0] =	sbarrier.arrive $0xFFFF;
	(pc) =	sbr.rel @p0 .LBB2_1-.Ltmp1, $4  }
0x36: {  	[hbm:s9], [sflag:s6] =	dma.local [spmem:s11], $0x24C0  }
0x37: {  	_ =	swait.ge [sflag:s12], $0x24C0  }
0x38: {  	[sflag:s12] =	ssyncset.done $0x0  }
0x39: {  	[sflag:s12] =	ssyncadd.s32 $0xFFFFDB40  }
0x3a: {  	_ =	sfence.sel $0x180000  }
0x3b: {  	[bflag:$0x0] =	sbarrier.arrive $0xFFFF  }
0x3c: {  	p0 =	sne.s32 s0, $0x0;
	_ =	strace $0x90000053  }
0x3d: {  	s0 =	sadd.s32 @!p0 $0x100000, s1;
	[bflag:$0x2] =	sbarrier.arrive $0xFFFF  }
0x3e: {  	[sflag:s0] =	ssyncadd.tile.s32 @!p0 $0x1;
	_ =	shalt  }
.Lfunc_end2:
_tile_overlayer_lowered:
.L_overlay_start_2:
0x3f: {  	(tag) =	ssettag $0x2  }
0x40: {  	s0 =	rddreg [dreg:$0x0];
	s2 =	stileid.u32  }
0x41: {  	s1 =	rddreg [dreg:$0x1];
	p0 =	sne.s32 s2, $0x0  }
0x42: {  	s3 =	rddreg [dreg:$0x2];
	[bflag:$0x3] =	sbarrier.arrive $0xFFFF;
	s2 =	simm.s32 @!p0 $0x1C02  }
0x43: {  	[timem:s3], [sflag:s2] =	dma.local @!p0 [hbm:s0], s1  }
0x44: {  	s0 =	simm.s32 @!p0 $0x2  }
0x45: {  	_ =	swait.ge @!p0 [sflag:s0], s1  }
0x46: {  	s1 =	ssub.s32 @!p0 $0x0, s1;
	[sflag:s0] =	ssyncset.done @!p0 $0x0  }
0x47: {  	[sflag:s0] =	ssyncadd.s32 @!p0 s1  }
0x48: {  	[bflag:$0x3] =	sbarrier.arrive $0xFFFF  }
0x49: {  	_ =	shalt  }

// kernel: kernel.24.cloned.1.call-start
scs
__scs_entry_jumppad:
0x0: {  	(pc) =	sbr.rel $0x88, $3  }
0x1: {  	(tag) =	ssettag $0x0;
	lr =	simm.s32 $0x1  }
0x2: {  	[smem:$0x3F84] =	sst lr;
	_ =	strace $0xD0000000  }
0x3: {  	_ = 	snop  }
0x4: {  	_ = 	snop  }
0x5: {  	_ = 	snop  }
0x6: {  	_ = 	snop  }
0x7: {  	_ = 	snop  }
__scs_overlays_trampoline_lowered:
0x8: {  	[smem:$0x3F93] =	sst s0  }
0x9: {  	[smem:$0x3F94] =	sst s1  }
0xa: {  	[smem:$0x3F95] =	sst s2  }
0xb: {  	[smem:$0x3F96] =	sst s3  }
0xc: {  	[smem:$0x3F97] =	sst s4  }
0xd: {  	[smem:$0x3F98] =	sst s5  }
0xe: {  	[smem:$0x3F99] =	sst s6  }
0xf: {  	[smem:$0x3F9A] =	sst s7  }
0x10: {  	[smem:$0x3F9B] =	sst s8  }
0x11: {  	[smem:$0x3F9C] =	sst s9;
	s0 =	simm.s32 @!p0 $0x0  }
0x12: {  	s1 =	sld [smem:$0x3F82];
	s0 =	simm.s32 @p0 $0x1  }
0x13: {  	[smem:$0x3F9D] =	sst s0;
	s0 =	simm.s32 @!p1 $0x0  }
0x14: {  	s2 =	sld [smem:$0x3F81];
	s0 =	simm.s32 @p1 $0x1  }
0x15: {  	[smem:$0x3F9E] =	sst s0;
	s0 =	simm.s32 @!p2 $0x0  }
0x16: {  	s3 =	sld [smem:$0x3FDB];
	s0 =	simm.s32 @p2 $0x1  }
0x17: {  	s4 =	simm.s32 $0x1BF5;
	[smem:$0x3FA0] =	sst s0  }
0x18: {  	s0 =	sld [smem:$0x3F83];
	_ =	swait.ge [sflag:s4], $0x0  }
0x19: {  	s7 =	sld [smem:$0x3F84]  }
0x1a: {  	s8 =	sadd.s32 $0xFFFFE003, lr  }
0x1b: {  	s9 =	sadd.s32 $0xFFFFFEF7, lr;
	s5 =	simm.s32 $0xFFFFFFFF;
	p2 =	slt.u32 s8, $0xFFFFF086  }
0x1c: {  	p1 =	slt.u32 s9, $0xF7A;
	s5 =	simm.s32 @!p2 $0x0  }
0x1d: {  	s5 =	simm.s32 @p1 $0x1;
	p0 =	seq.s32 s7, s2  }
0x1e: {  	s7 =	smul.u32 @!p0 $0xF7A, s2;
	p2 =	seq.s32 @!p0 s5, $0x0  }
0x1f: {  	s9 =	smul.u32 $0xF7A, s1;
	s8 =	simm.s32 @!p0 $0x1BF5;
	p2 =	por !p2, p0  }
0x20: {  	[sflag:s8] =	ssyncset.s32 @!p0 $0xFFFFF086;
	s6 =	sadd.s32 @!p0 s3, s7;
	s7 =	simm.s32 @!p0 $0x108  }
0x21: {  	s3 =	sadd.s32 s3, s9;
	s6 =	sadd.s32 @!p0 $0x88, s6;
	s7 =	simm.s32 @p2 $0x1082  }
0x22: {  	[simem:s7], [sflag:s8] =	dma.local @!p0 [hbm:s6], $0xF7A  }
0x23: {  	s9 =	sor.u32 $0xD0000000, s2;
	s6 =	simm.s32 $0x108;
	_ =	swait.ge @!p0 [sflag:s8], $0x0  }
0x24: {  	s3 =	sadd.s32 $0x88, s3;
	s6 =	simm.s32 @!p1 $0x1082;
	[sflag:s4] =	ssyncset.s32 $0xFFFFF086  }
0x25: {  	[simem:s6], [sflag:s4] =	dma.local [hbm:s3], $0xF7A  }
0x26: {  	[smem:$0x3F84] =	sst s1;
	(tag) =	ssettag s2;
	_ =	strace s9  }
0x27: {  	s1 =	sld [smem:$0x3F94]  }
0x28: {  	s2 =	sld [smem:$0x3F95]  }
0x29: {  	s4 =	sld [smem:$0x3F97]  }
0x2a: {  	p0 =	seq.s32 s5, $0x0;
	s5 =	sld [smem:$0x3F98]  }
0x2b: {  	s6 =	sld [smem:$0x3F99]  }
0x2c: {  	s7 =	sld [smem:$0x3F9A]  }
0x2d: {  	s3 =	simm.s32 $0x108;
	s8 =	sld [smem:$0x3F9B]  }
0x2e: {  	s3 =	simm.s32 @!p0 $0x1082;
	s9 =	sld [smem:$0x3F9C]  }
0x2f: {  	lr =	sadd.s32 s0, s3;
	s0 =	sld [smem:$0x3F93]  }
0x30: {  	s3 =	sld [smem:$0x3F96]  }
0x31: {  	[smem:$0x3F9F] =	sst s10  }
0x32: {  	s10 =	sld [smem:$0x3F9D];
	_ =	sdelay $0x3  }
0x33: {  	p0 =	seq.s32 s10, $0x1;
	s10 =	sld [smem:$0x3F9F];
	_ =	sdelay $0x3  }
0x34: {  	[smem:$0x3F9F] =	sst s10  }
0x35: {  	s10 =	sld [smem:$0x3F9E];
	_ =	sdelay $0x3  }
0x36: {  	p1 =	seq.s32 s10, $0x1;
	s10 =	sld [smem:$0x3F9F];
	_ =	sdelay $0x3  }
0x37: {  	[smem:$0x3F9F] =	sst s10  }
0x38: {  	s10 =	sld [smem:$0x3FA0]  }
0x39: {  	_ = 	snop;
	(pc) =	sbr.ind lr, $3  }
0x3a: {  	_ = 	snop  }
0x3b: {  	_ = 	snop  }
0x3c: {  	p2 =	seq.s32 s10, $0x1;
	s10 =	sld [smem:$0x3F9F]  }
0x3d: {  	_ =	shalt  }
0x3e: {  	_ =	shalt  }
0x3f: {  	_ =	shalt  }
0x40: {  	_ =	shalt  }
0x41: {  	_ =	shalt  }
0x42: {  	_ =	shalt  }
0x43: {  	_ =	shalt  }
0x44: {  	_ =	shalt  }
0x45: {  	_ =	shalt  }
0x46: {  	_ =	shalt  }
0x47: {  	_ =	shalt  }
0x48: {  	_ =	shalt  }
0x49: {  	_ =	shalt  }
0x4a: {  	_ =	shalt  }
0x4b: {  	_ =	shalt  }
0x4c: {  	_ =	shalt  }
0x4d: {  	_ =	shalt  }
0x4e: {  	_ =	shalt  }
0x4f: {  	_ =	shalt  }
0x50: {  	_ =	shalt  }
0x51: {  	_ =	shalt  }
0x52: {  	_ =	shalt  }
0x53: {  	_ =	shalt  }
0x54: {  	_ =	shalt  }
0x55: {  	_ =	shalt  }
0x56: {  	_ =	shalt  }
0x57: {  	_ =	shalt  }
0x58: {  	_ =	shalt  }
0x59: {  	_ =	shalt  }
0x5a: {  	_ =	shalt  }
0x5b: {  	_ =	shalt  }
0x5c: {  	_ =	shalt  }
0x5d: {  	_ =	shalt  }
0x5e: {  	_ =	shalt  }
0x5f: {  	_ =	shalt  }
0x60: {  	_ =	shalt  }
0x61: {  	_ =	shalt  }
0x62: {  	_ =	shalt  }
0x63: {  	_ =	shalt  }
0x64: {  	_ =	shalt  }
0x65: {  	_ =	shalt  }
0x66: {  	_ =	shalt  }
0x67: {  	_ =	shalt  }
0x68: {  	_ =	shalt  }
0x69: {  	_ =	shalt  }
0x6a: {  	_ =	shalt  }
0x6b: {  	_ =	shalt  }
0x6c: {  	_ =	shalt  }
0x6d: {  	_ =	shalt  }
0x6e: {  	_ =	shalt  }
0x6f: {  	_ =	shalt  }
0x70: {  	_ =	shalt  }
0x71: {  	_ =	shalt  }
0x72: {  	_ =	shalt  }
0x73: {  	_ =	shalt  }
0x74: {  	_ =	shalt  }
0x75: {  	_ =	shalt  }
0x76: {  	_ =	shalt  }
0x77: {  	_ =	shalt  }
0x78: {  	_ =	shalt  }
0x79: {  	_ =	shalt  }
0x7a: {  	_ =	shalt  }
0x7b: {  	_ =	shalt  }
0x7c: {  	_ =	shalt  }
0x7d: {  	_ =	shalt  }
0x7e: {  	_ =	shalt  }
0x7f: {  	_ =	shalt  }
0x80: {  	_ =	shalt  }
0x81: {  	_ =	shalt  }
0x82: {  	_ =	shalt  }
0x83: {  	_ =	shalt  }
0x84: {  	_ =	shalt  }
0x85: {  	_ =	shalt  }
0x86: {  	_ =	shalt  }
0x87: {  	_ =	shalt  }
.Lfunc_end0:
.L_simem_size_0:
called_computation.4_lowered:
.L_overlay_start_0:
0x88: {  	s2 =	sld [smem:$0x3FD9]  }
0x89: {  	s3 =	sld [smem:$0x3FFE];
	_ =	sdelay $0x1  }
0x8a: {  	s1 =	srdreg.scid  }
0x8b: {  	s0 =	sand.u32 $0x1, s1  }
0x8c: {  	s16 =	sshll.u32 s0, $0xA;
	s2 =	sadd.s32 s3, s2  }
0x8d: {  	s2 =	sadd.s32 s2, s16  }
0x8e: {  	[smem:$0x3FAB] =	sst s2  }
0x8f: {  	_ = 	snop  }
0x90: {  	(tm) =	ssettm $0x1  }
0x91: {  	s17 =	sld [smem:$0x3FFB];
	_ =	sdelay $0x3  }
0x92: {  	_ =	strace s17  }
0x93: {  	s2 =	sld [smem:$0x3FFC];
	_ =	sdelay $0x3  }
0x94: {  	_ =	strace s2  }
0x95: {  	s2 =	sld [smem:$0x3FFD];
	_ =	sdelay $0x3  }
0x96: {  	_ =	strace s2  }
0x97: {  	_ =	strace $0x8FFFFFFF  }
0x98: {  	s18 =	sld [smem:$0x3FDB];
	_ =	sdelay $0x1  }
0x99: {  	s19 =	simm.s32 $_scs_section_size  }
0x9a: {  	s4 =	simm.s32 $_size__tile_overlayer_lowered;
	s5 =	simm.s32 $_tile_overlayer_lowered  }
0x9b: {  	s22 =	simm.s32 $0x1BFF;
	s21 =	sshll.u32 s5, $0x1;
	s2 =	sadd.s32 s19, s18  }
0x9c: {  	s6 =	simm.s32 $0x0;
	s20 =	sshll.u32 s4, $0x1;
	s4 =	sadd.s32 s21, s2  }
0x9d: {  	[timem:s6], [sflag:s22] =	dma.local [hbm:s4], s20  }
0x9e: {  	_ =	swait.ge [sflag:s22], s20  }
0x9f: {  	s3 =	ssub.s32 $0x0, s20;
	[sflag:s22] =	ssyncset.done $0x0  }
0xa0: {  	[sflag:s22] =	ssyncadd.s32 s3;
	_ =	sdelay $0x1  }
0xa1: {  	s23 =	simm.s32 $0x1B8B  }
0xa2: {  	_ =	swait.ge [sflag:s23], $0x1  }
0xa3: {  	[sflag:s23] =	ssyncset.done $0x0  }
0xa4: {  	s25 =	simm.s32 $0x1B8E;
	s24 =	sld [smem:$0x3FFE];
	[sflag:s23] =	ssyncadd.s32 $0xFFFFFFFF  }
0xa5: {  	s26 =	simm.s32 $execute0_lowered;
	[smem:$0x3FD2] =	sst s25  }
0xa6: {  	s4 =	sshll.u32 s26, $0x1;
	_ =	strace $0x8000004F;
	[dreg:$0x1] =	wrdreg $0xFFFFFFFF  }
0xa7: {  	s28 =	simm.s32 $_size_execute0_lowered;
	s2 =	sadd.s32 s2, s4;
	[dreg:$0x0] =	wrdreg $0x0  }
0xa8: {  	s4 =	sshll.u32 s28, $0x1;
	[dreg:$0x2] =	wrdreg s2  }
0xa9: {  	[dreg:$0x3] =	wrdreg s4  }
0xaa: {  	[dreg:$0x4] =	wrdreg $0xC0  }
0xab: {  	_ =	task [dreg:s6], $0x5FFFF  }
0xac: {  	[dreg:$0x1] =	wrdreg $0xFFFFFFFF  }
0xad: {  	[dreg:$0x0] =	wrdreg $0x60  }
0xae: {  	[dreg:$0x2] =	wrdreg s24  }
0xaf: {  	[dreg:$0x3] =	wrdreg $0xD0000  }
0xb0: {  	[dreg:$0x4] =	wrdreg $0xA  }
0xb1: {  	_ =	task.clear_ibuf [dreg:s6], $0x5FFFF;
	_ =	strace $0x9000004F  }
0xb2: {  	s29 =	simm.s32 $0xA;
	_ =	strace $0x80000051  }
0xb3: {  	_ =	swait.ge [sflag:s29], $0x1  }
0xb4: {  	[sflag:s29] =	ssyncadd.s32 $0xFFFFFFFF  }
0xb5: {  	_ =	strace $0x90000051  }
0xb6: {  	_ =	sfence  }
0xb7: {  	s30 =	sld [smem:$0x0];
	_ =	sdelay $0x2  }
0xb8: {  	s31 =	sshll.u32 s1, $0xD;
	s1 =	sshrl.u32 s1, $0x2  }
0xb9: {  	s3 =	sand.u32 $0x4000, s31;
	s1 =	sadd.s32 s1, s30  }
0xba: {  	s0 =	sor.u32 s3, s0;
	s1 =	sshll.u32 s1, $0x11  }
0xbb: {  	s0 =	sor.u32 s1, s0  }
0xbc: {  	s0 =	sadd.s32 $0x8F2B, s0  }
0xbd: {  	[sflag:s0] =	ssyncadd.remote.s32 $0x1  }
0xbe: {  	_ =	sfence.sel $0xFFFF  }
0xbf: {  	[dreg:$0x0] =	wrdreg $0xFFFFFFFF;
	(pc) =	sbr.abs _section_cstart, $3  }
0xc0: {  	[dreg:$0x1] =	wrdreg $0xFFFFFFFF  }
0xc1: {  	_ =	task.clear_ibuf [dreg:s6], $0x2FFFF;
	_ =	strace $0x9FFFFFFF  }
0xc2: {  	(tm) =	ssettm $0x7FFFFFFF  }
0xc3: {  	_ =	shalt  }
tec
execute0_lowered:
.L_overlay_start_1:
0x0: {  	(tag) =	ssettag $0x1  }
0x1: {  	s1 =	srdreg.scid  }
0x2: {  	s0 =	stileid.u32;
	s6 =	rddreg [dreg:$0x0]  }
0x3: {  	s2 =	rddreg [dreg:$0x1];
	s3 =	simm.s32 $0x0;
	s14 =	simm.s32 $0x80  }
0x4: {  	s15 =	simm.s32 $0xC400;
	s16 =	simm.s32 $0x1;
	s17 =	simm.s32 $0x0  }
0x5: {  	s5 =	sand.u32 $0x1, s1;
	s28 =	sshll.u32 s0, $0x1;
	s8 =	smul.u32 $0x12600, s0  }
0x6: {  	[smem:$0x7FF] =	sst s3;
	s4 =	sadd.s32 $0x3D9800, s6;
	s31 =	sshll.u32 s0, $0x6  }
0x7: {  	s1 =	sor.u32 s5, s28;
	s9 =	smul.u32 $0x126000, s5;
	s5 =	ssub.s32 $0x2, s5  }
0x8: {  	s7 =	smul.u32 $0xC40, s1;
	s1 =	rddreg [dreg:$0x2];
	_ =	strace $0x80000050  }
0x9: {  	s30 =	sshrl.u32 s8, $0x3;
	s11 =	sshrl.u32 s5, $0x1;
	s13 =	sadd.s32 s8, s2  }
0xa: {  	s29 =	sadd.s32 s8, s9;
	s9 =	sadd.s32 s30, s6;
	s11 =	ssub.s32 s5, s11  }
0xb: {  	s10 =	sadd.s32 s7, s6;
	s7 =	sshrl.u32 s29, $0x3;
	s5 =	sadd.s32 $0x11F400, s9  }
0xc: {  	s12 =	sadd.s32 s7, s6;
	s6 =	sor.u32 $0x1C02, s31;
	s7 =	sadd.s32 $0x5600, s10  }
0xd: {  	s8 =	sadd.s32 $0x1DE00, s10;
	s10 =	smax.u32 s11, $0x1;
	s11 =	sshrl.u32 s13, $0x3  }
0xe: {  	s13 =	simm.s32 $0x6200;
	s9 =	sadd.s32 $0x3FE400, s12;
	s12 =	simm.s32 $0x2  }
.LBB2_1:
0xf: {  	[spmem:s11], [sflag:s6] =	dma.local [hbm:s5], $0x24C0  }
0x10: {  	_ =	swait.ge [sflag:s12], $0x24C0  }
0x11: {  	[sflag:s12] =	ssyncset.done $0x0  }
0x12: {  	[sflag:s12] =	ssyncadd.s32 $0xFFFFDB40  }
0x13: {  	[tilespmem:s3], [sflag:$0x2] =	stream.linear.gather [hbm4b:s7+s3], $0x6200, $0x38;
	[tilespmem:$0x1AC80] =	vst v63  }
0x14: {  	_ =	swait.ge [sflag:s12], $0x6200  }
0x15: {  	[sflag:s12] =	ssyncset.done $0x0  }
0x16: {  	[sflag:s12] =	ssyncadd.s32 $0xFFFF9E00  }
0x17: {  	[tilespmem:s13], [sflag:$0x2] =	stream.linear.gather [hbm4b:s8+s3], $0x6200, $0x38;
	[tilespmem:$0x1AC80] =	vst v63  }
0x18: {  	_ =	swait.ge [sflag:s12], $0x6200  }
0x19: {  	[sflag:s12] =	ssyncset.done $0x0  }
0x1a: {  	[sflag:s12] =	ssyncadd.s32 $0xFFFF9E00  }
0x1b: {  	s18 =	simm.s32 $0x0;
	[bflag:$0x0] =	sbarrier.arrive $0xFFFF  }
0x1c: {  	[tilespmem:s15], [sflag:$0x1] =	stream.indirect.gather [hbm4b:s4+s14], $0x12, s18, s14, $0xb8;
	[tilespmem:$0x1AC80] =	vst v63  }
0x1d: {  	_ =	swait.ge [sflag:s16], $0x900  }
0x1e: {  	[sflag:s16] =	ssyncset.done $0x0  }
0x1f: {  	s31 =	simm.s32 $0x6200;
	[sflag:s16] =	ssyncadd.s32 $0xFFFFF700  }
0x20: {  	[spmem:s2] =	stream.indirect.scatter.add.f32 [tilespmem:s15], [sflag:$0x2], $0x12, s31, s14, $0xb8;
	[tilespmem:$0x1AC80] =	vst v63  }
0x21: {  	_ =	swait.ge [sflag:s12], $0x900  }
0x22: {  	s19 =	simm.s32 $0x400;
	s18 =	simm.s32 $0x200;
	[sflag:s12] =	ssyncset.done $0x0  }
.LBB2_2:
0x23: {  	s20 =	sshra.s32 s18, $0x2  }
0x24: {  	[sflag:s12] =	ssyncadd.s32 $0xFFFFF700;
	s18 =	smov.u32 s19;
	s21 =	sadd.s32 $0x200, s19  }
0x25: {  	[tilespmem:s15], [sflag:$0x1] =	stream.indirect.gather [hbm4b:s4+s14], $0x12, s20, s14, $0xb8;
	[tilespmem:$0x1AC80] =	vst v63  }
0x26: {  	p0 =	sne.s32 s19, $0x18600;
	_ =	swait.ge [sflag:s16], $0x900  }
.Ltmp0:
0x27: {  	[sflag:s16] =	ssyncset.done $0x0;
	(pc) =	sbr.rel @p0 .LBB2_2-.Ltmp0, $4  }
0x28: {  	s19 =	sadd.s32 $0x6200, s20;
	[sflag:s16] =	ssyncadd.s32 $0xFFFFF700  }
0x29: {  	[spmem:s2] =	stream.indirect.scatter.add.f32 [tilespmem:s15], [sflag:$0x2], $0x12, s19, s14, $0xb8;
	[tilespmem:$0x1AC80] =	vst v63  }
0x2a: {  	_ =	swait.ge [sflag:s12], $0x900  }
0x2b: {  	s19 =	smov.u32 s21;
	[sflag:s12] =	ssyncset.done $0x0  }
0x2c: {  	s18 =	sshra.s32 s18, $0x2;
	[sflag:s12] =	ssyncadd.s32 $0xFFFFF700  }
0x2d: {  	[tilespmem:s15], [sflag:$0x1] =	stream.indirect.gather [hbm4b:s4+s14], $0x12, s18, s14, $0xb8;
	[tilespmem:$0x1AC80] =	vst v63  }
0x2e: {  	_ =	swait.ge [sflag:s16], $0x900  }
0x2f: {  	[sflag:s16] =	ssyncset.done $0x0  }
0x30: {  	s18 =	sadd.s32 $0x6200, s18;
	[sflag:s16] =	ssyncadd.s32 $0xFFFFF700  }
0x31: {  	[spmem:s2] =	stream.indirect.scatter.add.f32 [tilespmem:s15], [sflag:$0x2], $0x12, s18, s14, $0xb8;
	[tilespmem:$0x1AC80] =	vst v63  }
0x32: {  	_ =	swait.ge [sflag:s12], $0x900  }
0x33: {  	s17 =	sadd.s32 $0x1, s17;
	[sflag:s12] =	ssyncset.done $0x0  }
0x34: {  	p0 =	sne.s32 s17, s10;
	[sflag:s12] =	ssyncadd.s32 $0xFFFFF700  }
.Ltmp1:
0x35: {  	[bflag:$0x0] =	sbarrier.arrive $0xFFFF;
	(pc) =	sbr.rel @p0 .LBB2_1-.Ltmp1, $4  }
0x36: {  	[hbm:s9], [sflag:s6] =	dma.local [spmem:s11], $0x24C0  }
0x37: {  	_ =	swait.ge [sflag:s12], $0x24C0  }
0x38: {  	[sflag:s12] =	ssyncset.done $0x0  }
0x39: {  	[sflag:s12] =	ssyncadd.s32 $0xFFFFDB40  }
0x3a: {  	_ =	sfence.sel $0x180000  }
0x3b: {  	[bflag:$0x0] =	sbarrier.arrive $0xFFFF  }
0x3c: {  	p0 =	sne.s32 s0, $0x0;
	_ =	strace $0x90000050  }
0x3d: {  	s0 =	sadd.s32 @!p0 $0x100000, s1;
	[bflag:$0x2] =	sbarrier.arrive $0xFFFF  }
0x3e: {  	[sflag:s0] =	ssyncadd.tile.s32 @!p0 $0x1;
	_ =	shalt  }
.Lfunc_end2:
_tile_overlayer_lowered:
.L_overlay_start_2:
0x3f: {  	(tag) =	ssettag $0x2  }
0x40: {  	s0 =	rddreg [dreg:$0x0];
	s2 =	stileid.u32  }
0x41: {  	s1 =	rddreg [dreg:$0x1];
	p0 =	sne.s32 s2, $0x0  }
0x42: {  	s3 =	rddreg [dreg:$0x2];
	[bflag:$0x3] =	sbarrier.arrive $0xFFFF;
	s2 =	simm.s32 @!p0 $0x1C02  }
0x43: {  	[timem:s3], [sflag:s2] =	dma.local @!p0 [hbm:s0], s1  }
0x44: {  	s0 =	simm.s32 @!p0 $0x2  }
0x45: {  	_ =	swait.ge @!p0 [sflag:s0], s1  }
0x46: {  	s1 =	ssub.s32 @!p0 $0x0, s1;
	[sflag:s0] =	ssyncset.done @!p0 $0x0  }
0x47: {  	[sflag:s0] =	ssyncadd.s32 @!p0 s1  }
0x48: {  	[bflag:$0x3] =	sbarrier.arrive $0xFFFF  }
0x49: {  	_ =	shalt  }

</sc_bundles>
